<compile_context>
chip_gen: v7x
topology: tpu7x:2x2x1
jax: 0.10.2.dev20260603
libtpu: 0.0.44.dev20260713+nightly
codegen_flags: <defaults>
</compile_context>

<pallas_src>
import functools

import jax
import jax.numpy as jnp
from jax import lax
from jax.experimental import pallas as pl
from jax.experimental.pallas import tpu as pltpu
from jax.experimental.pallas import tpu_sc as plsc

N = 10000
E = 320000
DIM = 128
G = 64

NC = 2
NS = 16

CHUNK = 128
TOTC = E // CHUNK
CPT = 160
CLAST = TOTC - (NS - 1) * CPT
CPAD = NS * CPT
NBUF = 4
NP = 10240
RPT = NP // NS

@functools.lru_cache(maxsize=None)
def _sc_mesh():
    return plsc.VectorSubcoreMesh(
        core_axis_name="c", subcore_axis_name="s",
        num_cores=NC, num_subcores=NS)



def _deg_body(rc_hbm, deg1_hbm, deg2_hbm,
              rb0, rb1, rb2, rb3, ones_v, zb_v, wb_v,
              si0, si1, si2, si3, ss0, ss1, ss2, ss3, deg_sh):
    c = lax.axis_index("c")
    s = lax.axis_index("s")
    rbs = (rb0, rb1, rb2, rb3)
    sis = (si0, si1, si2, si3)
    sss = (ss0, ss1, ss2, ss3)
    for j in range(CHUNK // 16):
        ones_v[pl.ds(j * 16, 16)] = jnp.ones((16,), jnp.float32)

    def _zero(i, carry):
        zb_v[pl.ds(i * 16, 16)] = jnp.zeros((16,), jnp.float32)
        return carry
    lax.fori_loop(0, 2000 // 16, _zero, 0)

    @pl.when(s < 5)
    def _():
        pltpu.sync_copy(zb_v, deg_sh.at[pl.ds(s * 2000, 2000)])
    plsc.subcore_barrier()

    cnt = jnp.where(s < NS - 1, CPT, CLAST)
    start = s * CPT

    for b in range(NBUF):
        pltpu.make_async_copy(rc_hbm.at[c, start + b, 0], rbs[b],
                              sis[b]).start()

    def _blk(j, carry):
        base = start + j * NBUF
        for b in range(NBUF):
            pltpu.make_async_copy(rc_hbm.at[c, base + b, 0], rbs[b],
                                  sis[b]).wait()
            pltpu.make_async_copy(ones_v, deg_sh.at[rbs[b]],
                                  sss[b]).start(add=True)
        for b in range(NBUF):
            k = base + b
            pltpu.make_async_copy(ones_v, deg_sh.at[rbs[b]], sss[b]).wait()

            @pl.when(k + NBUF - start < cnt)
            def _():
                pltpu.make_async_copy(rc_hbm.at[c, k + NBUF, 0], rbs[b],
                                      sis[b]).start()
        return carry
    lax.fori_loop(0, cnt // NBUF, _blk, 0)

    plsc.subcore_barrier()

    @pl.when(s < 10)
    def _():
        pltpu.sync_copy(deg_sh.at[pl.ds(s * 1000, 1000)], wb_v)

        @pl.when(c == 0)
        def _():
            pltpu.sync_copy(wb_v, deg1_hbm.at[pl.ds(s * 1000, 1000)])

        @pl.when(c == 1)
        def _():
            pltpu.sync_copy(wb_v, deg2_hbm.at[pl.ds(s * 1000, 1000)])


def _deg_call(rc_all):
    fn = pl.kernel(
        _deg_body,
        out_type=[jax.ShapeDtypeStruct((N,), jnp.float32),
                  jax.ShapeDtypeStruct((N,), jnp.float32)],
        mesh=_sc_mesh(),
        scratch_types=(
            [pltpu.VMEM((CHUNK,), jnp.int32)] * NBUF
            + [
                pltpu.VMEM((CHUNK,), jnp.float32),
                pltpu.VMEM((2000,), jnp.float32),
                pltpu.VMEM((1000,), jnp.float32),
            ]
            + [pltpu.SemaphoreType.DMA] * (2 * NBUF)
            + [pltpu.VMEM_SHARED((N,), jnp.float32)]
        ),
    )
    return fn(rc_all)



def _spmm_body(y_hbm, rc_hbm, t_hbm,
               rc0, rc1, rc2, rc3, gb0, gb1, rv0, rv1, t_sh,
               si0, si1, si2, si3, sg0, sg1):
    c = lax.axis_index("c")
    s = lax.axis_index("s")
    rcs = (rc0, rc1, rc2, rc3)
    gbs = (gb0, gb1)
    rvs = (rv0, rv1)
    sis = (si0, si1, si2, si3)
    sgs = (sg0, sg1)

    def _zero(i, carry):
        r = i // 8
        j = i - r * 8
        rv0[r, pl.ds(j * 16, 16)] = jnp.zeros((16,), jnp.float32)
        return carry
    lax.fori_loop(0, 128 * 8, _zero, 0)

    def _zcopy(k, carry):
        pltpu.sync_copy(rv0, t_sh.at[pl.ds(s * RPT + k * 128, 128)])
        return carry
    lax.fori_loop(0, RPT // 128, _zcopy, 0)
    plsc.subcore_barrier()

    cnt = jnp.where(s < NS - 1, CPT, CLAST)
    start = s * CPT
    y = y_hbm.at[c]

    for q in range(4):
        pltpu.make_async_copy(rc_hbm.at[c, start + q], rcs[q], sis[q]).start()
    def _stage_gidx(src_rc, b):
        for i in range(CHUNK // 16):
            gbs[b][pl.ds(i * 16, 16)] = src_rc[0, pl.ds(i * 16, 16)]

    for b in range(2):
        pltpu.make_async_copy(rc_hbm.at[c, start + b], rcs[b], sis[b]).wait()
        _stage_gidx(rcs[b], b)
        pltpu.make_async_copy(y.at[gbs[b]], rvs[b], sgs[b]).start()

    def _blk(j, carry):
        base = start + 4 * j
        for q in range(4):
            b = q % 2
            l = 4 * j + q
            pltpu.make_async_copy(y.at[gbs[b]], rvs[b], sgs[b]).wait()
            pltpu.sync_copy(rvs[b], t_sh.at[rcs[q].at[1]], add=True)

            @pl.when(l + 4 < cnt)
            def _():
                pltpu.make_async_copy(rc_hbm.at[c, base + q + 4], rcs[q],
                                      sis[q]).start()

            @pl.when(l + 2 < cnt)
            def _():
                pltpu.make_async_copy(rc_hbm.at[c, base + q + 2],
                                      rcs[(q + 2) % 4], sis[(q + 2) % 4]).wait()
                _stage_gidx(rcs[(q + 2) % 4], b)
                pltpu.make_async_copy(y.at[gbs[b]], rvs[b], sgs[b]).start()
        return carry
    lax.fori_loop(0, cnt // 4, _blk, 0)

    plsc.subcore_barrier()

    pltpu.sync_copy(t_sh.at[pl.ds(s * RPT, RPT)],
                    t_hbm.at[c, pl.ds(s * RPT, RPT)])


def _spmm_call(y_all, rc_all):
    fn = pl.kernel(
        _spmm_body,
        out_type=jax.ShapeDtypeStruct((2, NP, DIM), jnp.float32),
        mesh=_sc_mesh(),
        scratch_types=(
            [pltpu.VMEM((2, CHUNK), jnp.int32)] * 4
            + [pltpu.VMEM((CHUNK,), jnp.int32)] * 2
            + [pltpu.VMEM((CHUNK, DIM), jnp.float32)] * 2
            + [pltpu.VMEM_SHARED((NP, DIM), jnp.float32)]
            + [pltpu.SemaphoreType.DMA] * 6
        ),
    )
    return fn(y_all, rc_all)



BLK = 2000
NB = N // BLK


def _dense_body(x_ref, lw_ref, lb_ref, w0_ref, w1_ref, deg_ref,
                h0_ref, y_ref):
    x = x_ref[0]
    out = jnp.maximum(
        jnp.dot(x, lw_ref[0], preferred_element_type=jnp.float32) + lb_ref[0],
        0.0)
    h0_ref[0] = jnp.dot(out, w0_ref[0], preferred_element_type=jnp.float32)
    deg = deg_ref[0]
    dis = jnp.where(deg > 0, lax.rsqrt(deg), 0.0)
    y_ref[0] = dis * jnp.dot(out, w1_ref[0], preferred_element_type=jnp.float32)


def _dense_call(x, lw, lb, w0, w1, deg):
    return pl.pallas_call(
        _dense_body,
        grid=(2, NB),
        in_specs=[
            pl.BlockSpec((1, BLK, DIM), lambda c, i: (c, i, 0)),
            pl.BlockSpec((1, DIM, DIM), lambda c, i: (c, 0, 0)),
            pl.BlockSpec((1, 1, DIM), lambda c, i: (c, 0, 0)),
            pl.BlockSpec((1, DIM, DIM), lambda c, i: (c, 0, 0)),
            pl.BlockSpec((1, DIM, DIM), lambda c, i: (c, 0, 0)),
            pl.BlockSpec((1, BLK, 1), lambda c, i: (c, i, 0)),
        ],
        out_specs=[
            pl.BlockSpec((1, BLK, DIM), lambda c, i: (c, i, 0)),
            pl.BlockSpec((1, BLK, DIM), lambda c, i: (c, i, 0)),
        ],
        out_shape=[
            jax.ShapeDtypeStruct((2, N, DIM), jnp.float32),
            jax.ShapeDtypeStruct((2, N, DIM), jnp.float32),
        ],
    )(x, lw, lb, w0, w1, deg)



def _final_body(h0_ref, t_ref, deg_ref, cb_ref, oh_ref, fc2w_ref, fc2b_ref,
                out_ref, acc_ref):
    c = pl.program_id(0)
    i = pl.program_id(1)
    deg = deg_ref[0]
    dis = jnp.where(deg > 0, lax.rsqrt(deg), 0.0)
    res = jnp.maximum(h0_ref[0] - dis * t_ref[0] + cb_ref[0], 0.0)
    part = lax.dot_general(oh_ref[0], res, (((0,), (0,)), ((), ())),
                           preferred_element_type=jnp.float32)

    @pl.when(i == 0)
    def _():
        acc_ref[c] = part

    @pl.when(i > 0)
    def _():
        acc_ref[c] = acc_ref[c] + part

    @pl.when((c == 1) & (i == NB - 1))
    def _():
        cat = jnp.concatenate([acc_ref[0], acc_ref[1]], axis=1)
        out_ref[...] = (
            jnp.dot(cat, fc2w_ref[...], preferred_element_type=jnp.float32)
            + fc2b_ref[0, 0])


def _final_call(h0, t, deg, cb, oh, fc2w, fc2b):
    return pl.pallas_call(
        _final_body,
        grid=(2, NB),
        in_specs=[
            pl.BlockSpec((1, BLK, DIM), lambda c, i: (c, i, 0)),
            pl.BlockSpec((1, BLK, DIM), lambda c, i: (c, i, 0)),
            pl.BlockSpec((1, BLK, 1), lambda c, i: (c, i, 0)),
            pl.BlockSpec((1, 1, DIM), lambda c, i: (c, 0, 0)),
            pl.BlockSpec((1, BLK, G), lambda c, i: (c, i, 0)),
            pl.BlockSpec((2 * DIM, 1), lambda c, i: (0, 0)),
            pl.BlockSpec((1, 1), lambda c, i: (0, 0)),
        ],
        out_specs=pl.BlockSpec((G, 1), lambda c, i: (0, 0)),
        out_shape=jax.ShapeDtypeStruct((G, 1), jnp.float32),
        scratch_shapes=[pltpu.VMEM((2, G, DIM), jnp.float32)],
    )(h0, t, deg, cb, oh, fc2w, fc2b)



def kernel(x1, x2, edge_index1, edge_index2, x1_batch, x2_batch,
           lin1_w, lin1_b, cheb1_w0, cheb1_w1, cheb1_b,
           lin2_w, lin2_b, cheb2_w0, cheb2_w1, cheb2_b,
           fc2_w, fc2_b):
    rc_all = jnp.stack([
        edge_index1.reshape(2, TOTC, CHUNK).transpose(1, 0, 2),
        edge_index2.reshape(2, TOTC, CHUNK).transpose(1, 0, 2),
    ])

    deg1, deg2 = _deg_call(rc_all)

    x = jnp.stack([x1, x2])
    lw = jnp.stack([lin1_w, lin2_w])
    lb = jnp.stack([lin1_b, lin2_b]).reshape(2, 1, DIM)
    w0 = jnp.stack([cheb1_w0, cheb2_w0])
    w1 = jnp.stack([cheb1_w1, cheb2_w1])
    deg = jnp.stack([deg1, deg2]).reshape(2, N, 1)

    h0, y = _dense_call(x, lw, lb, w0, w1, deg)

    t = _spmm_call(y, rc_all)

    cb = jnp.stack([cheb1_b, cheb2_b]).reshape(2, 1, DIM)
    gids = jnp.arange(G, dtype=x1_batch.dtype)
    oh = jnp.stack([
        (x1_batch[:, None] == gids[None, :]).astype(jnp.float32),
        (x2_batch[:, None] == gids[None, :]).astype(jnp.float32),
    ])

    pred = _final_call(h0, t, deg, cb, oh, fc2_w, fc2_b.reshape(1, 1))
    return pred.reshape(-1)

# --- scband reference (transcript-rebuilt; emitter-appended) ---
"""Pipeline reference for scband-net-10075993276849 (READ-ONLY COPY).

The authoritative reference and input builder live on the scoring server;
editing this copy changes nothing except your own understanding.
"""

import jax, jax.numpy as jnp
import numpy as np

N = 10000
E = 320000
F_IN = 128
DIM = 128
G = 64


def setup_inputs(seed: int = 0):
    key = jax.random.key(seed)
    ks = jax.random.split(key, 20)
    inp = {}
    inp['x1'] = jax.random.normal(ks[0], (N, F_IN), dtype=jnp.float32)
    inp['x2'] = jax.random.normal(ks[1], (N, F_IN), dtype=jnp.float32)
    inp['edge_index1'] = jax.random.randint(ks[2], (2, E), 0, N)
    inp['edge_index2'] = jax.random.randint(ks[3], (2, E), 0, N)
    inp['x1_batch'] = jnp.sort(jax.random.randint(ks[4], (N,), 0, G))
    inp['x2_batch'] = jnp.sort(jax.random.randint(ks[5], (N,), 0, G))
    s = 1.0 / np.sqrt(F_IN)
    sd = 1.0 / np.sqrt(DIM)
    inp['lin1_w'] = jax.random.uniform(ks[6], (F_IN, DIM), minval=-s, maxval=s, dtype=jnp.float32)
    inp['lin1_b'] = jnp.zeros((DIM,), dtype=jnp.float32)
    inp['cheb1_w0'] = jax.random.uniform(ks[7], (DIM, DIM), minval=-sd, maxval=sd, dtype=jnp.float32)
    inp['cheb1_w1'] = jax.random.uniform(ks[8], (DIM, DIM), minval=-sd, maxval=sd, dtype=jnp.float32)
    inp['cheb1_b'] = jnp.zeros((DIM,), dtype=jnp.float32)
    inp['lin2_w'] = jax.random.uniform(ks[9], (F_IN, DIM), minval=-s, maxval=s, dtype=jnp.float32)
    inp['lin2_b'] = jnp.zeros((DIM,), dtype=jnp.float32)
    inp['cheb2_w0'] = jax.random.uniform(ks[10], (DIM, DIM), minval=-sd, maxval=sd, dtype=jnp.float32)
    inp['cheb2_w1'] = jax.random.uniform(ks[11], (DIM, DIM), minval=-sd, maxval=sd, dtype=jnp.float32)
    inp['cheb2_b'] = jnp.zeros((DIM,), dtype=jnp.float32)
    inp['fc2_w'] = jax.random.uniform(ks[12], (2 * DIM, 1), minval=-sd, maxval=sd, dtype=jnp.float32)
    inp['fc2_b'] = jnp.zeros((1,), dtype=jnp.float32)
    return inp


def cheb_conv(x, edge_index, w0, w1, b):
    # ChebConv K=2, normalization='sym', lambda_max=2.0:
    # L_hat = L - I = -D^{-1/2} A D^{-1/2}; out = x @ W0 + (L_hat x) @ W1 + b
    row = edge_index[0]
    col = edge_index[1]
    ones = jnp.ones(row.shape[0], dtype=x.dtype)
    deg = jax.ops.segment_sum(ones, row, num_segments=N)
    deg_inv_sqrt = jnp.where(deg > 0, deg ** -0.5, 0.0)
    norm = -deg_inv_sqrt[row] * deg_inv_sqrt[col]
    tx1 = jax.ops.segment_sum(norm[:, None] * x[row], col, num_segments=N)
    return x @ w0 + tx1 @ w1 + b


def reference(x1, x2, edge_index1, edge_index2, x1_batch, x2_batch,
              lin1_w, lin1_b, cheb1_w0, cheb1_w1, cheb1_b,
              lin2_w, lin2_b, cheb2_w0, cheb2_w1, cheb2_b,
              fc2_w, fc2_b):
    out1 = jax.nn.relu(x1 @ lin1_w + lin1_b)
    out1 = jax.nn.relu(cheb_conv(out1, edge_index1, cheb1_w0, cheb1_w1, cheb1_b))
    p1 = jax.ops.segment_sum(out1, x1_batch, num_segments=G)
    out2 = jax.nn.relu(x2 @ lin2_w + lin2_b)
    out2 = jax.nn.relu(cheb_conv(out2, edge_index2, cheb2_w0, cheb2_w1, cheb2_b))
    p2 = jax.ops.segment_sum(out2, x2_batch, num_segments=G)
    cat = jnp.concatenate([p1, p2], axis=1)
    pred = (cat @ fc2_w + fc2_b).reshape(-1)
    return pred

if __name__ == "__main__":
    import jax
    _d = setup_inputs()
    print(jax.jit(kernel)(*tuple(_d.values())))

</pallas_src>

<mosaic_0001>
#map = affine_map<(d0, d1) -> (0, 0, 0)>
#map1 = affine_map<(d0, d1) -> (0, 0, 0, 0)>
module attributes {stable_mosaic.version = 14 : i64} {
  func.func @_spmm_body(%arg0: i32, %arg1: i32, %arg2: memref<2x10000x128xf32, #tpu.memory_space<hbm>>, %arg3: memref<2x2500x2x128xi32, #tpu.memory_space<hbm>>, %arg4: memref<2x10240x128xf32, #tpu.memory_space<hbm>>, %arg5: memref<2x128xi32, #tpu.memory_space<vmem>>, %arg6: memref<2x128xi32, #tpu.memory_space<vmem>>, %arg7: memref<2x128xi32, #tpu.memory_space<vmem>>, %arg8: memref<2x128xi32, #tpu.memory_space<vmem>>, %arg9: memref<128xi32, #tpu.memory_space<vmem>>, %arg10: memref<128xi32, #tpu.memory_space<vmem>>, %arg11: memref<128x128xf32, #tpu.memory_space<vmem>>, %arg12: memref<128x128xf32, #tpu.memory_space<vmem>>, %arg13: memref<10240x128xf32, #tpu.memory_space<vmem_shared>>, %arg14: memref<!tpu.dma_semaphore, #tpu.memory_space<semaphore_mem>>, %arg15: memref<!tpu.dma_semaphore, #tpu.memory_space<semaphore_mem>>, %arg16: memref<!tpu.dma_semaphore, #tpu.memory_space<semaphore_mem>>, %arg17: memref<!tpu.dma_semaphore, #tpu.memory_space<semaphore_mem>>, %arg18: memref<!tpu.dma_semaphore, #tpu.memory_space<semaphore_mem>>, %arg19: memref<!tpu.dma_semaphore, #tpu.memory_space<semaphore_mem>>) attributes {dimension_semantics = [#tpu.dimension_semantics<core_parallel>, #tpu.dimension_semantics<subcore_parallel>], iteration_bounds = array<i64: 2, 16>, scalar_prefetch = 0 : i64, scratch_operands = 15 : i64, tpu.core_type = #tpu.core_type<sc_vector_subcore>, window_params = [{transform_indices = #map}, {transform_indices = #map1}, {transform_indices = #map}]} {
    %scan3A = arith.constant 0 : i32
    %scan3A_0 = arith.constant 0 : i32
    %scan3A_1 = arith.constant 1024 : i32
    %scan3A_2 = arith.addi %scan3A_0, %scan3A_1 : i32
    %scan3A_3 = arith.constant 1 : i32
    scf.for %scan3A_259 = %scan3A_0 to %scan3A_2 step %scan3A_3  : i32 {
      %jit3A_260 = arith.constant 8 : i32
      %div3A_261 = arith.divsi %scan3A_259, %jit3A_260 : i32
      %sign3A_262 = arith.constant 0 : i32
      %sign3A_263 = arith.cmpi sgt, %scan3A_259, %sign3A_262 : i32
      %sign3A_264 = arith.extui %sign3A_263 : i1 to i32
      %sign3A_265 = arith.constant 0 : i32
      %sign3A_266 = arith.cmpi slt, %scan3A_259, %sign3A_265 : i32
      %sign3A_267 = arith.extui %sign3A_266 : i1 to i32
      %sign3A_268 = arith.subi %sign3A_264, %sign3A_267 : i32
      %sign3A_269 = arith.constant 0 : i32
      %sign3A_270 = arith.cmpi sgt, %jit3A_260, %sign3A_269 : i32
      %sign3A_271 = arith.extui %sign3A_270 : i1 to i32
      %sign3A_272 = arith.constant 0 : i32
      %sign3A_273 = arith.cmpi slt, %jit3A_260, %sign3A_272 : i32
      %sign3A_274 = arith.extui %sign3A_273 : i1 to i32
      %sign3A_275 = arith.subi %sign3A_271, %sign3A_274 : i32
      %ne3A_276 = arith.cmpi ne, %sign3A_268, %sign3A_275 : i32
      %rem3A_277 = arith.remsi %scan3A_259, %jit3A_260 : i32
      %ne3A_278 = arith.constant 0 : i32
      %ne3A_279 = arith.cmpi ne, %rem3A_277, %ne3A_278 : i32
      %and3A_280 = arith.andi %ne3A_276, %ne3A_279 : i1
      %sub3A_281 = arith.constant 1 : i32
      %sub3A_282 = arith.subi %div3A_261, %sub3A_281 : i32
      %select_n3A_283 = arith.select %and3A_280, %sub3A_282, %div3A_261 : i32
      %mul3A_284 = arith.constant 8 : i32
      %mul3A_285 = arith.muli %select_n3A_283, %mul3A_284 : i32
      %sub3A_286 = arith.subi %scan3A_259, %mul3A_285 : i32
      %broadcast_in_dim3A = arith.constant 0.000000e+00 : f32
      %broadcast_in_dim3A_287 = vector.broadcast %broadcast_in_dim3A : f32 to vector<16xf32>
      %mul3A_288 = arith.constant 16 : i32
      %mul3A_289 = arith.muli %sub3A_286, %mul3A_288 : i32
      %swap3A_290 = arith.index_cast %select_n3A_283 : i32 to index
      %swap3A_291 = arith.index_cast %mul3A_289 : i32 to index
      %swap3A_292 = tpu.vector_load %arg11[%swap3A_290, %swap3A_291] {strides = array<i32>} : memref<128x128xf32, #tpu.memory_space<vmem>>, vector<1x16xf32>,
      %swap3A_293 = vector.shape_cast %swap3A_292 : vector<1x16xf32> to vector<16xf32>
      %swap3A_294 = vector.shape_cast %broadcast_in_dim3A_287 : vector<16xf32> to vector<1x16xf32>
      tpu.vector_store %arg11[%swap3A_290, %swap3A_291], %swap3A_294 {strides = array<i32>} : memref<128x128xf32, #tpu.memory_space<vmem>>, vector<1x16xf32>,
    }
    %scan3A_4 = arith.constant 1024 : i32
    %scan3A_5 = arith.constant 0 : i32
    %scan3A_6 = arith.constant 0 : i32
    %scan3A_7 = arith.constant 5 : i32
    %scan3A_8 = arith.addi %scan3A_6, %scan3A_7 : i32
    %scan3A_9 = arith.constant 1 : i32
    scf.for %scan3A_259 = %scan3A_6 to %scan3A_8 step %scan3A_9  : i32 {
      %mul3A_260 = arith.constant 640 : i32
      %mul3A_261 = arith.muli %arg1, %mul3A_260 : i32
      %mul3A_262 = arith.constant 128 : i32
      %mul3A_263 = arith.muli %scan3A_259, %mul3A_262 : i32
      %add3A_264 = arith.addi %mul3A_261, %mul3A_263 : i32
      "tpu.region"() ({
        %run_scoped3A = tpu.sem_alloc : memref<!tpu.dma_semaphore, #tpu.memory_space<semaphore_mem>>
        %dma_start3A_265 = arith.constant 0 : i32
        %dma_start3A_266 = tpu.memref_slice %arg13[%add3A_264, %dma_start3A_265] : memref<10240x128xf32, #tpu.memory_space<vmem_shared>> -> memref<128x128xf32, #tpu.memory_space<vmem_shared>>
        %dma_start3A_267 = arith.constant 0 : i32
        %dma_start3A_268 = tpu.memref_slice %arg13[%add3A_264, %dma_start3A_267] : memref<10240x128xf32, #tpu.memory_space<vmem_shared>> -> memref<128x128xf32, #tpu.memory_space<vmem_shared>>
        tpu.enqueue_dma source(%arg11 : memref<128x128xf32, #tpu.memory_space<vmem>>) target(%dma_start3A_268 : memref<128x128xf32, #tpu.memory_space<vmem_shared>>) target_semaphore(%run_scoped3A : memref<!tpu.dma_semaphore, #tpu.memory_space<semaphore_mem>>)
        %dma_wait3A_269 = arith.constant 0 : i32
        %dma_wait3A_270 = tpu.memref_slice %arg13[%add3A_264, %dma_wait3A_269] : memref<10240x128xf32, #tpu.memory_space<vmem_shared>> -> memref<128x128xf32, #tpu.memory_space<vmem_shared>>
        %dma_wait3A_271 = arith.constant 0 : i32
        %dma_wait3A_272 = tpu.memref_slice %arg13[%add3A_264, %dma_wait3A_271] : memref<10240x128xf32, #tpu.memory_space<vmem_shared>> -> memref<128x128xf32, #tpu.memory_space<vmem_shared>>
        tpu.wait_dma2 semaphore(%run_scoped3A : memref<!tpu.dma_semaphore, #tpu.memory_space<semaphore_mem>>) src(%arg11 : memref<128x128xf32, #tpu.memory_space<vmem>>) dst(%dma_wait3A_272 : memref<128x128xf32, #tpu.memory_space<vmem_shared>>)
        tpu.yield
      }) : () -> ()
    }
    %scan3A_10 = arith.constant 5 : i32
    %barrier3A = arith.constant 0 : index
    tpu.barrier barrier_id(%barrier3A)
    %lt3A = arith.constant 15 : i32
    %lt3A_11 = arith.cmpi slt, %arg1, %lt3A : i32
    %jit3A = arith.constant 160 : i32
    %jit3A_12 = arith.constant 100 : i32
    %select_n3A = arith.select %lt3A_11, %jit3A, %jit3A_12 : i32
    %mul3A = arith.constant 160 : i32
    %mul3A_13 = arith.muli %arg1, %mul3A : i32
    %add3A = arith.constant 0 : i32
    %add3A_14 = arith.addi %mul3A_13, %add3A : i32
    %dma_start3A = arith.constant 0 : i32
    %dma_start3A_15 = arith.constant 0 : i32
    %dma_start3A_16 = tpu.memref_slice %arg3[%arg0, %add3A_14, %dma_start3A, %dma_start3A_15] : memref<2x2500x2x128xi32, #tpu.memory_space<hbm>> -> memref<1x1x2x128xi32, #tpu.memory_space<hbm>>
    %dma_start3A_17 = tpu.memref_squeeze %dma_start3A_16 : memref<1x1x2x128xi32, #tpu.memory_space<hbm>> -> memref<2x128xi32, #tpu.memory_space<hbm>>
    %dma_start3A_18 = arith.constant 0 : i32
    %dma_start3A_19 = arith.constant 0 : i32
    %dma_start3A_20 = tpu.memref_slice %arg3[%arg0, %add3A_14, %dma_start3A_18, %dma_start3A_19] : memref<2x2500x2x128xi32, #tpu.memory_space<hbm>> -> memref<1x1x2x128xi32, #tpu.memory_space<hbm>>
    %dma_start3A_21 = tpu.memref_squeeze %dma_start3A_20 : memref<1x1x2x128xi32, #tpu.memory_space<hbm>> -> memref<2x128xi32, #tpu.memory_space<hbm>>
    tpu.enqueue_dma source(%dma_start3A_21 : memref<2x128xi32, #tpu.memory_space<hbm>>) target(%arg5 : memref<2x128xi32, #tpu.memory_space<vmem>>) target_semaphore(%arg14 : memref<!tpu.dma_semaphore, #tpu.memory_space<semaphore_mem>>)
    %add3A_22 = arith.constant 1 : i32
    %add3A_23 = arith.addi %mul3A_13, %add3A_22 : i32
    %dma_start3A_24 = arith.constant 0 : i32
    %dma_start3A_25 = arith.constant 0 : i32
    %dma_start3A_26 = tpu.memref_slice %arg3[%arg0, %add3A_23, %dma_start3A_24, %dma_start3A_25] : memref<2x2500x2x128xi32, #tpu.memory_space<hbm>> -> memref<1x1x2x128xi32, #tpu.memory_space<hbm>>
    %dma_start3A_27 = tpu.memref_squeeze %dma_start3A_26 : memref<1x1x2x128xi32, #tpu.memory_space<hbm>> -> memref<2x128xi32, #tpu.memory_space<hbm>>
    %dma_start3A_28 = arith.constant 0 : i32
    %dma_start3A_29 = arith.constant 0 : i32
    %dma_start3A_30 = tpu.memref_slice %arg3[%arg0, %add3A_23, %dma_start3A_28, %dma_start3A_29] : memref<2x2500x2x128xi32, #tpu.memory_space<hbm>> -> memref<1x1x2x128xi32, #tpu.memory_space<hbm>>
    %dma_start3A_31 = tpu.memref_squeeze %dma_start3A_30 : memref<1x1x2x128xi32, #tpu.memory_space<hbm>> -> memref<2x128xi32, #tpu.memory_space<hbm>>
    tpu.enqueue_dma source(%dma_start3A_31 : memref<2x128xi32, #tpu.memory_space<hbm>>) target(%arg6 : memref<2x128xi32, #tpu.memory_space<vmem>>) target_semaphore(%arg15 : memref<!tpu.dma_semaphore, #tpu.memory_space<semaphore_mem>>)
    %add3A_32 = arith.constant 2 : i32
    %add3A_33 = arith.addi %mul3A_13, %add3A_32 : i32
    %dma_start3A_34 = arith.constant 0 : i32
    %dma_start3A_35 = arith.constant 0 : i32
    %dma_start3A_36 = tpu.memref_slice %arg3[%arg0, %add3A_33, %dma_start3A_34, %dma_start3A_35] : memref<2x2500x2x128xi32, #tpu.memory_space<hbm>> -> memref<1x1x2x128xi32, #tpu.memory_space<hbm>>
    %dma_start3A_37 = tpu.memref_squeeze %dma_start3A_36 : memref<1x1x2x128xi32, #tpu.memory_space<hbm>> -> memref<2x128xi32, #tpu.memory_space<hbm>>
    %dma_start3A_38 = arith.constant 0 : i32
    %dma_start3A_39 = arith.constant 0 : i32
    %dma_start3A_40 = tpu.memref_slice %arg3[%arg0, %add3A_33, %dma_start3A_38, %dma_start3A_39] : memref<2x2500x2x128xi32, #tpu.memory_space<hbm>> -> memref<1x1x2x128xi32, #tpu.memory_space<hbm>>
    %dma_start3A_41 = tpu.memref_squeeze %dma_start3A_40 : memref<1x1x2x128xi32, #tpu.memory_space<hbm>> -> memref<2x128xi32, #tpu.memory_space<hbm>>
    tpu.enqueue_dma source(%dma_start3A_41 : memref<2x128xi32, #tpu.memory_space<hbm>>) target(%arg7 : memref<2x128xi32, #tpu.memory_space<vmem>>) target_semaphore(%arg16 : memref<!tpu.dma_semaphore, #tpu.memory_space<semaphore_mem>>)
    %add3A_42 = arith.constant 3 : i32
    %add3A_43 = arith.addi %mul3A_13, %add3A_42 : i32
    %dma_start3A_44 = arith.constant 0 : i32
    %dma_start3A_45 = arith.constant 0 : i32
    %dma_start3A_46 = tpu.memref_slice %arg3[%arg0, %add3A_43, %dma_start3A_44, %dma_start3A_45] : memref<2x2500x2x128xi32, #tpu.memory_space<hbm>> -> memref<1x1x2x128xi32, #tpu.memory_space<hbm>>
    %dma_start3A_47 = tpu.memref_squeeze %dma_start3A_46 : memref<1x1x2x128xi32, #tpu.memory_space<hbm>> -> memref<2x128xi32, #tpu.memory_space<hbm>>
    %dma_start3A_48 = arith.constant 0 : i32
    %dma_start3A_49 = arith.constant 0 : i32
    %dma_start3A_50 = tpu.memref_slice %arg3[%arg0, %add3A_43, %dma_start3A_48, %dma_start3A_49] : memref<2x2500x2x128xi32, #tpu.memory_space<hbm>> -> memref<1x1x2x128xi32, #tpu.memory_space<hbm>>
    %dma_start3A_51 = tpu.memref_squeeze %dma_start3A_50 : memref<1x1x2x128xi32, #tpu.memory_space<hbm>> -> memref<2x128xi32, #tpu.memory_space<hbm>>
    tpu.enqueue_dma source(%dma_start3A_51 : memref<2x128xi32, #tpu.memory_space<hbm>>) target(%arg8 : memref<2x128xi32, #tpu.memory_space<vmem>>) target_semaphore(%arg17 : memref<!tpu.dma_semaphore, #tpu.memory_space<semaphore_mem>>)
    %add3A_52 = arith.constant 0 : i32
    %add3A_53 = arith.addi %mul3A_13, %add3A_52 : i32
    %dma_wait3A = arith.constant 0 : i32
    %dma_wait3A_54 = arith.constant 0 : i32
    %dma_wait3A_55 = tpu.memref_slice %arg3[%arg0, %add3A_53, %dma_wait3A, %dma_wait3A_54] : memref<2x2500x2x128xi32, #tpu.memory_space<hbm>> -> memref<1x1x2x128xi32, #tpu.memory_space<hbm>>
    %dma_wait3A_56 = tpu.memref_squeeze %dma_wait3A_55 : memref<1x1x2x128xi32, #tpu.memory_space<hbm>> -> memref<2x128xi32, #tpu.memory_space<hbm>>
    %dma_wait3A_57 = arith.constant 0 : i32
    %dma_wait3A_58 = arith.constant 0 : i32
    %dma_wait3A_59 = tpu.memref_slice %arg3[%arg0, %add3A_53, %dma_wait3A_57, %dma_wait3A_58] : memref<2x2500x2x128xi32, #tpu.memory_space<hbm>> -> memref<1x1x2x128xi32, #tpu.memory_space<hbm>>
    %dma_wait3A_60 = tpu.memref_squeeze %dma_wait3A_59 : memref<1x1x2x128xi32, #tpu.memory_space<hbm>> -> memref<2x128xi32, #tpu.memory_space<hbm>>
    tpu.wait_dma2 semaphore(%arg14 : memref<!tpu.dma_semaphore, #tpu.memory_space<semaphore_mem>>) src(%dma_wait3A_60 : memref<2x128xi32, #tpu.memory_space<hbm>>) dst(%arg5 : memref<2x128xi32, #tpu.memory_space<vmem>>)
    %get3A = arith.constant 0 : i32
    %get3A_61 = arith.index_cast %get3A : i32 to index
    %get3A_62 = arith.constant 0 : index
    %get3A_63 = tpu.vector_load %arg5[%get3A_61, %get3A_62] {strides = array<i32>} : memref<2x128xi32, #tpu.memory_space<vmem>>, vector<1x16xi32>,
    %get3A_64 = vector.shape_cast %get3A_63 : vector<1x16xi32> to vector<16xi32>
    %swap3A = arith.constant 0 : index
    %swap3A_65 = tpu.vector_load %arg9[%swap3A] {strides = array<i32>} : memref<128xi32, #tpu.memory_space<vmem>>, vector<16xi32>,
    %swap3A_66 = vector.shape_cast %swap3A_65 : vector<16xi32> to vector<16xi32>
    %swap3A_67 = vector.shape_cast %get3A_64 : vector<16xi32> to vector<16xi32>
    tpu.vector_store %arg9[%swap3A], %swap3A_67 {strides = array<i32>} : memref<128xi32, #tpu.memory_space<vmem>>, vector<16xi32>,
    %get3A_68 = arith.constant 0 : i32
    %get3A_69 = arith.index_cast %get3A_68 : i32 to index
    %get3A_70 = arith.constant 16 : index
    %get3A_71 = tpu.vector_load %arg5[%get3A_69, %get3A_70] {strides = array<i32>} : memref<2x128xi32, #tpu.memory_space<vmem>>, vector<1x16xi32>,
    %get3A_72 = vector.shape_cast %get3A_71 : vector<1x16xi32> to vector<16xi32>
    %swap3A_73 = arith.constant 16 : index
    %swap3A_74 = tpu.vector_load %arg9[%swap3A_73] {strides = array<i32>} : memref<128xi32, #tpu.memory_space<vmem>>, vector<16xi32>,
    %swap3A_75 = vector.shape_cast %swap3A_74 : vector<16xi32> to vector<16xi32>
    %swap3A_76 = vector.shape_cast %get3A_72 : vector<16xi32> to vector<16xi32>
    tpu.vector_store %arg9[%swap3A_73], %swap3A_76 {strides = array<i32>} : memref<128xi32, #tpu.memory_space<vmem>>, vector<16xi32>,
    %get3A_77 = arith.constant 0 : i32
    %get3A_78 = arith.index_cast %get3A_77 : i32 to index
    %get3A_79 = arith.constant 32 : index
    %get3A_80 = tpu.vector_load %arg5[%get3A_78, %get3A_79] {strides = array<i32>} : memref<2x128xi32, #tpu.memory_space<vmem>>, vector<1x16xi32>,
    %get3A_81 = vector.shape_cast %get3A_80 : vector<1x16xi32> to vector<16xi32>
    %swap3A_82 = arith.constant 32 : index
    %swap3A_83 = tpu.vector_load %arg9[%swap3A_82] {strides = array<i32>} : memref<128xi32, #tpu.memory_space<vmem>>, vector<16xi32>,
    %swap3A_84 = vector.shape_cast %swap3A_83 : vector<16xi32> to vector<16xi32>
    %swap3A_85 = vector.shape_cast %get3A_81 : vector<16xi32> to vector<16xi32>
    tpu.vector_store %arg9[%swap3A_82], %swap3A_85 {strides = array<i32>} : memref<128xi32, #tpu.memory_space<vmem>>, vector<16xi32>,
    %get3A_86 = arith.constant 0 : i32
    %get3A_87 = arith.index_cast %get3A_86 : i32 to index
    %get3A_88 = arith.constant 48 : index
    %get3A_89 = tpu.vector_load %arg5[%get3A_87, %get3A_88] {strides = array<i32>} : memref<2x128xi32, #tpu.memory_space<vmem>>, vector<1x16xi32>,
    %get3A_90 = vector.shape_cast %get3A_89 : vector<1x16xi32> to vector<16xi32>
    %swap3A_91 = arith.constant 48 : index
    %swap3A_92 = tpu.vector_load %arg9[%swap3A_91] {strides = array<i32>} : memref<128xi32, #tpu.memory_space<vmem>>, vector<16xi32>,
    %swap3A_93 = vector.shape_cast %swap3A_92 : vector<16xi32> to vector<16xi32>
    %swap3A_94 = vector.shape_cast %get3A_90 : vector<16xi32> to vector<16xi32>
    tpu.vector_store %arg9[%swap3A_91], %swap3A_94 {strides = array<i32>} : memref<128xi32, #tpu.memory_space<vmem>>, vector<16xi32>,
    %get3A_95 = arith.constant 0 : i32
    %get3A_96 = arith.index_cast %get3A_95 : i32 to index
    %get3A_97 = arith.constant 64 : index
    %get3A_98 = tpu.vector_load %arg5[%get3A_96, %get3A_97] {strides = array<i32>} : memref<2x128xi32, #tpu.memory_space<vmem>>, vector<1x16xi32>,
    %get3A_99 = vector.shape_cast %get3A_98 : vector<1x16xi32> to vector<16xi32>
    %swap3A_100 = arith.constant 64 : index
    %swap3A_101 = tpu.vector_load %arg9[%swap3A_100] {strides = array<i32>} : memref<128xi32, #tpu.memory_space<vmem>>, vector<16xi32>,
    %swap3A_102 = vector.shape_cast %swap3A_101 : vector<16xi32> to vector<16xi32>
    %swap3A_103 = vector.shape_cast %get3A_99 : vector<16xi32> to vector<16xi32>
    tpu.vector_store %arg9[%swap3A_100], %swap3A_103 {strides = array<i32>} : memref<128xi32, #tpu.memory_space<vmem>>, vector<16xi32>,
    %get3A_104 = arith.constant 0 : i32
    %get3A_105 = arith.index_cast %get3A_104 : i32 to index
    %get3A_106 = arith.constant 80 : index
    %get3A_107 = tpu.vector_load %arg5[%get3A_105, %get3A_106] {strides = array<i32>} : memref<2x128xi32, #tpu.memory_space<vmem>>, vector<1x16xi32>,
    %get3A_108 = vector.shape_cast %get3A_107 : vector<1x16xi32> to vector<16xi32>
    %swap3A_109 = arith.constant 80 : index
    %swap3A_110 = tpu.vector_load %arg9[%swap3A_109] {strides = array<i32>} : memref<128xi32, #tpu.memory_space<vmem>>, vector<16xi32>,
    %swap3A_111 = vector.shape_cast %swap3A_110 : vector<16xi32> to vector<16xi32>
    %swap3A_112 = vector.shape_cast %get3A_108 : vector<16xi32> to vector<16xi32>
    tpu.vector_store %arg9[%swap3A_109], %swap3A_112 {strides = array<i32>} : memref<128xi32, #tpu.memory_space<vmem>>, vector<16xi32>,
    %get3A_113 = arith.constant 0 : i32
    %get3A_114 = arith.index_cast %get3A_113 : i32 to index
    %get3A_115 = arith.constant 96 : index
    %get3A_116 = tpu.vector_load %arg5[%get3A_114, %get3A_115] {strides = array<i32>} : memref<2x128xi32, #tpu.memory_space<vmem>>, vector<1x16xi32>,
    %get3A_117 = vector.shape_cast %get3A_116 : vector<1x16xi32> to vector<16xi32>
    %swap3A_118 = arith.constant 96 : index
    %swap3A_119 = tpu.vector_load %arg9[%swap3A_118] {strides = array<i32>} : memref<128xi32, #tpu.memory_space<vmem>>, vector<16xi32>,
    %swap3A_120 = vector.shape_cast %swap3A_119 : vector<16xi32> to vector<16xi32>
    %swap3A_121 = vector.shape_cast %get3A_117 : vector<16xi32> to vector<16xi32>
    tpu.vector_store %arg9[%swap3A_118], %swap3A_121 {strides = array<i32>} : memref<128xi32, #tpu.memory_space<vmem>>, vector<16xi32>,
    %get3A_122 = arith.constant 0 : i32
    %get3A_123 = arith.index_cast %get3A_122 : i32 to index
    %get3A_124 = arith.constant 112 : index
    %get3A_125 = tpu.vector_load %arg5[%get3A_123, %get3A_124] {strides = array<i32>} : memref<2x128xi32, #tpu.memory_space<vmem>>, vector<1x16xi32>,
    %get3A_126 = vector.shape_cast %get3A_125 : vector<1x16xi32> to vector<16xi32>
    %swap3A_127 = arith.constant 112 : index
    %swap3A_128 = tpu.vector_load %arg9[%swap3A_127] {strides = array<i32>} : memref<128xi32, #tpu.memory_space<vmem>>, vector<16xi32>,
    %swap3A_129 = vector.shape_cast %swap3A_128 : vector<16xi32> to vector<16xi32>
    %swap3A_130 = vector.shape_cast %get3A_126 : vector<16xi32> to vector<16xi32>
    tpu.vector_store %arg9[%swap3A_127], %swap3A_130 {strides = array<i32>} : memref<128xi32, #tpu.memory_space<vmem>>, vector<16xi32>,
    %dma_start3A_131 = arith.constant 0 : i32
    %dma_start3A_132 = arith.constant 0 : i32
    %dma_start3A_133 = tpu.memref_slice %arg2[%arg0, %dma_start3A_131, %dma_start3A_132] : memref<2x10000x128xf32, #tpu.memory_space<hbm>> -> memref<1x10000x128xf32, #tpu.memory_space<hbm>>
    %dma_start3A_134 = tpu.memref_squeeze %dma_start3A_133 : memref<1x10000x128xf32, #tpu.memory_space<hbm>> -> memref<10000x128xf32, #tpu.memory_space<hbm>>
    %dma_start3A_135 = arith.constant 0 : i32
    %dma_start3A_136 = arith.constant 0 : i32
    %dma_start3A_137 = tpu.memref_slice %dma_start3A_134[%dma_start3A_135, %dma_start3A_136] : memref<10000x128xf32, #tpu.memory_space<hbm>> -> memref<10000x128xf32, #tpu.memory_space<hbm>>
    tpu.enqueue_indirect_dma source(%dma_start3A_137 : memref<10000x128xf32, #tpu.memory_space<hbm>>) target(%arg11 : memref<128x128xf32, #tpu.memory_space<vmem>>) offsets(%arg9 : memref<128xi32, #tpu.memory_space<vmem>>) semaphore(%arg18 : memref<!tpu.dma_semaphore, #tpu.memory_space<semaphore_mem>>)
    %add3A_138 = arith.constant 1 : i32
    %add3A_139 = arith.addi %mul3A_13, %add3A_138 : i32
    %dma_wait3A_140 = arith.constant 0 : i32
    %dma_wait3A_141 = arith.constant 0 : i32
    %dma_wait3A_142 = tpu.memref_slice %arg3[%arg0, %add3A_139, %dma_wait3A_140, %dma_wait3A_141] : memref<2x2500x2x128xi32, #tpu.memory_space<hbm>> -> memref<1x1x2x128xi32, #tpu.memory_space<hbm>>
    %dma_wait3A_143 = tpu.memref_squeeze %dma_wait3A_142 : memref<1x1x2x128xi32, #tpu.memory_space<hbm>> -> memref<2x128xi32, #tpu.memory_space<hbm>>
    %dma_wait3A_144 = arith.constant 0 : i32
    %dma_wait3A_145 = arith.constant 0 : i32
    %dma_wait3A_146 = tpu.memref_slice %arg3[%arg0, %add3A_139, %dma_wait3A_144, %dma_wait3A_145] : memref<2x2500x2x128xi32, #tpu.memory_space<hbm>> -> memref<1x1x2x128xi32, #tpu.memory_space<hbm>>
    %dma_wait3A_147 = tpu.memref_squeeze %dma_wait3A_146 : memref<1x1x2x128xi32, #tpu.memory_space<hbm>> -> memref<2x128xi32, #tpu.memory_space<hbm>>
    tpu.wait_dma2 semaphore(%arg15 : memref<!tpu.dma_semaphore, #tpu.memory_space<semaphore_mem>>) src(%dma_wait3A_147 : memref<2x128xi32, #tpu.memory_space<hbm>>) dst(%arg6 : memref<2x128xi32, #tpu.memory_space<vmem>>)
    %get3A_148 = arith.constant 0 : i32
    %get3A_149 = arith.index_cast %get3A_148 : i32 to index
    %get3A_150 = arith.constant 0 : index
    %get3A_151 = tpu.vector_load %arg6[%get3A_149, %get3A_150] {strides = array<i32>} : memref<2x128xi32, #tpu.memory_space<vmem>>, vector<1x16xi32>,
    %get3A_152 = vector.shape_cast %get3A_151 : vector<1x16xi32> to vector<16xi32>
    %swap3A_153 = arith.constant 0 : index
    %swap3A_154 = tpu.vector_load %arg10[%swap3A_153] {strides = array<i32>} : memref<128xi32, #tpu.memory_space<vmem>>, vector<16xi32>,
    %swap3A_155 = vector.shape_cast %swap3A_154 : vector<16xi32> to vector<16xi32>
    %swap3A_156 = vector.shape_cast %get3A_152 : vector<16xi32> to vector<16xi32>
    tpu.vector_store %arg10[%swap3A_153], %swap3A_156 {strides = array<i32>} : memref<128xi32, #tpu.memory_space<vmem>>, vector<16xi32>,
    %get3A_157 = arith.constant 0 : i32
    %get3A_158 = arith.index_cast %get3A_157 : i32 to index
    %get3A_159 = arith.constant 16 : index
    %get3A_160 = tpu.vector_load %arg6[%get3A_158, %get3A_159] {strides = array<i32>} : memref<2x128xi32, #tpu.memory_space<vmem>>, vector<1x16xi32>,
    %get3A_161 = vector.shape_cast %get3A_160 : vector<1x16xi32> to vector<16xi32>
    %swap3A_162 = arith.constant 16 : index
    %swap3A_163 = tpu.vector_load %arg10[%swap3A_162] {strides = array<i32>} : memref<128xi32, #tpu.memory_space<vmem>>, vector<16xi32>,
    %swap3A_164 = vector.shape_cast %swap3A_163 : vector<16xi32> to vector<16xi32>
    %swap3A_165 = vector.shape_cast %get3A_161 : vector<16xi32> to vector<16xi32>
    tpu.vector_store %arg10[%swap3A_162], %swap3A_165 {strides = array<i32>} : memref<128xi32, #tpu.memory_space<vmem>>, vector<16xi32>,
    %get3A_166 = arith.constant 0 : i32
    %get3A_167 = arith.index_cast %get3A_166 : i32 to index
    %get3A_168 = arith.constant 32 : index
    %get3A_169 = tpu.vector_load %arg6[%get3A_167, %get3A_168] {strides = array<i32>} : memref<2x128xi32, #tpu.memory_space<vmem>>, vector<1x16xi32>,
    %get3A_170 = vector.shape_cast %get3A_169 : vector<1x16xi32> to vector<16xi32>
    %swap3A_171 = arith.constant 32 : index
    %swap3A_172 = tpu.vector_load %arg10[%swap3A_171] {strides = array<i32>} : memref<128xi32, #tpu.memory_space<vmem>>, vector<16xi32>,
    %swap3A_173 = vector.shape_cast %swap3A_172 : vector<16xi32> to vector<16xi32>
    %swap3A_174 = vector.shape_cast %get3A_170 : vector<16xi32> to vector<16xi32>
    tpu.vector_store %arg10[%swap3A_171], %swap3A_174 {strides = array<i32>} : memref<128xi32, #tpu.memory_space<vmem>>, vector<16xi32>,
    %get3A_175 = arith.constant 0 : i32
    %get3A_176 = arith.index_cast %get3A_175 : i32 to index
    %get3A_177 = arith.constant 48 : index
    %get3A_178 = tpu.vector_load %arg6[%get3A_176, %get3A_177] {strides = array<i32>} : memref<2x128xi32, #tpu.memory_space<vmem>>, vector<1x16xi32>,
    %get3A_179 = vector.shape_cast %get3A_178 : vector<1x16xi32> to vector<16xi32>
    %swap3A_180 = arith.constant 48 : index
    %swap3A_181 = tpu.vector_load %arg10[%swap3A_180] {strides = array<i32>} : memref<128xi32, #tpu.memory_space<vmem>>, vector<16xi32>,
    %swap3A_182 = vector.shape_cast %swap3A_181 : vector<16xi32> to vector<16xi32>
    %swap3A_183 = vector.shape_cast %get3A_179 : vector<16xi32> to vector<16xi32>
    tpu.vector_store %arg10[%swap3A_180], %swap3A_183 {strides = array<i32>} : memref<128xi32, #tpu.memory_space<vmem>>, vector<16xi32>,
    %get3A_184 = arith.constant 0 : i32
    %get3A_185 = arith.index_cast %get3A_184 : i32 to index
    %get3A_186 = arith.constant 64 : index
    %get3A_187 = tpu.vector_load %arg6[%get3A_185, %get3A_186] {strides = array<i32>} : memref<2x128xi32, #tpu.memory_space<vmem>>, vector<1x16xi32>,
    %get3A_188 = vector.shape_cast %get3A_187 : vector<1x16xi32> to vector<16xi32>
    %swap3A_189 = arith.constant 64 : index
    %swap3A_190 = tpu.vector_load %arg10[%swap3A_189] {strides = array<i32>} : memref<128xi32, #tpu.memory_space<vmem>>, vector<16xi32>,
    %swap3A_191 = vector.shape_cast %swap3A_190 : vector<16xi32> to vector<16xi32>
    %swap3A_192 = vector.shape_cast %get3A_188 : vector<16xi32> to vector<16xi32>
    tpu.vector_store %arg10[%swap3A_189], %swap3A_192 {strides = array<i32>} : memref<128xi32, #tpu.memory_space<vmem>>, vector<16xi32>,
    %get3A_193 = arith.constant 0 : i32
    %get3A_194 = arith.index_cast %get3A_193 : i32 to index
    %get3A_195 = arith.constant 80 : index
    %get3A_196 = tpu.vector_load %arg6[%get3A_194, %get3A_195] {strides = array<i32>} : memref<2x128xi32, #tpu.memory_space<vmem>>, vector<1x16xi32>,
    %get3A_197 = vector.shape_cast %get3A_196 : vector<1x16xi32> to vector<16xi32>
    %swap3A_198 = arith.constant 80 : index
    %swap3A_199 = tpu.vector_load %arg10[%swap3A_198] {strides = array<i32>} : memref<128xi32, #tpu.memory_space<vmem>>, vector<16xi32>,
    %swap3A_200 = vector.shape_cast %swap3A_199 : vector<16xi32> to vector<16xi32>
    %swap3A_201 = vector.shape_cast %get3A_197 : vector<16xi32> to vector<16xi32>
    tpu.vector_store %arg10[%swap3A_198], %swap3A_201 {strides = array<i32>} : memref<128xi32, #tpu.memory_space<vmem>>, vector<16xi32>,
    %get3A_202 = arith.constant 0 : i32
    %get3A_203 = arith.index_cast %get3A_202 : i32 to index
    %get3A_204 = arith.constant 96 : index
    %get3A_205 = tpu.vector_load %arg6[%get3A_203, %get3A_204] {strides = array<i32>} : memref<2x128xi32, #tpu.memory_space<vmem>>, vector<1x16xi32>,
    %get3A_206 = vector.shape_cast %get3A_205 : vector<1x16xi32> to vector<16xi32>
    %swap3A_207 = arith.constant 96 : index
    %swap3A_208 = tpu.vector_load %arg10[%swap3A_207] {strides = array<i32>} : memref<128xi32, #tpu.memory_space<vmem>>, vector<16xi32>,
    %swap3A_209 = vector.shape_cast %swap3A_208 : vector<16xi32> to vector<16xi32>
    %swap3A_210 = vector.shape_cast %get3A_206 : vector<16xi32> to vector<16xi32>
    tpu.vector_store %arg10[%swap3A_207], %swap3A_210 {strides = array<i32>} : memref<128xi32, #tpu.memory_space<vmem>>, vector<16xi32>,
    %get3A_211 = arith.constant 0 : i32
    %get3A_212 = arith.index_cast %get3A_211 : i32 to index
    %get3A_213 = arith.constant 112 : index
    %get3A_214 = tpu.vector_load %arg6[%get3A_212, %get3A_213] {strides = array<i32>} : memref<2x128xi32, #tpu.memory_space<vmem>>, vector<1x16xi32>,
    %get3A_215 = vector.shape_cast %get3A_214 : vector<1x16xi32> to vector<16xi32>
    %swap3A_216 = arith.constant 112 : index
    %swap3A_217 = tpu.vector_load %arg10[%swap3A_216] {strides = array<i32>} : memref<128xi32, #tpu.memory_space<vmem>>, vector<16xi32>,
    %swap3A_218 = vector.shape_cast %swap3A_217 : vector<16xi32> to vector<16xi32>
    %swap3A_219 = vector.shape_cast %get3A_215 : vector<16xi32> to vector<16xi32>
    tpu.vector_store %arg10[%swap3A_216], %swap3A_219 {strides = array<i32>} : memref<128xi32, #tpu.memory_space<vmem>>, vector<16xi32>,
    %dma_start3A_220 = arith.constant 0 : i32
    %dma_start3A_221 = arith.constant 0 : i32
    %dma_start3A_222 = tpu.memref_slice %arg2[%arg0, %dma_start3A_220, %dma_start3A_221] : memref<2x10000x128xf32, #tpu.memory_space<hbm>> -> memref<1x10000x128xf32, #tpu.memory_space<hbm>>
    %dma_start3A_223 = tpu.memref_squeeze %dma_start3A_222 : memref<1x10000x128xf32, #tpu.memory_space<hbm>> -> memref<10000x128xf32, #tpu.memory_space<hbm>>
    %dma_start3A_224 = arith.constant 0 : i32
    %dma_start3A_225 = arith.constant 0 : i32
    %dma_start3A_226 = tpu.memref_slice %dma_start3A_223[%dma_start3A_224, %dma_start3A_225] : memref<10000x128xf32, #tpu.memory_space<hbm>> -> memref<10000x128xf32, #tpu.memory_space<hbm>>
    tpu.enqueue_indirect_dma source(%dma_start3A_226 : memref<10000x128xf32, #tpu.memory_space<hbm>>) target(%arg12 : memref<128x128xf32, #tpu.memory_space<vmem>>) offsets(%arg10 : memref<128xi32, #tpu.memory_space<vmem>>) semaphore(%arg19 : memref<!tpu.dma_semaphore, #tpu.memory_space<semaphore_mem>>)
    %jit3A_227 = arith.constant 4 : i32
    %div3A = arith.divsi %select_n3A, %jit3A_227 : i32
    %sign3A = arith.constant 0 : i32
    %sign3A_228 = arith.cmpi sgt, %select_n3A, %sign3A : i32
    %sign3A_229 = arith.extui %sign3A_228 : i1 to i32
    %sign3A_230 = arith.constant 0 : i32
    %sign3A_231 = arith.cmpi slt, %select_n3A, %sign3A_230 : i32
    %sign3A_232 = arith.extui %sign3A_231 : i1 to i32
    %sign3A_233 = arith.subi %sign3A_229, %sign3A_232 : i32
    %sign3A_234 = arith.constant 0 : i32
    %sign3A_235 = arith.cmpi sgt, %jit3A_227, %sign3A_234 : i32
    %sign3A_236 = arith.extui %sign3A_235 : i1 to i32
    %sign3A_237 = arith.constant 0 : i32
    %sign3A_238 = arith.cmpi slt, %jit3A_227, %sign3A_237 : i32
    %sign3A_239 = arith.extui %sign3A_238 : i1 to i32
    %sign3A_240 = arith.subi %sign3A_236, %sign3A_239 : i32
    %ne3A = arith.cmpi ne, %sign3A_233, %sign3A_240 : i32
    %rem3A = arith.remsi %select_n3A, %jit3A_227 : i32
    %ne3A_241 = arith.constant 0 : i32
    %ne3A_242 = arith.cmpi ne, %rem3A, %ne3A_241 : i32
    %and3A = arith.andi %ne3A, %ne3A_242 : i1
    %sub3A = arith.constant 1 : i32
    %sub3A_243 = arith.subi %div3A, %sub3A : i32
    %select_n3A_244 = arith.select %and3A, %sub3A_243, %div3A : i32
    %while3A = arith.constant 0 : i32
    %while3A_245 = arith.constant 0 : i32
    %while3A_246 = arith.subi %select_n3A_244, %while3A_245 : i32
    %while3A_247 = arith.addi %while3A_245, %while3A_246 : i32
    %while3A_248 = arith.constant 1 : i32
    %while3A_249 = arith.divsi %while3A_246, %while3A_248 : i32
    %while3A_250 = arith.muli %while3A_249, %while3A_248 : i32
    %while3A_251 = arith.addi %while3A_245, %while3A_250 : i32
    %while3A_252 = arith.constant 1 : i32
    scf.for %while3A_259 = %while3A_245 to %while3A_251 step %while3A_252  : i32 {
      %mul3A_260 = arith.constant 4 : i32
      %mul3A_261 = arith.muli %mul3A_260, %while3A_259 : i32
      %add3A_262 = arith.addi %mul3A_13, %mul3A_261 : i32
      %mul3A_263 = arith.constant 4 : i32
      %mul3A_264 = arith.muli %mul3A_263, %while3A_259 : i32
      %add3A_265 = arith.constant 0 : i32
      %add3A_266 = arith.addi %mul3A_264, %add3A_265 : i32
      %dma_wait3A_267 = arith.constant 0 : i32
      %dma_wait3A_268 = arith.constant 0 : i32
      %dma_wait3A_269 = tpu.memref_slice %arg2[%arg0, %dma_wait3A_267, %dma_wait3A_268] : memref<2x10000x128xf32, #tpu.memory_space<hbm>> -> memref<1x10000x128xf32, #tpu.memory_space<hbm>>
      %dma_wait3A_270 = tpu.memref_squeeze %dma_wait3A_269 : memref<1x10000x128xf32, #tpu.memory_space<hbm>> -> memref<10000x128xf32, #tpu.memory_space<hbm>>
      %dma_wait3A_271 = arith.constant 0 : i32
      %dma_wait3A_272 = arith.constant 0 : i32
      %dma_wait3A_273 = tpu.memref_slice %dma_wait3A_270[%dma_wait3A_271, %dma_wait3A_272] : memref<10000x128xf32, #tpu.memory_space<hbm>> -> memref<10000x128xf32, #tpu.memory_space<hbm>>
      tpu.wait_indirect_dma semaphore(%arg18 : memref<!tpu.dma_semaphore, #tpu.memory_space<semaphore_mem>>) src(%dma_wait3A_273 : memref<10000x128xf32, #tpu.memory_space<hbm>>) dst(%arg11 : memref<128x128xf32, #tpu.memory_space<vmem>>)
      %run_scoped3A = arith.constant 1 : i32
      "tpu.region"() ({
        %run_scoped3A_356 = tpu.sem_alloc : memref<!tpu.dma_semaphore, #tpu.memory_space<semaphore_mem>>
        %dma_start3A_357 = arith.constant 0 : i32
        %dma_start3A_358 = tpu.memref_slice %arg5[%run_scoped3A, %dma_start3A_357] : memref<2x128xi32, #tpu.memory_space<vmem>> -> memref<1x128xi32, #tpu.memory_space<vmem>>
        %dma_start3A_359 = tpu.memref_squeeze %dma_start3A_358 : memref<1x128xi32, #tpu.memory_space<vmem>> -> memref<128xi32, #tpu.memory_space<vmem>>
        %dma_start3A_360 = arith.constant 0 : i32
        %dma_start3A_361 = arith.constant 0 : i32
        %dma_start3A_362 = tpu.memref_slice %arg13[%dma_start3A_360, %dma_start3A_361] : memref<10240x128xf32, #tpu.memory_space<vmem_shared>> -> memref<10240x128xf32, #tpu.memory_space<vmem_shared>>
        tpu.enqueue_indirect_dma source(%arg11 : memref<128x128xf32, #tpu.memory_space<vmem>>) target(%dma_start3A_362 : memref<10240x128xf32, #tpu.memory_space<vmem_shared>>) offsets(%dma_start3A_359 : memref<128xi32, #tpu.memory_space<vmem>>) semaphore(%run_scoped3A_356 : memref<!tpu.dma_semaphore, #tpu.memory_space<semaphore_mem>>) {add = true}
        %dma_wait3A_363 = arith.constant 0 : i32
        %dma_wait3A_364 = tpu.memref_slice %arg5[%run_scoped3A, %dma_wait3A_363] : memref<2x128xi32, #tpu.memory_space<vmem>> -> memref<1x128xi32, #tpu.memory_space<vmem>>
        %dma_wait3A_365 = tpu.memref_squeeze %dma_wait3A_364 : memref<1x128xi32, #tpu.memory_space<vmem>> -> memref<128xi32, #tpu.memory_space<vmem>>
        %dma_wait3A_366 = arith.constant 0 : i32
        %dma_wait3A_367 = arith.constant 0 : i32
        %dma_wait3A_368 = tpu.memref_slice %arg13[%dma_wait3A_366, %dma_wait3A_367] : memref<10240x128xf32, #tpu.memory_space<vmem_shared>> -> memref<10240x128xf32, #tpu.memory_space<vmem_shared>>
        tpu.wait_indirect_dma semaphore(%run_scoped3A_356 : memref<!tpu.dma_semaphore, #tpu.memory_space<semaphore_mem>>) src(%arg11 : memref<128x128xf32, #tpu.memory_space<vmem>>) dst(%dma_wait3A_368 : memref<10240x128xf32, #tpu.memory_space<vmem_shared>>)
        tpu.yield
      }) : () -> ()
      %add3A_274 = arith.constant 4 : i32
      %add3A_275 = arith.addi %add3A_266, %add3A_274 : i32
      %lt3A_276 = arith.cmpi slt, %add3A_275, %select_n3A : i32
      %convert_element_type3A = arith.extui %lt3A_276 : i1 to i32
      %cond3A = arith.constant 0 : i32
      %cond3A_277 = arith.cmpi ne, %convert_element_type3A, %cond3A : i32
      scf.if %cond3A_277 {
        %add3A_356 = arith.constant 0 : i32
        %add3A_357 = arith.addi %add3A_262, %add3A_356 : i32
        %add3A_358 = arith.constant 4 : i32
        %add3A_359 = arith.addi %add3A_357, %add3A_358 : i32
        %dma_start3A_360 = arith.constant 0 : i32
        %dma_start3A_361 = arith.constant 0 : i32
        %dma_start3A_362 = tpu.memref_slice %arg3[%arg0, %add3A_359, %dma_start3A_360, %dma_start3A_361] : memref<2x2500x2x128xi32, #tpu.memory_space<hbm>> -> memref<1x1x2x128xi32, #tpu.memory_space<hbm>>
        %dma_start3A_363 = tpu.memref_squeeze %dma_start3A_362 : memref<1x1x2x128xi32, #tpu.memory_space<hbm>> -> memref<2x128xi32, #tpu.memory_space<hbm>>
        %dma_start3A_364 = arith.constant 0 : i32
        %dma_start3A_365 = arith.constant 0 : i32
        %dma_start3A_366 = tpu.memref_slice %arg3[%arg0, %add3A_359, %dma_start3A_364, %dma_start3A_365] : memref<2x2500x2x128xi32, #tpu.memory_space<hbm>> -> memref<1x1x2x128xi32, #tpu.memory_space<hbm>>
        %dma_start3A_367 = tpu.memref_squeeze %dma_start3A_366 : memref<1x1x2x128xi32, #tpu.memory_space<hbm>> -> memref<2x128xi32, #tpu.memory_space<hbm>>
        tpu.enqueue_dma source(%dma_start3A_367 : memref<2x128xi32, #tpu.memory_space<hbm>>) target(%arg5 : memref<2x128xi32, #tpu.memory_space<vmem>>) target_semaphore(%arg14 : memref<!tpu.dma_semaphore, #tpu.memory_space<semaphore_mem>>)
      } else {
      }
      %add3A_278 = arith.constant 2 : i32
      %add3A_279 = arith.addi %add3A_266, %add3A_278 : i32
      %lt3A_280 = arith.cmpi slt, %add3A_279, %select_n3A : i32
      %convert_element_type3A_281 = arith.extui %lt3A_280 : i1 to i32
      %cond3A_282 = arith.constant 0 : i32
      %cond3A_283 = arith.cmpi ne, %convert_element_type3A_281, %cond3A_282 : i32
      scf.if %cond3A_283 {
        %add3A_356 = arith.constant 0 : i32
        %add3A_357 = arith.addi %add3A_262, %add3A_356 : i32
        %add3A_358 = arith.constant 2 : i32
        %add3A_359 = arith.addi %add3A_357, %add3A_358 : i32
        %dma_wait3A_360 = arith.constant 0 : i32
        %dma_wait3A_361 = arith.constant 0 : i32
        %dma_wait3A_362 = tpu.memref_slice %arg3[%arg0, %add3A_359, %dma_wait3A_360, %dma_wait3A_361] : memref<2x2500x2x128xi32, #tpu.memory_space<hbm>> -> memref<1x1x2x128xi32, #tpu.memory_space<hbm>>
        %dma_wait3A_363 = tpu.memref_squeeze %dma_wait3A_362 : memref<1x1x2x128xi32, #tpu.memory_space<hbm>> -> memref<2x128xi32, #tpu.memory_space<hbm>>
        %dma_wait3A_364 = arith.constant 0 : i32
        %dma_wait3A_365 = arith.constant 0 : i32
        %dma_wait3A_366 = tpu.memref_slice %arg3[%arg0, %add3A_359, %dma_wait3A_364, %dma_wait3A_365] : memref<2x2500x2x128xi32, #tpu.memory_space<hbm>> -> memref<1x1x2x128xi32, #tpu.memory_space<hbm>>
        %dma_wait3A_367 = tpu.memref_squeeze %dma_wait3A_366 : memref<1x1x2x128xi32, #tpu.memory_space<hbm>> -> memref<2x128xi32, #tpu.memory_space<hbm>>
        tpu.wait_dma2 semaphore(%arg16 : memref<!tpu.dma_semaphore, #tpu.memory_space<semaphore_mem>>) src(%dma_wait3A_367 : memref<2x128xi32, #tpu.memory_space<hbm>>) dst(%arg7 : memref<2x128xi32, #tpu.memory_space<vmem>>)
        %get3A_368 = arith.constant 0 : i32
        %get3A_369 = arith.index_cast %get3A_368 : i32 to index
        %get3A_370 = arith.constant 0 : index
        %get3A_371 = tpu.vector_load %arg7[%get3A_369, %get3A_370] {strides = array<i32>} : memref<2x128xi32, #tpu.memory_space<vmem>>, vector<1x16xi32>,
        %get3A_372 = vector.shape_cast %get3A_371 : vector<1x16xi32> to vector<16xi32>
        %swap3A_373 = arith.constant 0 : index
        %swap3A_374 = tpu.vector_load %arg9[%swap3A_373] {strides = array<i32>} : memref<128xi32, #tpu.memory_space<vmem>>, vector<16xi32>,
        %swap3A_375 = vector.shape_cast %swap3A_374 : vector<16xi32> to vector<16xi32>
        %swap3A_376 = vector.shape_cast %get3A_372 : vector<16xi32> to vector<16xi32>
        tpu.vector_store %arg9[%swap3A_373], %swap3A_376 {strides = array<i32>} : memref<128xi32, #tpu.memory_space<vmem>>, vector<16xi32>,
        %get3A_377 = arith.constant 0 : i32
        %get3A_378 = arith.index_cast %get3A_377 : i32 to index
        %get3A_379 = arith.constant 16 : index
        %get3A_380 = tpu.vector_load %arg7[%get3A_378, %get3A_379] {strides = array<i32>} : memref<2x128xi32, #tpu.memory_space<vmem>>, vector<1x16xi32>,
        %get3A_381 = vector.shape_cast %get3A_380 : vector<1x16xi32> to vector<16xi32>
        %swap3A_382 = arith.constant 16 : index
        %swap3A_383 = tpu.vector_load %arg9[%swap3A_382] {strides = array<i32>} : memref<128xi32, #tpu.memory_space<vmem>>, vector<16xi32>,
        %swap3A_384 = vector.shape_cast %swap3A_383 : vector<16xi32> to vector<16xi32>
        %swap3A_385 = vector.shape_cast %get3A_381 : vector<16xi32> to vector<16xi32>
        tpu.vector_store %arg9[%swap3A_382], %swap3A_385 {strides = array<i32>} : memref<128xi32, #tpu.memory_space<vmem>>, vector<16xi32>,
        %get3A_386 = arith.constant 0 : i32
        %get3A_387 = arith.index_cast %get3A_386 : i32 to index
        %get3A_388 = arith.constant 32 : index
        %get3A_389 = tpu.vector_load %arg7[%get3A_387, %get3A_388] {strides = array<i32>} : memref<2x128xi32, #tpu.memory_space<vmem>>, vector<1x16xi32>,
        %get3A_390 = vector.shape_cast %get3A_389 : vector<1x16xi32> to vector<16xi32>
        %swap3A_391 = arith.constant 32 : index
        %swap3A_392 = tpu.vector_load %arg9[%swap3A_391] {strides = array<i32>} : memref<128xi32, #tpu.memory_space<vmem>>, vector<16xi32>,
        %swap3A_393 = vector.shape_cast %swap3A_392 : vector<16xi32> to vector<16xi32>
        %swap3A_394 = vector.shape_cast %get3A_390 : vector<16xi32> to vector<16xi32>
        tpu.vector_store %arg9[%swap3A_391], %swap3A_394 {strides = array<i32>} : memref<128xi32, #tpu.memory_space<vmem>>, vector<16xi32>,
        %get3A_395 = arith.constant 0 : i32
        %get3A_396 = arith.index_cast %get3A_395 : i32 to index
        %get3A_397 = arith.constant 48 : index
        %get3A_398 = tpu.vector_load %arg7[%get3A_396, %get3A_397] {strides = array<i32>} : memref<2x128xi32, #tpu.memory_space<vmem>>, vector<1x16xi32>,
        %get3A_399 = vector.shape_cast %get3A_398 : vector<1x16xi32> to vector<16xi32>
        %swap3A_400 = arith.constant 48 : index
        %swap3A_401 = tpu.vector_load %arg9[%swap3A_400] {strides = array<i32>} : memref<128xi32, #tpu.memory_space<vmem>>, vector<16xi32>,
        %swap3A_402 = vector.shape_cast %swap3A_401 : vector<16xi32> to vector<16xi32>
        %swap3A_403 = vector.shape_cast %get3A_399 : vector<16xi32> to vector<16xi32>
        tpu.vector_store %arg9[%swap3A_400], %swap3A_403 {strides = array<i32>} : memref<128xi32, #tpu.memory_space<vmem>>, vector<16xi32>,
        %get3A_404 = arith.constant 0 : i32
        %get3A_405 = arith.index_cast %get3A_404 : i32 to index
        %get3A_406 = arith.constant 64 : index
        %get3A_407 = tpu.vector_load %arg7[%get3A_405, %get3A_406] {strides = array<i32>} : memref<2x128xi32, #tpu.memory_space<vmem>>, vector<1x16xi32>,
        %get3A_408 = vector.shape_cast %get3A_407 : vector<1x16xi32> to vector<16xi32>
        %swap3A_409 = arith.constant 64 : index
        %swap3A_410 = tpu.vector_load %arg9[%swap3A_409] {strides = array<i32>} : memref<128xi32, #tpu.memory_space<vmem>>, vector<16xi32>,
        %swap3A_411 = vector.shape_cast %swap3A_410 : vector<16xi32> to vector<16xi32>
        %swap3A_412 = vector.shape_cast %get3A_408 : vector<16xi32> to vector<16xi32>
        tpu.vector_store %arg9[%swap3A_409], %swap3A_412 {strides = array<i32>} : memref<128xi32, #tpu.memory_space<vmem>>, vector<16xi32>,
        %get3A_413 = arith.constant 0 : i32
        %get3A_414 = arith.index_cast %get3A_413 : i32 to index
        %get3A_415 = arith.constant 80 : index
        %get3A_416 = tpu.vector_load %arg7[%get3A_414, %get3A_415] {strides = array<i32>} : memref<2x128xi32, #tpu.memory_space<vmem>>, vector<1x16xi32>,
        %get3A_417 = vector.shape_cast %get3A_416 : vector<1x16xi32> to vector<16xi32>
        %swap3A_418 = arith.constant 80 : index
        %swap3A_419 = tpu.vector_load %arg9[%swap3A_418] {strides = array<i32>} : memref<128xi32, #tpu.memory_space<vmem>>, vector<16xi32>,
        %swap3A_420 = vector.shape_cast %swap3A_419 : vector<16xi32> to vector<16xi32>
        %swap3A_421 = vector.shape_cast %get3A_417 : vector<16xi32> to vector<16xi32>
        tpu.vector_store %arg9[%swap3A_418], %swap3A_421 {strides = array<i32>} : memref<128xi32, #tpu.memory_space<vmem>>, vector<16xi32>,
        %get3A_422 = arith.constant 0 : i32
        %get3A_423 = arith.index_cast %get3A_422 : i32 to index
        %get3A_424 = arith.constant 96 : index
        %get3A_425 = tpu.vector_load %arg7[%get3A_423, %get3A_424] {strides = array<i32>} : memref<2x128xi32, #tpu.memory_space<vmem>>, vector<1x16xi32>,
        %get3A_426 = vector.shape_cast %get3A_425 : vector<1x16xi32> to vector<16xi32>
        %swap3A_427 = arith.constant 96 : index
        %swap3A_428 = tpu.vector_load %arg9[%swap3A_427] {strides = array<i32>} : memref<128xi32, #tpu.memory_space<vmem>>, vector<16xi32>,
        %swap3A_429 = vector.shape_cast %swap3A_428 : vector<16xi32> to vector<16xi32>
        %swap3A_430 = vector.shape_cast %get3A_426 : vector<16xi32> to vector<16xi32>
        tpu.vector_store %arg9[%swap3A_427], %swap3A_430 {strides = array<i32>} : memref<128xi32, #tpu.memory_space<vmem>>, vector<16xi32>,
        %get3A_431 = arith.constant 0 : i32
        %get3A_432 = arith.index_cast %get3A_431 : i32 to index
        %get3A_433 = arith.constant 112 : index
        %get3A_434 = tpu.vector_load %arg7[%get3A_432, %get3A_433] {strides = array<i32>} : memref<2x128xi32, #tpu.memory_space<vmem>>, vector<1x16xi32>,
        %get3A_435 = vector.shape_cast %get3A_434 : vector<1x16xi32> to vector<16xi32>
        %swap3A_436 = arith.constant 112 : index
        %swap3A_437 = tpu.vector_load %arg9[%swap3A_436] {strides = array<i32>} : memref<128xi32, #tpu.memory_space<vmem>>, vector<16xi32>,
        %swap3A_438 = vector.shape_cast %swap3A_437 : vector<16xi32> to vector<16xi32>
        %swap3A_439 = vector.shape_cast %get3A_435 : vector<16xi32> to vector<16xi32>
        tpu.vector_store %arg9[%swap3A_436], %swap3A_439 {strides = array<i32>} : memref<128xi32, #tpu.memory_space<vmem>>, vector<16xi32>,
        %dma_start3A_440 = arith.constant 0 : i32
        %dma_start3A_441 = arith.constant 0 : i32
        %dma_start3A_442 = tpu.memref_slice %arg2[%arg0, %dma_start3A_440, %dma_start3A_441] : memref<2x10000x128xf32, #tpu.memory_space<hbm>> -> memref<1x10000x128xf32, #tpu.memory_space<hbm>>
        %dma_start3A_443 = tpu.memref_squeeze %dma_start3A_442 : memref<1x10000x128xf32, #tpu.memory_space<hbm>> -> memref<10000x128xf32, #tpu.memory_space<hbm>>
        %dma_start3A_444 = arith.constant 0 : i32
        %dma_start3A_445 = arith.constant 0 : i32
        %dma_start3A_446 = tpu.memref_slice %dma_start3A_443[%dma_start3A_444, %dma_start3A_445] : memref<10000x128xf32, #tpu.memory_space<hbm>> -> memref<10000x128xf32, #tpu.memory_space<hbm>>
        tpu.enqueue_indirect_dma source(%dma_start3A_446 : memref<10000x128xf32, #tpu.memory_space<hbm>>) target(%arg11 : memref<128x128xf32, #tpu.memory_space<vmem>>) offsets(%arg9 : memref<128xi32, #tpu.memory_space<vmem>>) semaphore(%arg18 : memref<!tpu.dma_semaphore, #tpu.memory_space<semaphore_mem>>)
      } else {
      }
      %mul3A_284 = arith.constant 4 : i32
      %mul3A_285 = arith.muli %mul3A_284, %while3A_259 : i32
      %add3A_286 = arith.constant 1 : i32
      %add3A_287 = arith.addi %mul3A_285, %add3A_286 : i32
      %dma_wait3A_288 = arith.constant 0 : i32
      %dma_wait3A_289 = arith.constant 0 : i32
      %dma_wait3A_290 = tpu.memref_slice %arg2[%arg0, %dma_wait3A_288, %dma_wait3A_289] : memref<2x10000x128xf32, #tpu.memory_space<hbm>> -> memref<1x10000x128xf32, #tpu.memory_space<hbm>>
      %dma_wait3A_291 = tpu.memref_squeeze %dma_wait3A_290 : memref<1x10000x128xf32, #tpu.memory_space<hbm>> -> memref<10000x128xf32, #tpu.memory_space<hbm>>
      %dma_wait3A_292 = arith.constant 0 : i32
      %dma_wait3A_293 = arith.constant 0 : i32
      %dma_wait3A_294 = tpu.memref_slice %dma_wait3A_291[%dma_wait3A_292, %dma_wait3A_293] : memref<10000x128xf32, #tpu.memory_space<hbm>> -> memref<10000x128xf32, #tpu.memory_space<hbm>>
      tpu.wait_indirect_dma semaphore(%arg19 : memref<!tpu.dma_semaphore, #tpu.memory_space<semaphore_mem>>) src(%dma_wait3A_294 : memref<10000x128xf32, #tpu.memory_space<hbm>>) dst(%arg12 : memref<128x128xf32, #tpu.memory_space<vmem>>)
      %run_scoped3A_295 = arith.constant 1 : i32
      "tpu.region"() ({
        %run_scoped3A_356 = tpu.sem_alloc : memref<!tpu.dma_semaphore, #tpu.memory_space<semaphore_mem>>
        %dma_start3A_357 = arith.constant 0 : i32
        %dma_start3A_358 = tpu.memref_slice %arg6[%run_scoped3A_295, %dma_start3A_357] : memref<2x128xi32, #tpu.memory_space<vmem>> -> memref<1x128xi32, #tpu.memory_space<vmem>>
        %dma_start3A_359 = tpu.memref_squeeze %dma_start3A_358 : memref<1x128xi32, #tpu.memory_space<vmem>> -> memref<128xi32, #tpu.memory_space<vmem>>
        %dma_start3A_360 = arith.constant 0 : i32
        %dma_start3A_361 = arith.constant 0 : i32
        %dma_start3A_362 = tpu.memref_slice %arg13[%dma_start3A_360, %dma_start3A_361] : memref<10240x128xf32, #tpu.memory_space<vmem_shared>> -> memref<10240x128xf32, #tpu.memory_space<vmem_shared>>
        tpu.enqueue_indirect_dma source(%arg12 : memref<128x128xf32, #tpu.memory_space<vmem>>) target(%dma_start3A_362 : memref<10240x128xf32, #tpu.memory_space<vmem_shared>>) offsets(%dma_start3A_359 : memref<128xi32, #tpu.memory_space<vmem>>) semaphore(%run_scoped3A_356 : memref<!tpu.dma_semaphore, #tpu.memory_space<semaphore_mem>>) {add = true}
        %dma_wait3A_363 = arith.constant 0 : i32
        %dma_wait3A_364 = tpu.memref_slice %arg6[%run_scoped3A_295, %dma_wait3A_363] : memref<2x128xi32, #tpu.memory_space<vmem>> -> memref<1x128xi32, #tpu.memory_space<vmem>>
        %dma_wait3A_365 = tpu.memref_squeeze %dma_wait3A_364 : memref<1x128xi32, #tpu.memory_space<vmem>> -> memref<128xi32, #tpu.memory_space<vmem>>
        %dma_wait3A_366 = arith.constant 0 : i32
        %dma_wait3A_367 = arith.constant 0 : i32
        %dma_wait3A_368 = tpu.memref_slice %arg13[%dma_wait3A_366, %dma_wait3A_367] : memref<10240x128xf32, #tpu.memory_space<vmem_shared>> -> memref<10240x128xf32, #tpu.memory_space<vmem_shared>>
        tpu.wait_indirect_dma semaphore(%run_scoped3A_356 : memref<!tpu.dma_semaphore, #tpu.memory_space<semaphore_mem>>) src(%arg12 : memref<128x128xf32, #tpu.memory_space<vmem>>) dst(%dma_wait3A_368 : memref<10240x128xf32, #tpu.memory_space<vmem_shared>>)
        tpu.yield
      }) : () -> ()
      %add3A_296 = arith.constant 4 : i32
      %add3A_297 = arith.addi %add3A_287, %add3A_296 : i32
      %lt3A_298 = arith.cmpi slt, %add3A_297, %select_n3A : i32
      %convert_element_type3A_299 = arith.extui %lt3A_298 : i1 to i32
      %cond3A_300 = arith.constant 0 : i32
      %cond3A_301 = arith.cmpi ne, %convert_element_type3A_299, %cond3A_300 : i32
      scf.if %cond3A_301 {
        %add3A_356 = arith.constant 1 : i32
        %add3A_357 = arith.addi %add3A_262, %add3A_356 : i32
        %add3A_358 = arith.constant 4 : i32
        %add3A_359 = arith.addi %add3A_357, %add3A_358 : i32
        %dma_start3A_360 = arith.constant 0 : i32
        %dma_start3A_361 = arith.constant 0 : i32
        %dma_start3A_362 = tpu.memref_slice %arg3[%arg0, %add3A_359, %dma_start3A_360, %dma_start3A_361] : memref<2x2500x2x128xi32, #tpu.memory_space<hbm>> -> memref<1x1x2x128xi32, #tpu.memory_space<hbm>>
        %dma_start3A_363 = tpu.memref_squeeze %dma_start3A_362 : memref<1x1x2x128xi32, #tpu.memory_space<hbm>> -> memref<2x128xi32, #tpu.memory_space<hbm>>
        %dma_start3A_364 = arith.constant 0 : i32
        %dma_start3A_365 = arith.constant 0 : i32
        %dma_start3A_366 = tpu.memref_slice %arg3[%arg0, %add3A_359, %dma_start3A_364, %dma_start3A_365] : memref<2x2500x2x128xi32, #tpu.memory_space<hbm>> -> memref<1x1x2x128xi32, #tpu.memory_space<hbm>>
        %dma_start3A_367 = tpu.memref_squeeze %dma_start3A_366 : memref<1x1x2x128xi32, #tpu.memory_space<hbm>> -> memref<2x128xi32, #tpu.memory_space<hbm>>
        tpu.enqueue_dma source(%dma_start3A_367 : memref<2x128xi32, #tpu.memory_space<hbm>>) target(%arg6 : memref<2x128xi32, #tpu.memory_space<vmem>>) target_semaphore(%arg15 : memref<!tpu.dma_semaphore, #tpu.memory_space<semaphore_mem>>)
      } else {
      }
      %add3A_302 = arith.constant 2 : i32
      %add3A_303 = arith.addi %add3A_287, %add3A_302 : i32
      %lt3A_304 = arith.cmpi slt, %add3A_303, %select_n3A : i32
      %convert_element_type3A_305 = arith.extui %lt3A_304 : i1 to i32
      %cond3A_306 = arith.constant 0 : i32
      %cond3A_307 = arith.cmpi ne, %convert_element_type3A_305, %cond3A_306 : i32
      scf.if %cond3A_307 {
        %add3A_356 = arith.constant 1 : i32
        %add3A_357 = arith.addi %add3A_262, %add3A_356 : i32
        %add3A_358 = arith.constant 2 : i32
        %add3A_359 = arith.addi %add3A_357, %add3A_358 : i32
        %dma_wait3A_360 = arith.constant 0 : i32
        %dma_wait3A_361 = arith.constant 0 : i32
        %dma_wait3A_362 = tpu.memref_slice %arg3[%arg0, %add3A_359, %dma_wait3A_360, %dma_wait3A_361] : memref<2x2500x2x128xi32, #tpu.memory_space<hbm>> -> memref<1x1x2x128xi32, #tpu.memory_space<hbm>>
        %dma_wait3A_363 = tpu.memref_squeeze %dma_wait3A_362 : memref<1x1x2x128xi32, #tpu.memory_space<hbm>> -> memref<2x128xi32, #tpu.memory_space<hbm>>
        %dma_wait3A_364 = arith.constant 0 : i32
        %dma_wait3A_365 = arith.constant 0 : i32
        %dma_wait3A_366 = tpu.memref_slice %arg3[%arg0, %add3A_359, %dma_wait3A_364, %dma_wait3A_365] : memref<2x2500x2x128xi32, #tpu.memory_space<hbm>> -> memref<1x1x2x128xi32, #tpu.memory_space<hbm>>
        %dma_wait3A_367 = tpu.memref_squeeze %dma_wait3A_366 : memref<1x1x2x128xi32, #tpu.memory_space<hbm>> -> memref<2x128xi32, #tpu.memory_space<hbm>>
        tpu.wait_dma2 semaphore(%arg17 : memref<!tpu.dma_semaphore, #tpu.memory_space<semaphore_mem>>) src(%dma_wait3A_367 : memref<2x128xi32, #tpu.memory_space<hbm>>) dst(%arg8 : memref<2x128xi32, #tpu.memory_space<vmem>>)
        %get3A_368 = arith.constant 0 : i32
        %get3A_369 = arith.index_cast %get3A_368 : i32 to index
        %get3A_370 = arith.constant 0 : index
        %get3A_371 = tpu.vector_load %arg8[%get3A_369, %get3A_370] {strides = array<i32>} : memref<2x128xi32, #tpu.memory_space<vmem>>, vector<1x16xi32>,
        %get3A_372 = vector.shape_cast %get3A_371 : vector<1x16xi32> to vector<16xi32>
        %swap3A_373 = arith.constant 0 : index
        %swap3A_374 = tpu.vector_load %arg10[%swap3A_373] {strides = array<i32>} : memref<128xi32, #tpu.memory_space<vmem>>, vector<16xi32>,
        %swap3A_375 = vector.shape_cast %swap3A_374 : vector<16xi32> to vector<16xi32>
        %swap3A_376 = vector.shape_cast %get3A_372 : vector<16xi32> to vector<16xi32>
        tpu.vector_store %arg10[%swap3A_373], %swap3A_376 {strides = array<i32>} : memref<128xi32, #tpu.memory_space<vmem>>, vector<16xi32>,
        %get3A_377 = arith.constant 0 : i32
        %get3A_378 = arith.index_cast %get3A_377 : i32 to index
        %get3A_379 = arith.constant 16 : index
        %get3A_380 = tpu.vector_load %arg8[%get3A_378, %get3A_379] {strides = array<i32>} : memref<2x128xi32, #tpu.memory_space<vmem>>, vector<1x16xi32>,
        %get3A_381 = vector.shape_cast %get3A_380 : vector<1x16xi32> to vector<16xi32>
        %swap3A_382 = arith.constant 16 : index
        %swap3A_383 = tpu.vector_load %arg10[%swap3A_382] {strides = array<i32>} : memref<128xi32, #tpu.memory_space<vmem>>, vector<16xi32>,
        %swap3A_384 = vector.shape_cast %swap3A_383 : vector<16xi32> to vector<16xi32>
        %swap3A_385 = vector.shape_cast %get3A_381 : vector<16xi32> to vector<16xi32>
        tpu.vector_store %arg10[%swap3A_382], %swap3A_385 {strides = array<i32>} : memref<128xi32, #tpu.memory_space<vmem>>, vector<16xi32>,
        %get3A_386 = arith.constant 0 : i32
        %get3A_387 = arith.index_cast %get3A_386 : i32 to index
        %get3A_388 = arith.constant 32 : index
        %get3A_389 = tpu.vector_load %arg8[%get3A_387, %get3A_388] {strides = array<i32>} : memref<2x128xi32, #tpu.memory_space<vmem>>, vector<1x16xi32>,
        %get3A_390 = vector.shape_cast %get3A_389 : vector<1x16xi32> to vector<16xi32>
        %swap3A_391 = arith.constant 32 : index
        %swap3A_392 = tpu.vector_load %arg10[%swap3A_391] {strides = array<i32>} : memref<128xi32, #tpu.memory_space<vmem>>, vector<16xi32>,
        %swap3A_393 = vector.shape_cast %swap3A_392 : vector<16xi32> to vector<16xi32>
        %swap3A_394 = vector.shape_cast %get3A_390 : vector<16xi32> to vector<16xi32>
        tpu.vector_store %arg10[%swap3A_391], %swap3A_394 {strides = array<i32>} : memref<128xi32, #tpu.memory_space<vmem>>, vector<16xi32>,
        %get3A_395 = arith.constant 0 : i32
        %get3A_396 = arith.index_cast %get3A_395 : i32 to index
        %get3A_397 = arith.constant 48 : index
        %get3A_398 = tpu.vector_load %arg8[%get3A_396, %get3A_397] {strides = array<i32>} : memref<2x128xi32, #tpu.memory_space<vmem>>, vector<1x16xi32>,
        %get3A_399 = vector.shape_cast %get3A_398 : vector<1x16xi32> to vector<16xi32>
        %swap3A_400 = arith.constant 48 : index
        %swap3A_401 = tpu.vector_load %arg10[%swap3A_400] {strides = array<i32>} : memref<128xi32, #tpu.memory_space<vmem>>, vector<16xi32>,
        %swap3A_402 = vector.shape_cast %swap3A_401 : vector<16xi32> to vector<16xi32>
        %swap3A_403 = vector.shape_cast %get3A_399 : vector<16xi32> to vector<16xi32>
        tpu.vector_store %arg10[%swap3A_400], %swap3A_403 {strides = array<i32>} : memref<128xi32, #tpu.memory_space<vmem>>, vector<16xi32>,
        %get3A_404 = arith.constant 0 : i32
        %get3A_405 = arith.index_cast %get3A_404 : i32 to index
        %get3A_406 = arith.constant 64 : index
        %get3A_407 = tpu.vector_load %arg8[%get3A_405, %get3A_406] {strides = array<i32>} : memref<2x128xi32, #tpu.memory_space<vmem>>, vector<1x16xi32>,
        %get3A_408 = vector.shape_cast %get3A_407 : vector<1x16xi32> to vector<16xi32>
        %swap3A_409 = arith.constant 64 : index
        %swap3A_410 = tpu.vector_load %arg10[%swap3A_409] {strides = array<i32>} : memref<128xi32, #tpu.memory_space<vmem>>, vector<16xi32>,
        %swap3A_411 = vector.shape_cast %swap3A_410 : vector<16xi32> to vector<16xi32>
        %swap3A_412 = vector.shape_cast %get3A_408 : vector<16xi32> to vector<16xi32>
        tpu.vector_store %arg10[%swap3A_409], %swap3A_412 {strides = array<i32>} : memref<128xi32, #tpu.memory_space<vmem>>, vector<16xi32>,
        %get3A_413 = arith.constant 0 : i32
        %get3A_414 = arith.index_cast %get3A_413 : i32 to index
        %get3A_415 = arith.constant 80 : index
        %get3A_416 = tpu.vector_load %arg8[%get3A_414, %get3A_415] {strides = array<i32>} : memref<2x128xi32, #tpu.memory_space<vmem>>, vector<1x16xi32>,
        %get3A_417 = vector.shape_cast %get3A_416 : vector<1x16xi32> to vector<16xi32>
        %swap3A_418 = arith.constant 80 : index
        %swap3A_419 = tpu.vector_load %arg10[%swap3A_418] {strides = array<i32>} : memref<128xi32, #tpu.memory_space<vmem>>, vector<16xi32>,
        %swap3A_420 = vector.shape_cast %swap3A_419 : vector<16xi32> to vector<16xi32>
        %swap3A_421 = vector.shape_cast %get3A_417 : vector<16xi32> to vector<16xi32>
        tpu.vector_store %arg10[%swap3A_418], %swap3A_421 {strides = array<i32>} : memref<128xi32, #tpu.memory_space<vmem>>, vector<16xi32>,
        %get3A_422 = arith.constant 0 : i32
        %get3A_423 = arith.index_cast %get3A_422 : i32 to index
        %get3A_424 = arith.constant 96 : index
        %get3A_425 = tpu.vector_load %arg8[%get3A_423, %get3A_424] {strides = array<i32>} : memref<2x128xi32, #tpu.memory_space<vmem>>, vector<1x16xi32>,
        %get3A_426 = vector.shape_cast %get3A_425 : vector<1x16xi32> to vector<16xi32>
        %swap3A_427 = arith.constant 96 : index
        %swap3A_428 = tpu.vector_load %arg10[%swap3A_427] {strides = array<i32>} : memref<128xi32, #tpu.memory_space<vmem>>, vector<16xi32>,
        %swap3A_429 = vector.shape_cast %swap3A_428 : vector<16xi32> to vector<16xi32>
        %swap3A_430 = vector.shape_cast %get3A_426 : vector<16xi32> to vector<16xi32>
        tpu.vector_store %arg10[%swap3A_427], %swap3A_430 {strides = array<i32>} : memref<128xi32, #tpu.memory_space<vmem>>, vector<16xi32>,
        %get3A_431 = arith.constant 0 : i32
        %get3A_432 = arith.index_cast %get3A_431 : i32 to index
        %get3A_433 = arith.constant 112 : index
        %get3A_434 = tpu.vector_load %arg8[%get3A_432, %get3A_433] {strides = array<i32>} : memref<2x128xi32, #tpu.memory_space<vmem>>, vector<1x16xi32>,
        %get3A_435 = vector.shape_cast %get3A_434 : vector<1x16xi32> to vector<16xi32>
        %swap3A_436 = arith.constant 112 : index
        %swap3A_437 = tpu.vector_load %arg10[%swap3A_436] {strides = array<i32>} : memref<128xi32, #tpu.memory_space<vmem>>, vector<16xi32>,
        %swap3A_438 = vector.shape_cast %swap3A_437 : vector<16xi32> to vector<16xi32>
        %swap3A_439 = vector.shape_cast %get3A_435 : vector<16xi32> to vector<16xi32>
        tpu.vector_store %arg10[%swap3A_436], %swap3A_439 {strides = array<i32>} : memref<128xi32, #tpu.memory_space<vmem>>, vector<16xi32>,
        %dma_start3A_440 = arith.constant 0 : i32
        %dma_start3A_441 = arith.constant 0 : i32
        %dma_start3A_442 = tpu.memref_slice %arg2[%arg0, %dma_start3A_440, %dma_start3A_441] : memref<2x10000x128xf32, #tpu.memory_space<hbm>> -> memref<1x10000x128xf32, #tpu.memory_space<hbm>>
        %dma_start3A_443 = tpu.memref_squeeze %dma_start3A_442 : memref<1x10000x128xf32, #tpu.memory_space<hbm>> -> memref<10000x128xf32, #tpu.memory_space<hbm>>
        %dma_start3A_444 = arith.constant 0 : i32
        %dma_start3A_445 = arith.constant 0 : i32
        %dma_start3A_446 = tpu.memref_slice %dma_start3A_443[%dma_start3A_444, %dma_start3A_445] : memref<10000x128xf32, #tpu.memory_space<hbm>> -> memref<10000x128xf32, #tpu.memory_space<hbm>>
        tpu.enqueue_indirect_dma source(%dma_start3A_446 : memref<10000x128xf32, #tpu.memory_space<hbm>>) target(%arg12 : memref<128x128xf32, #tpu.memory_space<vmem>>) offsets(%arg10 : memref<128xi32, #tpu.memory_space<vmem>>) semaphore(%arg19 : memref<!tpu.dma_semaphore, #tpu.memory_space<semaphore_mem>>)
      } else {
      }
      %mul3A_308 = arith.constant 4 : i32
      %mul3A_309 = arith.muli %mul3A_308, %while3A_259 : i32
      %add3A_310 = arith.constant 2 : i32
      %add3A_311 = arith.addi %mul3A_309, %add3A_310 : i32
      %dma_wait3A_312 = arith.constant 0 : i32
      %dma_wait3A_313 = arith.constant 0 : i32
      %dma_wait3A_314 = tpu.memref_slice %arg2[%arg0, %dma_wait3A_312, %dma_wait3A_313] : memref<2x10000x128xf32, #tpu.memory_space<hbm>> -> memref<1x10000x128xf32, #tpu.memory_space<hbm>>
      %dma_wait3A_315 = tpu.memref_squeeze %dma_wait3A_314 : memref<1x10000x128xf32, #tpu.memory_space<hbm>> -> memref<10000x128xf32, #tpu.memory_space<hbm>>
      %dma_wait3A_316 = arith.constant 0 : i32
      %dma_wait3A_317 = arith.constant 0 : i32
      %dma_wait3A_318 = tpu.memref_slice %dma_wait3A_315[%dma_wait3A_316, %dma_wait3A_317] : memref<10000x128xf32, #tpu.memory_space<hbm>> -> memref<10000x128xf32, #tpu.memory_space<hbm>>
      tpu.wait_indirect_dma semaphore(%arg18 : memref<!tpu.dma_semaphore, #tpu.memory_space<semaphore_mem>>) src(%dma_wait3A_318 : memref<10000x128xf32, #tpu.memory_space<hbm>>) dst(%arg11 : memref<128x128xf32, #tpu.memory_space<vmem>>)
      %run_scoped3A_319 = arith.constant 1 : i32
      "tpu.region"() ({
        %run_scoped3A_356 = tpu.sem_alloc : memref<!tpu.dma_semaphore, #tpu.memory_space<semaphore_mem>>
        %dma_start3A_357 = arith.constant 0 : i32
        %dma_start3A_358 = tpu.memref_slice %arg7[%run_scoped3A_319, %dma_start3A_357] : memref<2x128xi32, #tpu.memory_space<vmem>> -> memref<1x128xi32, #tpu.memory_space<vmem>>
        %dma_start3A_359 = tpu.memref_squeeze %dma_start3A_358 : memref<1x128xi32, #tpu.memory_space<vmem>> -> memref<128xi32, #tpu.memory_space<vmem>>
        %dma_start3A_360 = arith.constant 0 : i32
        %dma_start3A_361 = arith.constant 0 : i32
        %dma_start3A_362 = tpu.memref_slice %arg13[%dma_start3A_360, %dma_start3A_361] : memref<10240x128xf32, #tpu.memory_space<vmem_shared>> -> memref<10240x128xf32, #tpu.memory_space<vmem_shared>>
        tpu.enqueue_indirect_dma source(%arg11 : memref<128x128xf32, #tpu.memory_space<vmem>>) target(%dma_start3A_362 : memref<10240x128xf32, #tpu.memory_space<vmem_shared>>) offsets(%dma_start3A_359 : memref<128xi32, #tpu.memory_space<vmem>>) semaphore(%run_scoped3A_356 : memref<!tpu.dma_semaphore, #tpu.memory_space<semaphore_mem>>) {add = true}
        %dma_wait3A_363 = arith.constant 0 : i32
        %dma_wait3A_364 = tpu.memref_slice %arg7[%run_scoped3A_319, %dma_wait3A_363] : memref<2x128xi32, #tpu.memory_space<vmem>> -> memref<1x128xi32, #tpu.memory_space<vmem>>
        %dma_wait3A_365 = tpu.memref_squeeze %dma_wait3A_364 : memref<1x128xi32, #tpu.memory_space<vmem>> -> memref<128xi32, #tpu.memory_space<vmem>>
        %dma_wait3A_366 = arith.constant 0 : i32
        %dma_wait3A_367 = arith.constant 0 : i32
        %dma_wait3A_368 = tpu.memref_slice %arg13[%dma_wait3A_366, %dma_wait3A_367] : memref<10240x128xf32, #tpu.memory_space<vmem_shared>> -> memref<10240x128xf32, #tpu.memory_space<vmem_shared>>
        tpu.wait_indirect_dma semaphore(%run_scoped3A_356 : memref<!tpu.dma_semaphore, #tpu.memory_space<semaphore_mem>>) src(%arg11 : memref<128x128xf32, #tpu.memory_space<vmem>>) dst(%dma_wait3A_368 : memref<10240x128xf32, #tpu.memory_space<vmem_shared>>)
        tpu.yield
      }) : () -> ()
      %add3A_320 = arith.constant 4 : i32
      %add3A_321 = arith.addi %add3A_311, %add3A_320 : i32
      %lt3A_322 = arith.cmpi slt, %add3A_321, %select_n3A : i32
      %convert_element_type3A_323 = arith.extui %lt3A_322 : i1 to i32
      %cond3A_324 = arith.constant 0 : i32
      %cond3A_325 = arith.cmpi ne, %convert_element_type3A_323, %cond3A_324 : i32
      scf.if %cond3A_325 {
        %add3A_356 = arith.constant 2 : i32
        %add3A_357 = arith.addi %add3A_262, %add3A_356 : i32
        %add3A_358 = arith.constant 4 : i32
        %add3A_359 = arith.addi %add3A_357, %add3A_358 : i32
        %dma_start3A_360 = arith.constant 0 : i32
        %dma_start3A_361 = arith.constant 0 : i32
        %dma_start3A_362 = tpu.memref_slice %arg3[%arg0, %add3A_359, %dma_start3A_360, %dma_start3A_361] : memref<2x2500x2x128xi32, #tpu.memory_space<hbm>> -> memref<1x1x2x128xi32, #tpu.memory_space<hbm>>
        %dma_start3A_363 = tpu.memref_squeeze %dma_start3A_362 : memref<1x1x2x128xi32, #tpu.memory_space<hbm>> -> memref<2x128xi32, #tpu.memory_space<hbm>>
        %dma_start3A_364 = arith.constant 0 : i32
        %dma_start3A_365 = arith.constant 0 : i32
        %dma_start3A_366 = tpu.memref_slice %arg3[%arg0, %add3A_359, %dma_start3A_364, %dma_start3A_365] : memref<2x2500x2x128xi32, #tpu.memory_space<hbm>> -> memref<1x1x2x128xi32, #tpu.memory_space<hbm>>
        %dma_start3A_367 = tpu.memref_squeeze %dma_start3A_366 : memref<1x1x2x128xi32, #tpu.memory_space<hbm>> -> memref<2x128xi32, #tpu.memory_space<hbm>>
        tpu.enqueue_dma source(%dma_start3A_367 : memref<2x128xi32, #tpu.memory_space<hbm>>) target(%arg7 : memref<2x128xi32, #tpu.memory_space<vmem>>) target_semaphore(%arg16 : memref<!tpu.dma_semaphore, #tpu.memory_space<semaphore_mem>>)
      } else {
      }
      %add3A_326 = arith.constant 2 : i32
      %add3A_327 = arith.addi %add3A_311, %add3A_326 : i32
      %lt3A_328 = arith.cmpi slt, %add3A_327, %select_n3A : i32
      %convert_element_type3A_329 = arith.extui %lt3A_328 : i1 to i32
      %cond3A_330 = arith.constant 0 : i32
      %cond3A_331 = arith.cmpi ne, %convert_element_type3A_329, %cond3A_330 : i32
      scf.if %cond3A_331 {
        %add3A_356 = arith.constant 2 : i32
        %add3A_357 = arith.addi %add3A_262, %add3A_356 : i32
        %add3A_358 = arith.constant 2 : i32
        %add3A_359 = arith.addi %add3A_357, %add3A_358 : i32
        %dma_wait3A_360 = arith.constant 0 : i32
        %dma_wait3A_361 = arith.constant 0 : i32
        %dma_wait3A_362 = tpu.memref_slice %arg3[%arg0, %add3A_359, %dma_wait3A_360, %dma_wait3A_361] : memref<2x2500x2x128xi32, #tpu.memory_space<hbm>> -> memref<1x1x2x128xi32, #tpu.memory_space<hbm>>
        %dma_wait3A_363 = tpu.memref_squeeze %dma_wait3A_362 : memref<1x1x2x128xi32, #tpu.memory_space<hbm>> -> memref<2x128xi32, #tpu.memory_space<hbm>>
        %dma_wait3A_364 = arith.constant 0 : i32
        %dma_wait3A_365 = arith.constant 0 : i32
        %dma_wait3A_366 = tpu.memref_slice %arg3[%arg0, %add3A_359, %dma_wait3A_364, %dma_wait3A_365] : memref<2x2500x2x128xi32, #tpu.memory_space<hbm>> -> memref<1x1x2x128xi32, #tpu.memory_space<hbm>>
        %dma_wait3A_367 = tpu.memref_squeeze %dma_wait3A_366 : memref<1x1x2x128xi32, #tpu.memory_space<hbm>> -> memref<2x128xi32, #tpu.memory_space<hbm>>
        tpu.wait_dma2 semaphore(%arg14 : memref<!tpu.dma_semaphore, #tpu.memory_space<semaphore_mem>>) src(%dma_wait3A_367 : memref<2x128xi32, #tpu.memory_space<hbm>>) dst(%arg5 : memref<2x128xi32, #tpu.memory_space<vmem>>)
        %get3A_368 = arith.constant 0 : i32
        %get3A_369 = arith.index_cast %get3A_368 : i32 to index
        %get3A_370 = arith.constant 0 : index
        %get3A_371 = tpu.vector_load %arg5[%get3A_369, %get3A_370] {strides = array<i32>} : memref<2x128xi32, #tpu.memory_space<vmem>>, vector<1x16xi32>,
        %get3A_372 = vector.shape_cast %get3A_371 : vector<1x16xi32> to vector<16xi32>
        %swap3A_373 = arith.constant 0 : index
        %swap3A_374 = tpu.vector_load %arg9[%swap3A_373] {strides = array<i32>} : memref<128xi32, #tpu.memory_space<vmem>>, vector<16xi32>,
        %swap3A_375 = vector.shape_cast %swap3A_374 : vector<16xi32> to vector<16xi32>
        %swap3A_376 = vector.shape_cast %get3A_372 : vector<16xi32> to vector<16xi32>
        tpu.vector_store %arg9[%swap3A_373], %swap3A_376 {strides = array<i32>} : memref<128xi32, #tpu.memory_space<vmem>>, vector<16xi32>,
        %get3A_377 = arith.constant 0 : i32
        %get3A_378 = arith.index_cast %get3A_377 : i32 to index
        %get3A_379 = arith.constant 16 : index
        %get3A_380 = tpu.vector_load %arg5[%get3A_378, %get3A_379] {strides = array<i32>} : memref<2x128xi32, #tpu.memory_space<vmem>>, vector<1x16xi32>,
        %get3A_381 = vector.shape_cast %get3A_380 : vector<1x16xi32> to vector<16xi32>
        %swap3A_382 = arith.constant 16 : index
        %swap3A_383 = tpu.vector_load %arg9[%swap3A_382] {strides = array<i32>} : memref<128xi32, #tpu.memory_space<vmem>>, vector<16xi32>,
        %swap3A_384 = vector.shape_cast %swap3A_383 : vector<16xi32> to vector<16xi32>
        %swap3A_385 = vector.shape_cast %get3A_381 : vector<16xi32> to vector<16xi32>
        tpu.vector_store %arg9[%swap3A_382], %swap3A_385 {strides = array<i32>} : memref<128xi32, #tpu.memory_space<vmem>>, vector<16xi32>,
        %get3A_386 = arith.constant 0 : i32
        %get3A_387 = arith.index_cast %get3A_386 : i32 to index
        %get3A_388 = arith.constant 32 : index
        %get3A_389 = tpu.vector_load %arg5[%get3A_387, %get3A_388] {strides = array<i32>} : memref<2x128xi32, #tpu.memory_space<vmem>>, vector<1x16xi32>,
        %get3A_390 = vector.shape_cast %get3A_389 : vector<1x16xi32> to vector<16xi32>
        %swap3A_391 = arith.constant 32 : index
        %swap3A_392 = tpu.vector_load %arg9[%swap3A_391] {strides = array<i32>} : memref<128xi32, #tpu.memory_space<vmem>>, vector<16xi32>,
        %swap3A_393 = vector.shape_cast %swap3A_392 : vector<16xi32> to vector<16xi32>
        %swap3A_394 = vector.shape_cast %get3A_390 : vector<16xi32> to vector<16xi32>
        tpu.vector_store %arg9[%swap3A_391], %swap3A_394 {strides = array<i32>} : memref<128xi32, #tpu.memory_space<vmem>>, vector<16xi32>,
        %get3A_395 = arith.constant 0 : i32
        %get3A_396 = arith.index_cast %get3A_395 : i32 to index
        %get3A_397 = arith.constant 48 : index
        %get3A_398 = tpu.vector_load %arg5[%get3A_396, %get3A_397] {strides = array<i32>} : memref<2x128xi32, #tpu.memory_space<vmem>>, vector<1x16xi32>,
        %get3A_399 = vector.shape_cast %get3A_398 : vector<1x16xi32> to vector<16xi32>
        %swap3A_400 = arith.constant 48 : index
        %swap3A_401 = tpu.vector_load %arg9[%swap3A_400] {strides = array<i32>} : memref<128xi32, #tpu.memory_space<vmem>>, vector<16xi32>,
        %swap3A_402 = vector.shape_cast %swap3A_401 : vector<16xi32> to vector<16xi32>
        %swap3A_403 = vector.shape_cast %get3A_399 : vector<16xi32> to vector<16xi32>
        tpu.vector_store %arg9[%swap3A_400], %swap3A_403 {strides = array<i32>} : memref<128xi32, #tpu.memory_space<vmem>>, vector<16xi32>,
        %get3A_404 = arith.constant 0 : i32
        %get3A_405 = arith.index_cast %get3A_404 : i32 to index
        %get3A_406 = arith.constant 64 : index
        %get3A_407 = tpu.vector_load %arg5[%get3A_405, %get3A_406] {strides = array<i32>} : memref<2x128xi32, #tpu.memory_space<vmem>>, vector<1x16xi32>,
        %get3A_408 = vector.shape_cast %get3A_407 : vector<1x16xi32> to vector<16xi32>
        %swap3A_409 = arith.constant 64 : index
        %swap3A_410 = tpu.vector_load %arg9[%swap3A_409] {strides = array<i32>} : memref<128xi32, #tpu.memory_space<vmem>>, vector<16xi32>,
        %swap3A_411 = vector.shape_cast %swap3A_410 : vector<16xi32> to vector<16xi32>
        %swap3A_412 = vector.shape_cast %get3A_408 : vector<16xi32> to vector<16xi32>
        tpu.vector_store %arg9[%swap3A_409], %swap3A_412 {strides = array<i32>} : memref<128xi32, #tpu.memory_space<vmem>>, vector<16xi32>,
        %get3A_413 = arith.constant 0 : i32
        %get3A_414 = arith.index_cast %get3A_413 : i32 to index
        %get3A_415 = arith.constant 80 : index
        %get3A_416 = tpu.vector_load %arg5[%get3A_414, %get3A_415] {strides = array<i32>} : memref<2x128xi32, #tpu.memory_space<vmem>>, vector<1x16xi32>,
        %get3A_417 = vector.shape_cast %get3A_416 : vector<1x16xi32> to vector<16xi32>
        %swap3A_418 = arith.constant 80 : index
        %swap3A_419 = tpu.vector_load %arg9[%swap3A_418] {strides = array<i32>} : memref<128xi32, #tpu.memory_space<vmem>>, vector<16xi32>,
        %swap3A_420 = vector.shape_cast %swap3A_419 : vector<16xi32> to vector<16xi32>
        %swap3A_421 = vector.shape_cast %get3A_417 : vector<16xi32> to vector<16xi32>
        tpu.vector_store %arg9[%swap3A_418], %swap3A_421 {strides = array<i32>} : memref<128xi32, #tpu.memory_space<vmem>>, vector<16xi32>,
        %get3A_422 = arith.constant 0 : i32
        %get3A_423 = arith.index_cast %get3A_422 : i32 to index
        %get3A_424 = arith.constant 96 : index
        %get3A_425 = tpu.vector_load %arg5[%get3A_423, %get3A_424] {strides = array<i32>} : memref<2x128xi32, #tpu.memory_space<vmem>>, vector<1x16xi32>,
        %get3A_426 = vector.shape_cast %get3A_425 : vector<1x16xi32> to vector<16xi32>
        %swap3A_427 = arith.constant 96 : index
        %swap3A_428 = tpu.vector_load %arg9[%swap3A_427] {strides = array<i32>} : memref<128xi32, #tpu.memory_space<vmem>>, vector<16xi32>,
        %swap3A_429 = vector.shape_cast %swap3A_428 : vector<16xi32> to vector<16xi32>
        %swap3A_430 = vector.shape_cast %get3A_426 : vector<16xi32> to vector<16xi32>
        tpu.vector_store %arg9[%swap3A_427], %swap3A_430 {strides = array<i32>} : memref<128xi32, #tpu.memory_space<vmem>>, vector<16xi32>,
        %get3A_431 = arith.constant 0 : i32
        %get3A_432 = arith.index_cast %get3A_431 : i32 to index
        %get3A_433 = arith.constant 112 : index
        %get3A_434 = tpu.vector_load %arg5[%get3A_432, %get3A_433] {strides = array<i32>} : memref<2x128xi32, #tpu.memory_space<vmem>>, vector<1x16xi32>,
        %get3A_435 = vector.shape_cast %get3A_434 : vector<1x16xi32> to vector<16xi32>
        %swap3A_436 = arith.constant 112 : index
        %swap3A_437 = tpu.vector_load %arg9[%swap3A_436] {strides = array<i32>} : memref<128xi32, #tpu.memory_space<vmem>>, vector<16xi32>,
        %swap3A_438 = vector.shape_cast %swap3A_437 : vector<16xi32> to vector<16xi32>
        %swap3A_439 = vector.shape_cast %get3A_435 : vector<16xi32> to vector<16xi32>
        tpu.vector_store %arg9[%swap3A_436], %swap3A_439 {strides = array<i32>} : memref<128xi32, #tpu.memory_space<vmem>>, vector<16xi32>,
        %dma_start3A_440 = arith.constant 0 : i32
        %dma_start3A_441 = arith.constant 0 : i32
        %dma_start3A_442 = tpu.memref_slice %arg2[%arg0, %dma_start3A_440, %dma_start3A_441] : memref<2x10000x128xf32, #tpu.memory_space<hbm>> -> memref<1x10000x128xf32, #tpu.memory_space<hbm>>
        %dma_start3A_443 = tpu.memref_squeeze %dma_start3A_442 : memref<1x10000x128xf32, #tpu.memory_space<hbm>> -> memref<10000x128xf32, #tpu.memory_space<hbm>>
        %dma_start3A_444 = arith.constant 0 : i32
        %dma_start3A_445 = arith.constant 0 : i32
        %dma_start3A_446 = tpu.memref_slice %dma_start3A_443[%dma_start3A_444, %dma_start3A_445] : memref<10000x128xf32, #tpu.memory_space<hbm>> -> memref<10000x128xf32, #tpu.memory_space<hbm>>
        tpu.enqueue_indirect_dma source(%dma_start3A_446 : memref<10000x128xf32, #tpu.memory_space<hbm>>) target(%arg11 : memref<128x128xf32, #tpu.memory_space<vmem>>) offsets(%arg9 : memref<128xi32, #tpu.memory_space<vmem>>) semaphore(%arg18 : memref<!tpu.dma_semaphore, #tpu.memory_space<semaphore_mem>>)
      } else {
      }
      %mul3A_332 = arith.constant 4 : i32
      %mul3A_333 = arith.muli %mul3A_332, %while3A_259 : i32
      %add3A_334 = arith.constant 3 : i32
      %add3A_335 = arith.addi %mul3A_333, %add3A_334 : i32
      %dma_wait3A_336 = arith.constant 0 : i32
      %dma_wait3A_337 = arith.constant 0 : i32
      %dma_wait3A_338 = tpu.memref_slice %arg2[%arg0, %dma_wait3A_336, %dma_wait3A_337] : memref<2x10000x128xf32, #tpu.memory_space<hbm>> -> memref<1x10000x128xf32, #tpu.memory_space<hbm>>
      %dma_wait3A_339 = tpu.memref_squeeze %dma_wait3A_338 : memref<1x10000x128xf32, #tpu.memory_space<hbm>> -> memref<10000x128xf32, #tpu.memory_space<hbm>>
      %dma_wait3A_340 = arith.constant 0 : i32
      %dma_wait3A_341 = arith.constant 0 : i32
      %dma_wait3A_342 = tpu.memref_slice %dma_wait3A_339[%dma_wait3A_340, %dma_wait3A_341] : memref<10000x128xf32, #tpu.memory_space<hbm>> -> memref<10000x128xf32, #tpu.memory_space<hbm>>
      tpu.wait_indirect_dma semaphore(%arg19 : memref<!tpu.dma_semaphore, #tpu.memory_space<semaphore_mem>>) src(%dma_wait3A_342 : memref<10000x128xf32, #tpu.memory_space<hbm>>) dst(%arg12 : memref<128x128xf32, #tpu.memory_space<vmem>>)
      %run_scoped3A_343 = arith.constant 1 : i32
      "tpu.region"() ({
        %run_scoped3A_356 = tpu.sem_alloc : memref<!tpu.dma_semaphore, #tpu.memory_space<semaphore_mem>>
        %dma_start3A_357 = arith.constant 0 : i32
        %dma_start3A_358 = tpu.memref_slice %arg8[%run_scoped3A_343, %dma_start3A_357] : memref<2x128xi32, #tpu.memory_space<vmem>> -> memref<1x128xi32, #tpu.memory_space<vmem>>
        %dma_start3A_359 = tpu.memref_squeeze %dma_start3A_358 : memref<1x128xi32, #tpu.memory_space<vmem>> -> memref<128xi32, #tpu.memory_space<vmem>>
        %dma_start3A_360 = arith.constant 0 : i32
        %dma_start3A_361 = arith.constant 0 : i32
        %dma_start3A_362 = tpu.memref_slice %arg13[%dma_start3A_360, %dma_start3A_361] : memref<10240x128xf32, #tpu.memory_space<vmem_shared>> -> memref<10240x128xf32, #tpu.memory_space<vmem_shared>>
        tpu.enqueue_indirect_dma source(%arg12 : memref<128x128xf32, #tpu.memory_space<vmem>>) target(%dma_start3A_362 : memref<10240x128xf32, #tpu.memory_space<vmem_shared>>) offsets(%dma_start3A_359 : memref<128xi32, #tpu.memory_space<vmem>>) semaphore(%run_scoped3A_356 : memref<!tpu.dma_semaphore, #tpu.memory_space<semaphore_mem>>) {add = true}
        %dma_wait3A_363 = arith.constant 0 : i32
        %dma_wait3A_364 = tpu.memref_slice %arg8[%run_scoped3A_343, %dma_wait3A_363] : memref<2x128xi32, #tpu.memory_space<vmem>> -> memref<1x128xi32, #tpu.memory_space<vmem>>
        %dma_wait3A_365 = tpu.memref_squeeze %dma_wait3A_364 : memref<1x128xi32, #tpu.memory_space<vmem>> -> memref<128xi32, #tpu.memory_space<vmem>>
        %dma_wait3A_366 = arith.constant 0 : i32
        %dma_wait3A_367 = arith.constant 0 : i32
        %dma_wait3A_368 = tpu.memref_slice %arg13[%dma_wait3A_366, %dma_wait3A_367] : memref<10240x128xf32, #tpu.memory_space<vmem_shared>> -> memref<10240x128xf32, #tpu.memory_space<vmem_shared>>
        tpu.wait_indirect_dma semaphore(%run_scoped3A_356 : memref<!tpu.dma_semaphore, #tpu.memory_space<semaphore_mem>>) src(%arg12 : memref<128x128xf32, #tpu.memory_space<vmem>>) dst(%dma_wait3A_368 : memref<10240x128xf32, #tpu.memory_space<vmem_shared>>)
        tpu.yield
      }) : () -> ()
      %add3A_344 = arith.constant 4 : i32
      %add3A_345 = arith.addi %add3A_335, %add3A_344 : i32
      %lt3A_346 = arith.cmpi slt, %add3A_345, %select_n3A : i32
      %convert_element_type3A_347 = arith.extui %lt3A_346 : i1 to i32
      %cond3A_348 = arith.constant 0 : i32
      %cond3A_349 = arith.cmpi ne, %convert_element_type3A_347, %cond3A_348 : i32
      scf.if %cond3A_349 {
        %add3A_356 = arith.constant 3 : i32
        %add3A_357 = arith.addi %add3A_262, %add3A_356 : i32
        %add3A_358 = arith.constant 4 : i32
        %add3A_359 = arith.addi %add3A_357, %add3A_358 : i32
        %dma_start3A_360 = arith.constant 0 : i32
        %dma_start3A_361 = arith.constant 0 : i32
        %dma_start3A_362 = tpu.memref_slice %arg3[%arg0, %add3A_359, %dma_start3A_360, %dma_start3A_361] : memref<2x2500x2x128xi32, #tpu.memory_space<hbm>> -> memref<1x1x2x128xi32, #tpu.memory_space<hbm>>
        %dma_start3A_363 = tpu.memref_squeeze %dma_start3A_362 : memref<1x1x2x128xi32, #tpu.memory_space<hbm>> -> memref<2x128xi32, #tpu.memory_space<hbm>>
        %dma_start3A_364 = arith.constant 0 : i32
        %dma_start3A_365 = arith.constant 0 : i32
        %dma_start3A_366 = tpu.memref_slice %arg3[%arg0, %add3A_359, %dma_start3A_364, %dma_start3A_365] : memref<2x2500x2x128xi32, #tpu.memory_space<hbm>> -> memref<1x1x2x128xi32, #tpu.memory_space<hbm>>
        %dma_start3A_367 = tpu.memref_squeeze %dma_start3A_366 : memref<1x1x2x128xi32, #tpu.memory_space<hbm>> -> memref<2x128xi32, #tpu.memory_space<hbm>>
        tpu.enqueue_dma source(%dma_start3A_367 : memref<2x128xi32, #tpu.memory_space<hbm>>) target(%arg8 : memref<2x128xi32, #tpu.memory_space<vmem>>) target_semaphore(%arg17 : memref<!tpu.dma_semaphore, #tpu.memory_space<semaphore_mem>>)
      } else {
      }
      %add3A_350 = arith.constant 2 : i32
      %add3A_351 = arith.addi %add3A_335, %add3A_350 : i32
      %lt3A_352 = arith.cmpi slt, %add3A_351, %select_n3A : i32
      %convert_element_type3A_353 = arith.extui %lt3A_352 : i1 to i32
      %cond3A_354 = arith.constant 0 : i32
      %cond3A_355 = arith.cmpi ne, %convert_element_type3A_353, %cond3A_354 : i32
      scf.if %cond3A_355 {
        %add3A_356 = arith.constant 3 : i32
        %add3A_357 = arith.addi %add3A_262, %add3A_356 : i32
        %add3A_358 = arith.constant 2 : i32
        %add3A_359 = arith.addi %add3A_357, %add3A_358 : i32
        %dma_wait3A_360 = arith.constant 0 : i32
        %dma_wait3A_361 = arith.constant 0 : i32
        %dma_wait3A_362 = tpu.memref_slice %arg3[%arg0, %add3A_359, %dma_wait3A_360, %dma_wait3A_361] : memref<2x2500x2x128xi32, #tpu.memory_space<hbm>> -> memref<1x1x2x128xi32, #tpu.memory_space<hbm>>
        %dma_wait3A_363 = tpu.memref_squeeze %dma_wait3A_362 : memref<1x1x2x128xi32, #tpu.memory_space<hbm>> -> memref<2x128xi32, #tpu.memory_space<hbm>>
        %dma_wait3A_364 = arith.constant 0 : i32
        %dma_wait3A_365 = arith.constant 0 : i32
        %dma_wait3A_366 = tpu.memref_slice %arg3[%arg0, %add3A_359, %dma_wait3A_364, %dma_wait3A_365] : memref<2x2500x2x128xi32, #tpu.memory_space<hbm>> -> memref<1x1x2x128xi32, #tpu.memory_space<hbm>>
        %dma_wait3A_367 = tpu.memref_squeeze %dma_wait3A_366 : memref<1x1x2x128xi32, #tpu.memory_space<hbm>> -> memref<2x128xi32, #tpu.memory_space<hbm>>
        tpu.wait_dma2 semaphore(%arg15 : memref<!tpu.dma_semaphore, #tpu.memory_space<semaphore_mem>>) src(%dma_wait3A_367 : memref<2x128xi32, #tpu.memory_space<hbm>>) dst(%arg6 : memref<2x128xi32, #tpu.memory_space<vmem>>)
        %get3A_368 = arith.constant 0 : i32
        %get3A_369 = arith.index_cast %get3A_368 : i32 to index
        %get3A_370 = arith.constant 0 : index
        %get3A_371 = tpu.vector_load %arg6[%get3A_369, %get3A_370] {strides = array<i32>} : memref<2x128xi32, #tpu.memory_space<vmem>>, vector<1x16xi32>,
        %get3A_372 = vector.shape_cast %get3A_371 : vector<1x16xi32> to vector<16xi32>
        %swap3A_373 = arith.constant 0 : index
        %swap3A_374 = tpu.vector_load %arg10[%swap3A_373] {strides = array<i32>} : memref<128xi32, #tpu.memory_space<vmem>>, vector<16xi32>,
        %swap3A_375 = vector.shape_cast %swap3A_374 : vector<16xi32> to vector<16xi32>
        %swap3A_376 = vector.shape_cast %get3A_372 : vector<16xi32> to vector<16xi32>
        tpu.vector_store %arg10[%swap3A_373], %swap3A_376 {strides = array<i32>} : memref<128xi32, #tpu.memory_space<vmem>>, vector<16xi32>,
        %get3A_377 = arith.constant 0 : i32
        %get3A_378 = arith.index_cast %get3A_377 : i32 to index
        %get3A_379 = arith.constant 16 : index
        %get3A_380 = tpu.vector_load %arg6[%get3A_378, %get3A_379] {strides = array<i32>} : memref<2x128xi32, #tpu.memory_space<vmem>>, vector<1x16xi32>,
        %get3A_381 = vector.shape_cast %get3A_380 : vector<1x16xi32> to vector<16xi32>
        %swap3A_382 = arith.constant 16 : index
        %swap3A_383 = tpu.vector_load %arg10[%swap3A_382] {strides = array<i32>} : memref<128xi32, #tpu.memory_space<vmem>>, vector<16xi32>,
        %swap3A_384 = vector.shape_cast %swap3A_383 : vector<16xi32> to vector<16xi32>
        %swap3A_385 = vector.shape_cast %get3A_381 : vector<16xi32> to vector<16xi32>
        tpu.vector_store %arg10[%swap3A_382], %swap3A_385 {strides = array<i32>} : memref<128xi32, #tpu.memory_space<vmem>>, vector<16xi32>,
        %get3A_386 = arith.constant 0 : i32
        %get3A_387 = arith.index_cast %get3A_386 : i32 to index
        %get3A_388 = arith.constant 32 : index
        %get3A_389 = tpu.vector_load %arg6[%get3A_387, %get3A_388] {strides = array<i32>} : memref<2x128xi32, #tpu.memory_space<vmem>>, vector<1x16xi32>,
        %get3A_390 = vector.shape_cast %get3A_389 : vector<1x16xi32> to vector<16xi32>
        %swap3A_391 = arith.constant 32 : index
        %swap3A_392 = tpu.vector_load %arg10[%swap3A_391] {strides = array<i32>} : memref<128xi32, #tpu.memory_space<vmem>>, vector<16xi32>,
        %swap3A_393 = vector.shape_cast %swap3A_392 : vector<16xi32> to vector<16xi32>
        %swap3A_394 = vector.shape_cast %get3A_390 : vector<16xi32> to vector<16xi32>
        tpu.vector_store %arg10[%swap3A_391], %swap3A_394 {strides = array<i32>} : memref<128xi32, #tpu.memory_space<vmem>>, vector<16xi32>,
        %get3A_395 = arith.constant 0 : i32
        %get3A_396 = arith.index_cast %get3A_395 : i32 to index
        %get3A_397 = arith.constant 48 : index
        %get3A_398 = tpu.vector_load %arg6[%get3A_396, %get3A_397] {strides = array<i32>} : memref<2x128xi32, #tpu.memory_space<vmem>>, vector<1x16xi32>,
        %get3A_399 = vector.shape_cast %get3A_398 : vector<1x16xi32> to vector<16xi32>
        %swap3A_400 = arith.constant 48 : index
        %swap3A_401 = tpu.vector_load %arg10[%swap3A_400] {strides = array<i32>} : memref<128xi32, #tpu.memory_space<vmem>>, vector<16xi32>,
        %swap3A_402 = vector.shape_cast %swap3A_401 : vector<16xi32> to vector<16xi32>
        %swap3A_403 = vector.shape_cast %get3A_399 : vector<16xi32> to vector<16xi32>
        tpu.vector_store %arg10[%swap3A_400], %swap3A_403 {strides = array<i32>} : memref<128xi32, #tpu.memory_space<vmem>>, vector<16xi32>,
        %get3A_404 = arith.constant 0 : i32
        %get3A_405 = arith.index_cast %get3A_404 : i32 to index
        %get3A_406 = arith.constant 64 : index
        %get3A_407 = tpu.vector_load %arg6[%get3A_405, %get3A_406] {strides = array<i32>} : memref<2x128xi32, #tpu.memory_space<vmem>>, vector<1x16xi32>,
        %get3A_408 = vector.shape_cast %get3A_407 : vector<1x16xi32> to vector<16xi32>
        %swap3A_409 = arith.constant 64 : index
        %swap3A_410 = tpu.vector_load %arg10[%swap3A_409] {strides = array<i32>} : memref<128xi32, #tpu.memory_space<vmem>>, vector<16xi32>,
        %swap3A_411 = vector.shape_cast %swap3A_410 : vector<16xi32> to vector<16xi32>
        %swap3A_412 = vector.shape_cast %get3A_408 : vector<16xi32> to vector<16xi32>
        tpu.vector_store %arg10[%swap3A_409], %swap3A_412 {strides = array<i32>} : memref<128xi32, #tpu.memory_space<vmem>>, vector<16xi32>,
        %get3A_413 = arith.constant 0 : i32
        %get3A_414 = arith.index_cast %get3A_413 : i32 to index
        %get3A_415 = arith.constant 80 : index
        %get3A_416 = tpu.vector_load %arg6[%get3A_414, %get3A_415] {strides = array<i32>} : memref<2x128xi32, #tpu.memory_space<vmem>>, vector<1x16xi32>,
        %get3A_417 = vector.shape_cast %get3A_416 : vector<1x16xi32> to vector<16xi32>
        %swap3A_418 = arith.constant 80 : index
        %swap3A_419 = tpu.vector_load %arg10[%swap3A_418] {strides = array<i32>} : memref<128xi32, #tpu.memory_space<vmem>>, vector<16xi32>,
        %swap3A_420 = vector.shape_cast %swap3A_419 : vector<16xi32> to vector<16xi32>
        %swap3A_421 = vector.shape_cast %get3A_417 : vector<16xi32> to vector<16xi32>
        tpu.vector_store %arg10[%swap3A_418], %swap3A_421 {strides = array<i32>} : memref<128xi32, #tpu.memory_space<vmem>>, vector<16xi32>,
        %get3A_422 = arith.constant 0 : i32
        %get3A_423 = arith.index_cast %get3A_422 : i32 to index
        %get3A_424 = arith.constant 96 : index
        %get3A_425 = tpu.vector_load %arg6[%get3A_423, %get3A_424] {strides = array<i32>} : memref<2x128xi32, #tpu.memory_space<vmem>>, vector<1x16xi32>,
        %get3A_426 = vector.shape_cast %get3A_425 : vector<1x16xi32> to vector<16xi32>
        %swap3A_427 = arith.constant 96 : index
        %swap3A_428 = tpu.vector_load %arg10[%swap3A_427] {strides = array<i32>} : memref<128xi32, #tpu.memory_space<vmem>>, vector<16xi32>,
        %swap3A_429 = vector.shape_cast %swap3A_428 : vector<16xi32> to vector<16xi32>
        %swap3A_430 = vector.shape_cast %get3A_426 : vector<16xi32> to vector<16xi32>
        tpu.vector_store %arg10[%swap3A_427], %swap3A_430 {strides = array<i32>} : memref<128xi32, #tpu.memory_space<vmem>>, vector<16xi32>,
        %get3A_431 = arith.constant 0 : i32
        %get3A_432 = arith.index_cast %get3A_431 : i32 to index
        %get3A_433 = arith.constant 112 : index
        %get3A_434 = tpu.vector_load %arg6[%get3A_432, %get3A_433] {strides = array<i32>} : memref<2x128xi32, #tpu.memory_space<vmem>>, vector<1x16xi32>,
        %get3A_435 = vector.shape_cast %get3A_434 : vector<1x16xi32> to vector<16xi32>
        %swap3A_436 = arith.constant 112 : index
        %swap3A_437 = tpu.vector_load %arg10[%swap3A_436] {strides = array<i32>} : memref<128xi32, #tpu.memory_space<vmem>>, vector<16xi32>,
        %swap3A_438 = vector.shape_cast %swap3A_437 : vector<16xi32> to vector<16xi32>
        %swap3A_439 = vector.shape_cast %get3A_435 : vector<16xi32> to vector<16xi32>
        tpu.vector_store %arg10[%swap3A_436], %swap3A_439 {strides = array<i32>} : memref<128xi32, #tpu.memory_space<vmem>>, vector<16xi32>,
        %dma_start3A_440 = arith.constant 0 : i32
        %dma_start3A_441 = arith.constant 0 : i32
        %dma_start3A_442 = tpu.memref_slice %arg2[%arg0, %dma_start3A_440, %dma_start3A_441] : memref<2x10000x128xf32, #tpu.memory_space<hbm>> -> memref<1x10000x128xf32, #tpu.memory_space<hbm>>
        %dma_start3A_443 = tpu.memref_squeeze %dma_start3A_442 : memref<1x10000x128xf32, #tpu.memory_space<hbm>> -> memref<10000x128xf32, #tpu.memory_space<hbm>>
        %dma_start3A_444 = arith.constant 0 : i32
        %dma_start3A_445 = arith.constant 0 : i32
        %dma_start3A_446 = tpu.memref_slice %dma_start3A_443[%dma_start3A_444, %dma_start3A_445] : memref<10000x128xf32, #tpu.memory_space<hbm>> -> memref<10000x128xf32, #tpu.memory_space<hbm>>
        tpu.enqueue_indirect_dma source(%dma_start3A_446 : memref<10000x128xf32, #tpu.memory_space<hbm>>) target(%arg12 : memref<128x128xf32, #tpu.memory_space<vmem>>) offsets(%arg10 : memref<128xi32, #tpu.memory_space<vmem>>) semaphore(%arg19 : memref<!tpu.dma_semaphore, #tpu.memory_space<semaphore_mem>>)
      } else {
      }
    }
    %while3A_253 = arith.constant 1 : i32
    scf.for %while3A_259 = %while3A_251 to %while3A_247 step %while3A_253  : i32 {
      %mul3A_260 = arith.constant 4 : i32
      %mul3A_261 = arith.muli %mul3A_260, %while3A_259 : i32
      %add3A_262 = arith.addi %mul3A_13, %mul3A_261 : i32
      %mul3A_263 = arith.constant 4 : i32
      %mul3A_264 = arith.muli %mul3A_263, %while3A_259 : i32
      %add3A_265 = arith.constant 0 : i32
      %add3A_266 = arith.addi %mul3A_264, %add3A_265 : i32
      %dma_wait3A_267 = arith.constant 0 : i32
      %dma_wait3A_268 = arith.constant 0 : i32
      %dma_wait3A_269 = tpu.memref_slice %arg2[%arg0, %dma_wait3A_267, %dma_wait3A_268] : memref<2x10000x128xf32, #tpu.memory_space<hbm>> -> memref<1x10000x128xf32, #tpu.memory_space<hbm>>
      %dma_wait3A_270 = tpu.memref_squeeze %dma_wait3A_269 : memref<1x10000x128xf32, #tpu.memory_space<hbm>> -> memref<10000x128xf32, #tpu.memory_space<hbm>>
      %dma_wait3A_271 = arith.constant 0 : i32
      %dma_wait3A_272 = arith.constant 0 : i32
      %dma_wait3A_273 = tpu.memref_slice %dma_wait3A_270[%dma_wait3A_271, %dma_wait3A_272] : memref<10000x128xf32, #tpu.memory_space<hbm>> -> memref<10000x128xf32, #tpu.memory_space<hbm>>
      tpu.wait_indirect_dma semaphore(%arg18 : memref<!tpu.dma_semaphore, #tpu.memory_space<semaphore_mem>>) src(%dma_wait3A_273 : memref<10000x128xf32, #tpu.memory_space<hbm>>) dst(%arg11 : memref<128x128xf32, #tpu.memory_space<vmem>>)
      %run_scoped3A = arith.constant 1 : i32
      "tpu.region"() ({
        %run_scoped3A_356 = tpu.sem_alloc : memref<!tpu.dma_semaphore, #tpu.memory_space<semaphore_mem>>
        %dma_start3A_357 = arith.constant 0 : i32
        %dma_start3A_358 = tpu.memref_slice %arg5[%run_scoped3A, %dma_start3A_357] : memref<2x128xi32, #tpu.memory_space<vmem>> -> memref<1x128xi32, #tpu.memory_space<vmem>>
        %dma_start3A_359 = tpu.memref_squeeze %dma_start3A_358 : memref<1x128xi32, #tpu.memory_space<vmem>> -> memref<128xi32, #tpu.memory_space<vmem>>
        %dma_start3A_360 = arith.constant 0 : i32
        %dma_start3A_361 = arith.constant 0 : i32
        %dma_start3A_362 = tpu.memref_slice %arg13[%dma_start3A_360, %dma_start3A_361] : memref<10240x128xf32, #tpu.memory_space<vmem_shared>> -> memref<10240x128xf32, #tpu.memory_space<vmem_shared>>
        tpu.enqueue_indirect_dma source(%arg11 : memref<128x128xf32, #tpu.memory_space<vmem>>) target(%dma_start3A_362 : memref<10240x128xf32, #tpu.memory_space<vmem_shared>>) offsets(%dma_start3A_359 : memref<128xi32, #tpu.memory_space<vmem>>) semaphore(%run_scoped3A_356 : memref<!tpu.dma_semaphore, #tpu.memory_space<semaphore_mem>>) {add = true}
        %dma_wait3A_363 = arith.constant 0 : i32
        %dma_wait3A_364 = tpu.memref_slice %arg5[%run_scoped3A, %dma_wait3A_363] : memref<2x128xi32, #tpu.memory_space<vmem>> -> memref<1x128xi32, #tpu.memory_space<vmem>>
        %dma_wait3A_365 = tpu.memref_squeeze %dma_wait3A_364 : memref<1x128xi32, #tpu.memory_space<vmem>> -> memref<128xi32, #tpu.memory_space<vmem>>
        %dma_wait3A_366 = arith.constant 0 : i32
        %dma_wait3A_367 = arith.constant 0 : i32
        %dma_wait3A_368 = tpu.memref_slice %arg13[%dma_wait3A_366, %dma_wait3A_367] : memref<10240x128xf32, #tpu.memory_space<vmem_shared>> -> memref<10240x128xf32, #tpu.memory_space<vmem_shared>>
        tpu.wait_indirect_dma semaphore(%run_scoped3A_356 : memref<!tpu.dma_semaphore, #tpu.memory_space<semaphore_mem>>) src(%arg11 : memref<128x128xf32, #tpu.memory_space<vmem>>) dst(%dma_wait3A_368 : memref<10240x128xf32, #tpu.memory_space<vmem_shared>>)
        tpu.yield
      }) : () -> ()
      %add3A_274 = arith.constant 4 : i32
      %add3A_275 = arith.addi %add3A_266, %add3A_274 : i32
      %lt3A_276 = arith.cmpi slt, %add3A_275, %select_n3A : i32
      %convert_element_type3A = arith.extui %lt3A_276 : i1 to i32
      %cond3A = arith.constant 0 : i32
      %cond3A_277 = arith.cmpi ne, %convert_element_type3A, %cond3A : i32
      scf.if %cond3A_277 {
        %add3A_356 = arith.constant 0 : i32
        %add3A_357 = arith.addi %add3A_262, %add3A_356 : i32
        %add3A_358 = arith.constant 4 : i32
        %add3A_359 = arith.addi %add3A_357, %add3A_358 : i32
        %dma_start3A_360 = arith.constant 0 : i32
        %dma_start3A_361 = arith.constant 0 : i32
        %dma_start3A_362 = tpu.memref_slice %arg3[%arg0, %add3A_359, %dma_start3A_360, %dma_start3A_361] : memref<2x2500x2x128xi32, #tpu.memory_space<hbm>> -> memref<1x1x2x128xi32, #tpu.memory_space<hbm>>
        %dma_start3A_363 = tpu.memref_squeeze %dma_start3A_362 : memref<1x1x2x128xi32, #tpu.memory_space<hbm>> -> memref<2x128xi32, #tpu.memory_space<hbm>>
        %dma_start3A_364 = arith.constant 0 : i32
        %dma_start3A_365 = arith.constant 0 : i32
        %dma_start3A_366 = tpu.memref_slice %arg3[%arg0, %add3A_359, %dma_start3A_364, %dma_start3A_365] : memref<2x2500x2x128xi32, #tpu.memory_space<hbm>> -> memref<1x1x2x128xi32, #tpu.memory_space<hbm>>
        %dma_start3A_367 = tpu.memref_squeeze %dma_start3A_366 : memref<1x1x2x128xi32, #tpu.memory_space<hbm>> -> memref<2x128xi32, #tpu.memory_space<hbm>>
        tpu.enqueue_dma source(%dma_start3A_367 : memref<2x128xi32, #tpu.memory_space<hbm>>) target(%arg5 : memref<2x128xi32, #tpu.memory_space<vmem>>) target_semaphore(%arg14 : memref<!tpu.dma_semaphore, #tpu.memory_space<semaphore_mem>>)
      } else {
      }
      %add3A_278 = arith.constant 2 : i32
      %add3A_279 = arith.addi %add3A_266, %add3A_278 : i32
      %lt3A_280 = arith.cmpi slt, %add3A_279, %select_n3A : i32
      %convert_element_type3A_281 = arith.extui %lt3A_280 : i1 to i32
      %cond3A_282 = arith.constant 0 : i32
      %cond3A_283 = arith.cmpi ne, %convert_element_type3A_281, %cond3A_282 : i32
      scf.if %cond3A_283 {
        %add3A_356 = arith.constant 0 : i32
        %add3A_357 = arith.addi %add3A_262, %add3A_356 : i32
        %add3A_358 = arith.constant 2 : i32
        %add3A_359 = arith.addi %add3A_357, %add3A_358 : i32
        %dma_wait3A_360 = arith.constant 0 : i32
        %dma_wait3A_361 = arith.constant 0 : i32
        %dma_wait3A_362 = tpu.memref_slice %arg3[%arg0, %add3A_359, %dma_wait3A_360, %dma_wait3A_361] : memref<2x2500x2x128xi32, #tpu.memory_space<hbm>> -> memref<1x1x2x128xi32, #tpu.memory_space<hbm>>
        %dma_wait3A_363 = tpu.memref_squeeze %dma_wait3A_362 : memref<1x1x2x128xi32, #tpu.memory_space<hbm>> -> memref<2x128xi32, #tpu.memory_space<hbm>>
        %dma_wait3A_364 = arith.constant 0 : i32
        %dma_wait3A_365 = arith.constant 0 : i32
        %dma_wait3A_366 = tpu.memref_slice %arg3[%arg0, %add3A_359, %dma_wait3A_364, %dma_wait3A_365] : memref<2x2500x2x128xi32, #tpu.memory_space<hbm>> -> memref<1x1x2x128xi32, #tpu.memory_space<hbm>>
        %dma_wait3A_367 = tpu.memref_squeeze %dma_wait3A_366 : memref<1x1x2x128xi32, #tpu.memory_space<hbm>> -> memref<2x128xi32, #tpu.memory_space<hbm>>
        tpu.wait_dma2 semaphore(%arg16 : memref<!tpu.dma_semaphore, #tpu.memory_space<semaphore_mem>>) src(%dma_wait3A_367 : memref<2x128xi32, #tpu.memory_space<hbm>>) dst(%arg7 : memref<2x128xi32, #tpu.memory_space<vmem>>)
        %get3A_368 = arith.constant 0 : i32
        %get3A_369 = arith.index_cast %get3A_368 : i32 to index
        %get3A_370 = arith.constant 0 : index
        %get3A_371 = tpu.vector_load %arg7[%get3A_369, %get3A_370] {strides = array<i32>} : memref<2x128xi32, #tpu.memory_space<vmem>>, vector<1x16xi32>,
        %get3A_372 = vector.shape_cast %get3A_371 : vector<1x16xi32> to vector<16xi32>
        %swap3A_373 = arith.constant 0 : index
        %swap3A_374 = tpu.vector_load %arg9[%swap3A_373] {strides = array<i32>} : memref<128xi32, #tpu.memory_space<vmem>>, vector<16xi32>,
        %swap3A_375 = vector.shape_cast %swap3A_374 : vector<16xi32> to vector<16xi32>
        %swap3A_376 = vector.shape_cast %get3A_372 : vector<16xi32> to vector<16xi32>
        tpu.vector_store %arg9[%swap3A_373], %swap3A_376 {strides = array<i32>} : memref<128xi32, #tpu.memory_space<vmem>>, vector<16xi32>,
        %get3A_377 = arith.constant 0 : i32
        %get3A_378 = arith.index_cast %get3A_377 : i32 to index
        %get3A_379 = arith.constant 16 : index
        %get3A_380 = tpu.vector_load %arg7[%get3A_378, %get3A_379] {strides = array<i32>} : memref<2x128xi32, #tpu.memory_space<vmem>>, vector<1x16xi32>,
        %get3A_381 = vector.shape_cast %get3A_380 : vector<1x16xi32> to vector<16xi32>
        %swap3A_382 = arith.constant 16 : index
        %swap3A_383 = tpu.vector_load %arg9[%swap3A_382] {strides = array<i32>} : memref<128xi32, #tpu.memory_space<vmem>>, vector<16xi32>,
        %swap3A_384 = vector.shape_cast %swap3A_383 : vector<16xi32> to vector<16xi32>
        %swap3A_385 = vector.shape_cast %get3A_381 : vector<16xi32> to vector<16xi32>
        tpu.vector_store %arg9[%swap3A_382], %swap3A_385 {strides = array<i32>} : memref<128xi32, #tpu.memory_space<vmem>>, vector<16xi32>,
        %get3A_386 = arith.constant 0 : i32
        %get3A_387 = arith.index_cast %get3A_386 : i32 to index
        %get3A_388 = arith.constant 32 : index
        %get3A_389 = tpu.vector_load %arg7[%get3A_387, %get3A_388] {strides = array<i32>} : memref<2x128xi32, #tpu.memory_space<vmem>>, vector<1x16xi32>,
        %get3A_390 = vector.shape_cast %get3A_389 : vector<1x16xi32> to vector<16xi32>
        %swap3A_391 = arith.constant 32 : index
        %swap3A_392 = tpu.vector_load %arg9[%swap3A_391] {strides = array<i32>} : memref<128xi32, #tpu.memory_space<vmem>>, vector<16xi32>,
        %swap3A_393 = vector.shape_cast %swap3A_392 : vector<16xi32> to vector<16xi32>
        %swap3A_394 = vector.shape_cast %get3A_390 : vector<16xi32> to vector<16xi32>
        tpu.vector_store %arg9[%swap3A_391], %swap3A_394 {strides = array<i32>} : memref<128xi32, #tpu.memory_space<vmem>>, vector<16xi32>,
        %get3A_395 = arith.constant 0 : i32
        %get3A_396 = arith.index_cast %get3A_395 : i32 to index
        %get3A_397 = arith.constant 48 : index
        %get3A_398 = tpu.vector_load %arg7[%get3A_396, %get3A_397] {strides = array<i32>} : memref<2x128xi32, #tpu.memory_space<vmem>>, vector<1x16xi32>,
        %get3A_399 = vector.shape_cast %get3A_398 : vector<1x16xi32> to vector<16xi32>
        %swap3A_400 = arith.constant 48 : index
        %swap3A_401 = tpu.vector_load %arg9[%swap3A_400] {strides = array<i32>} : memref<128xi32, #tpu.memory_space<vmem>>, vector<16xi32>,
        %swap3A_402 = vector.shape_cast %swap3A_401 : vector<16xi32> to vector<16xi32>
        %swap3A_403 = vector.shape_cast %get3A_399 : vector<16xi32> to vector<16xi32>
        tpu.vector_store %arg9[%swap3A_400], %swap3A_403 {strides = array<i32>} : memref<128xi32, #tpu.memory_space<vmem>>, vector<16xi32>,
        %get3A_404 = arith.constant 0 : i32
        %get3A_405 = arith.index_cast %get3A_404 : i32 to index
        %get3A_406 = arith.constant 64 : index
        %get3A_407 = tpu.vector_load %arg7[%get3A_405, %get3A_406] {strides = array<i32>} : memref<2x128xi32, #tpu.memory_space<vmem>>, vector<1x16xi32>,
        %get3A_408 = vector.shape_cast %get3A_407 : vector<1x16xi32> to vector<16xi32>
        %swap3A_409 = arith.constant 64 : index
        %swap3A_410 = tpu.vector_load %arg9[%swap3A_409] {strides = array<i32>} : memref<128xi32, #tpu.memory_space<vmem>>, vector<16xi32>,
        %swap3A_411 = vector.shape_cast %swap3A_410 : vector<16xi32> to vector<16xi32>
        %swap3A_412 = vector.shape_cast %get3A_408 : vector<16xi32> to vector<16xi32>
        tpu.vector_store %arg9[%swap3A_409], %swap3A_412 {strides = array<i32>} : memref<128xi32, #tpu.memory_space<vmem>>, vector<16xi32>,
        %get3A_413 = arith.constant 0 : i32
        %get3A_414 = arith.index_cast %get3A_413 : i32 to index
        %get3A_415 = arith.constant 80 : index
        %get3A_416 = tpu.vector_load %arg7[%get3A_414, %get3A_415] {strides = array<i32>} : memref<2x128xi32, #tpu.memory_space<vmem>>, vector<1x16xi32>,
        %get3A_417 = vector.shape_cast %get3A_416 : vector<1x16xi32> to vector<16xi32>
        %swap3A_418 = arith.constant 80 : index
        %swap3A_419 = tpu.vector_load %arg9[%swap3A_418] {strides = array<i32>} : memref<128xi32, #tpu.memory_space<vmem>>, vector<16xi32>,
        %swap3A_420 = vector.shape_cast %swap3A_419 : vector<16xi32> to vector<16xi32>
        %swap3A_421 = vector.shape_cast %get3A_417 : vector<16xi32> to vector<16xi32>
        tpu.vector_store %arg9[%swap3A_418], %swap3A_421 {strides = array<i32>} : memref<128xi32, #tpu.memory_space<vmem>>, vector<16xi32>,
        %get3A_422 = arith.constant 0 : i32
        %get3A_423 = arith.index_cast %get3A_422 : i32 to index
        %get3A_424 = arith.constant 96 : index
        %get3A_425 = tpu.vector_load %arg7[%get3A_423, %get3A_424] {strides = array<i32>} : memref<2x128xi32, #tpu.memory_space<vmem>>, vector<1x16xi32>,
        %get3A_426 = vector.shape_cast %get3A_425 : vector<1x16xi32> to vector<16xi32>
        %swap3A_427 = arith.constant 96 : index
        %swap3A_428 = tpu.vector_load %arg9[%swap3A_427] {strides = array<i32>} : memref<128xi32, #tpu.memory_space<vmem>>, vector<16xi32>,
        %swap3A_429 = vector.shape_cast %swap3A_428 : vector<16xi32> to vector<16xi32>
        %swap3A_430 = vector.shape_cast %get3A_426 : vector<16xi32> to vector<16xi32>
        tpu.vector_store %arg9[%swap3A_427], %swap3A_430 {strides = array<i32>} : memref<128xi32, #tpu.memory_space<vmem>>, vector<16xi32>,
        %get3A_431 = arith.constant 0 : i32
        %get3A_432 = arith.index_cast %get3A_431 : i32 to index
        %get3A_433 = arith.constant 112 : index
        %get3A_434 = tpu.vector_load %arg7[%get3A_432, %get3A_433] {strides = array<i32>} : memref<2x128xi32, #tpu.memory_space<vmem>>, vector<1x16xi32>,
        %get3A_435 = vector.shape_cast %get3A_434 : vector<1x16xi32> to vector<16xi32>
        %swap3A_436 = arith.constant 112 : index
        %swap3A_437 = tpu.vector_load %arg9[%swap3A_436] {strides = array<i32>} : memref<128xi32, #tpu.memory_space<vmem>>, vector<16xi32>,
        %swap3A_438 = vector.shape_cast %swap3A_437 : vector<16xi32> to vector<16xi32>
        %swap3A_439 = vector.shape_cast %get3A_435 : vector<16xi32> to vector<16xi32>
        tpu.vector_store %arg9[%swap3A_436], %swap3A_439 {strides = array<i32>} : memref<128xi32, #tpu.memory_space<vmem>>, vector<16xi32>,
        %dma_start3A_440 = arith.constant 0 : i32
        %dma_start3A_441 = arith.constant 0 : i32
        %dma_start3A_442 = tpu.memref_slice %arg2[%arg0, %dma_start3A_440, %dma_start3A_441] : memref<2x10000x128xf32, #tpu.memory_space<hbm>> -> memref<1x10000x128xf32, #tpu.memory_space<hbm>>
        %dma_start3A_443 = tpu.memref_squeeze %dma_start3A_442 : memref<1x10000x128xf32, #tpu.memory_space<hbm>> -> memref<10000x128xf32, #tpu.memory_space<hbm>>
        %dma_start3A_444 = arith.constant 0 : i32
        %dma_start3A_445 = arith.constant 0 : i32
        %dma_start3A_446 = tpu.memref_slice %dma_start3A_443[%dma_start3A_444, %dma_start3A_445] : memref<10000x128xf32, #tpu.memory_space<hbm>> -> memref<10000x128xf32, #tpu.memory_space<hbm>>
        tpu.enqueue_indirect_dma source(%dma_start3A_446 : memref<10000x128xf32, #tpu.memory_space<hbm>>) target(%arg11 : memref<128x128xf32, #tpu.memory_space<vmem>>) offsets(%arg9 : memref<128xi32, #tpu.memory_space<vmem>>) semaphore(%arg18 : memref<!tpu.dma_semaphore, #tpu.memory_space<semaphore_mem>>)
      } else {
      }
      %mul3A_284 = arith.constant 4 : i32
      %mul3A_285 = arith.muli %mul3A_284, %while3A_259 : i32
      %add3A_286 = arith.constant 1 : i32
      %add3A_287 = arith.addi %mul3A_285, %add3A_286 : i32
      %dma_wait3A_288 = arith.constant 0 : i32
      %dma_wait3A_289 = arith.constant 0 : i32
      %dma_wait3A_290 = tpu.memref_slice %arg2[%arg0, %dma_wait3A_288, %dma_wait3A_289] : memref<2x10000x128xf32, #tpu.memory_space<hbm>> -> memref<1x10000x128xf32, #tpu.memory_space<hbm>>
      %dma_wait3A_291 = tpu.memref_squeeze %dma_wait3A_290 : memref<1x10000x128xf32, #tpu.memory_space<hbm>> -> memref<10000x128xf32, #tpu.memory_space<hbm>>
      %dma_wait3A_292 = arith.constant 0 : i32
      %dma_wait3A_293 = arith.constant 0 : i32
      %dma_wait3A_294 = tpu.memref_slice %dma_wait3A_291[%dma_wait3A_292, %dma_wait3A_293] : memref<10000x128xf32, #tpu.memory_space<hbm>> -> memref<10000x128xf32, #tpu.memory_space<hbm>>
      tpu.wait_indirect_dma semaphore(%arg19 : memref<!tpu.dma_semaphore, #tpu.memory_space<semaphore_mem>>) src(%dma_wait3A_294 : memref<10000x128xf32, #tpu.memory_space<hbm>>) dst(%arg12 : memref<128x128xf32, #tpu.memory_space<vmem>>)
      %run_scoped3A_295 = arith.constant 1 : i32
      "tpu.region"() ({
        %run_scoped3A_356 = tpu.sem_alloc : memref<!tpu.dma_semaphore, #tpu.memory_space<semaphore_mem>>
        %dma_start3A_357 = arith.constant 0 : i32
        %dma_start3A_358 = tpu.memref_slice %arg6[%run_scoped3A_295, %dma_start3A_357] : memref<2x128xi32, #tpu.memory_space<vmem>> -> memref<1x128xi32, #tpu.memory_space<vmem>>
        %dma_start3A_359 = tpu.memref_squeeze %dma_start3A_358 : memref<1x128xi32, #tpu.memory_space<vmem>> -> memref<128xi32, #tpu.memory_space<vmem>>
        %dma_start3A_360 = arith.constant 0 : i32
        %dma_start3A_361 = arith.constant 0 : i32
        %dma_start3A_362 = tpu.memref_slice %arg13[%dma_start3A_360, %dma_start3A_361] : memref<10240x128xf32, #tpu.memory_space<vmem_shared>> -> memref<10240x128xf32, #tpu.memory_space<vmem_shared>>
        tpu.enqueue_indirect_dma source(%arg12 : memref<128x128xf32, #tpu.memory_space<vmem>>) target(%dma_start3A_362 : memref<10240x128xf32, #tpu.memory_space<vmem_shared>>) offsets(%dma_start3A_359 : memref<128xi32, #tpu.memory_space<vmem>>) semaphore(%run_scoped3A_356 : memref<!tpu.dma_semaphore, #tpu.memory_space<semaphore_mem>>) {add = true}
        %dma_wait3A_363 = arith.constant 0 : i32
        %dma_wait3A_364 = tpu.memref_slice %arg6[%run_scoped3A_295, %dma_wait3A_363] : memref<2x128xi32, #tpu.memory_space<vmem>> -> memref<1x128xi32, #tpu.memory_space<vmem>>
        %dma_wait3A_365 = tpu.memref_squeeze %dma_wait3A_364 : memref<1x128xi32, #tpu.memory_space<vmem>> -> memref<128xi32, #tpu.memory_space<vmem>>
        %dma_wait3A_366 = arith.constant 0 : i32
        %dma_wait3A_367 = arith.constant 0 : i32
        %dma_wait3A_368 = tpu.memref_slice %arg13[%dma_wait3A_366, %dma_wait3A_367] : memref<10240x128xf32, #tpu.memory_space<vmem_shared>> -> memref<10240x128xf32, #tpu.memory_space<vmem_shared>>
        tpu.wait_indirect_dma semaphore(%run_scoped3A_356 : memref<!tpu.dma_semaphore, #tpu.memory_space<semaphore_mem>>) src(%arg12 : memref<128x128xf32, #tpu.memory_space<vmem>>) dst(%dma_wait3A_368 : memref<10240x128xf32, #tpu.memory_space<vmem_shared>>)
        tpu.yield
      }) : () -> ()
      %add3A_296 = arith.constant 4 : i32
      %add3A_297 = arith.addi %add3A_287, %add3A_296 : i32
      %lt3A_298 = arith.cmpi slt, %add3A_297, %select_n3A : i32
      %convert_element_type3A_299 = arith.extui %lt3A_298 : i1 to i32
      %cond3A_300 = arith.constant 0 : i32
      %cond3A_301 = arith.cmpi ne, %convert_element_type3A_299, %cond3A_300 : i32
      scf.if %cond3A_301 {
        %add3A_356 = arith.constant 1 : i32
        %add3A_357 = arith.addi %add3A_262, %add3A_356 : i32
        %add3A_358 = arith.constant 4 : i32
        %add3A_359 = arith.addi %add3A_357, %add3A_358 : i32
        %dma_start3A_360 = arith.constant 0 : i32
        %dma_start3A_361 = arith.constant 0 : i32
        %dma_start3A_362 = tpu.memref_slice %arg3[%arg0, %add3A_359, %dma_start3A_360, %dma_start3A_361] : memref<2x2500x2x128xi32, #tpu.memory_space<hbm>> -> memref<1x1x2x128xi32, #tpu.memory_space<hbm>>
        %dma_start3A_363 = tpu.memref_squeeze %dma_start3A_362 : memref<1x1x2x128xi32, #tpu.memory_space<hbm>> -> memref<2x128xi32, #tpu.memory_space<hbm>>
        %dma_start3A_364 = arith.constant 0 : i32
        %dma_start3A_365 = arith.constant 0 : i32
        %dma_start3A_366 = tpu.memref_slice %arg3[%arg0, %add3A_359, %dma_start3A_364, %dma_start3A_365] : memref<2x2500x2x128xi32, #tpu.memory_space<hbm>> -> memref<1x1x2x128xi32, #tpu.memory_space<hbm>>
        %dma_start3A_367 = tpu.memref_squeeze %dma_start3A_366 : memref<1x1x2x128xi32, #tpu.memory_space<hbm>> -> memref<2x128xi32, #tpu.memory_space<hbm>>
        tpu.enqueue_dma source(%dma_start3A_367 : memref<2x128xi32, #tpu.memory_space<hbm>>) target(%arg6 : memref<2x128xi32, #tpu.memory_space<vmem>>) target_semaphore(%arg15 : memref<!tpu.dma_semaphore, #tpu.memory_space<semaphore_mem>>)
      } else {
      }
      %add3A_302 = arith.constant 2 : i32
      %add3A_303 = arith.addi %add3A_287, %add3A_302 : i32
      %lt3A_304 = arith.cmpi slt, %add3A_303, %select_n3A : i32
      %convert_element_type3A_305 = arith.extui %lt3A_304 : i1 to i32
      %cond3A_306 = arith.constant 0 : i32
      %cond3A_307 = arith.cmpi ne, %convert_element_type3A_305, %cond3A_306 : i32
      scf.if %cond3A_307 {
        %add3A_356 = arith.constant 1 : i32
        %add3A_357 = arith.addi %add3A_262, %add3A_356 : i32
        %add3A_358 = arith.constant 2 : i32
        %add3A_359 = arith.addi %add3A_357, %add3A_358 : i32
        %dma_wait3A_360 = arith.constant 0 : i32
        %dma_wait3A_361 = arith.constant 0 : i32
        %dma_wait3A_362 = tpu.memref_slice %arg3[%arg0, %add3A_359, %dma_wait3A_360, %dma_wait3A_361] : memref<2x2500x2x128xi32, #tpu.memory_space<hbm>> -> memref<1x1x2x128xi32, #tpu.memory_space<hbm>>
        %dma_wait3A_363 = tpu.memref_squeeze %dma_wait3A_362 : memref<1x1x2x128xi32, #tpu.memory_space<hbm>> -> memref<2x128xi32, #tpu.memory_space<hbm>>
        %dma_wait3A_364 = arith.constant 0 : i32
        %dma_wait3A_365 = arith.constant 0 : i32
        %dma_wait3A_366 = tpu.memref_slice %arg3[%arg0, %add3A_359, %dma_wait3A_364, %dma_wait3A_365] : memref<2x2500x2x128xi32, #tpu.memory_space<hbm>> -> memref<1x1x2x128xi32, #tpu.memory_space<hbm>>
        %dma_wait3A_367 = tpu.memref_squeeze %dma_wait3A_366 : memref<1x1x2x128xi32, #tpu.memory_space<hbm>> -> memref<2x128xi32, #tpu.memory_space<hbm>>
        tpu.wait_dma2 semaphore(%arg17 : memref<!tpu.dma_semaphore, #tpu.memory_space<semaphore_mem>>) src(%dma_wait3A_367 : memref<2x128xi32, #tpu.memory_space<hbm>>) dst(%arg8 : memref<2x128xi32, #tpu.memory_space<vmem>>)
        %get3A_368 = arith.constant 0 : i32
        %get3A_369 = arith.index_cast %get3A_368 : i32 to index
        %get3A_370 = arith.constant 0 : index
        %get3A_371 = tpu.vector_load %arg8[%get3A_369, %get3A_370] {strides = array<i32>} : memref<2x128xi32, #tpu.memory_space<vmem>>, vector<1x16xi32>,
        %get3A_372 = vector.shape_cast %get3A_371 : vector<1x16xi32> to vector<16xi32>
        %swap3A_373 = arith.constant 0 : index
        %swap3A_374 = tpu.vector_load %arg10[%swap3A_373] {strides = array<i32>} : memref<128xi32, #tpu.memory_space<vmem>>, vector<16xi32>,
        %swap3A_375 = vector.shape_cast %swap3A_374 : vector<16xi32> to vector<16xi32>
        %swap3A_376 = vector.shape_cast %get3A_372 : vector<16xi32> to vector<16xi32>
        tpu.vector_store %arg10[%swap3A_373], %swap3A_376 {strides = array<i32>} : memref<128xi32, #tpu.memory_space<vmem>>, vector<16xi32>,
        %get3A_377 = arith.constant 0 : i32
        %get3A_378 = arith.index_cast %get3A_377 : i32 to index
        %get3A_379 = arith.constant 16 : index
        %get3A_380 = tpu.vector_load %arg8[%get3A_378, %get3A_379] {strides = array<i32>} : memref<2x128xi32, #tpu.memory_space<vmem>>, vector<1x16xi32>,
        %get3A_381 = vector.shape_cast %get3A_380 : vector<1x16xi32> to vector<16xi32>
        %swap3A_382 = arith.constant 16 : index
        %swap3A_383 = tpu.vector_load %arg10[%swap3A_382] {strides = array<i32>} : memref<128xi32, #tpu.memory_space<vmem>>, vector<16xi32>,
        %swap3A_384 = vector.shape_cast %swap3A_383 : vector<16xi32> to vector<16xi32>
        %swap3A_385 = vector.shape_cast %get3A_381 : vector<16xi32> to vector<16xi32>
        tpu.vector_store %arg10[%swap3A_382], %swap3A_385 {strides = array<i32>} : memref<128xi32, #tpu.memory_space<vmem>>, vector<16xi32>,
        %get3A_386 = arith.constant 0 : i32
        %get3A_387 = arith.index_cast %get3A_386 : i32 to index
        %get3A_388 = arith.constant 32 : index
        %get3A_389 = tpu.vector_load %arg8[%get3A_387, %get3A_388] {strides = array<i32>} : memref<2x128xi32, #tpu.memory_space<vmem>>, vector<1x16xi32>,
        %get3A_390 = vector.shape_cast %get3A_389 : vector<1x16xi32> to vector<16xi32>
        %swap3A_391 = arith.constant 32 : index
        %swap3A_392 = tpu.vector_load %arg10[%swap3A_391] {strides = array<i32>} : memref<128xi32, #tpu.memory_space<vmem>>, vector<16xi32>,
        %swap3A_393 = vector.shape_cast %swap3A_392 : vector<16xi32> to vector<16xi32>
        %swap3A_394 = vector.shape_cast %get3A_390 : vector<16xi32> to vector<16xi32>
        tpu.vector_store %arg10[%swap3A_391], %swap3A_394 {strides = array<i32>} : memref<128xi32, #tpu.memory_space<vmem>>, vector<16xi32>,
        %get3A_395 = arith.constant 0 : i32
        %get3A_396 = arith.index_cast %get3A_395 : i32 to index
        %get3A_397 = arith.constant 48 : index
        %get3A_398 = tpu.vector_load %arg8[%get3A_396, %get3A_397] {strides = array<i32>} : memref<2x128xi32, #tpu.memory_space<vmem>>, vector<1x16xi32>,
        %get3A_399 = vector.shape_cast %get3A_398 : vector<1x16xi32> to vector<16xi32>
        %swap3A_400 = arith.constant 48 : index
        %swap3A_401 = tpu.vector_load %arg10[%swap3A_400] {strides = array<i32>} : memref<128xi32, #tpu.memory_space<vmem>>, vector<16xi32>,
        %swap3A_402 = vector.shape_cast %swap3A_401 : vector<16xi32> to vector<16xi32>
        %swap3A_403 = vector.shape_cast %get3A_399 : vector<16xi32> to vector<16xi32>
        tpu.vector_store %arg10[%swap3A_400], %swap3A_403 {strides = array<i32>} : memref<128xi32, #tpu.memory_space<vmem>>, vector<16xi32>,
        %get3A_404 = arith.constant 0 : i32
        %get3A_405 = arith.index_cast %get3A_404 : i32 to index
        %get3A_406 = arith.constant 64 : index
        %get3A_407 = tpu.vector_load %arg8[%get3A_405, %get3A_406] {strides = array<i32>} : memref<2x128xi32, #tpu.memory_space<vmem>>, vector<1x16xi32>,
        %get3A_408 = vector.shape_cast %get3A_407 : vector<1x16xi32> to vector<16xi32>
        %swap3A_409 = arith.constant 64 : index
        %swap3A_410 = tpu.vector_load %arg10[%swap3A_409] {strides = array<i32>} : memref<128xi32, #tpu.memory_space<vmem>>, vector<16xi32>,
        %swap3A_411 = vector.shape_cast %swap3A_410 : vector<16xi32> to vector<16xi32>
        %swap3A_412 = vector.shape_cast %get3A_408 : vector<16xi32> to vector<16xi32>
        tpu.vector_store %arg10[%swap3A_409], %swap3A_412 {strides = array<i32>} : memref<128xi32, #tpu.memory_space<vmem>>, vector<16xi32>,
        %get3A_413 = arith.constant 0 : i32
        %get3A_414 = arith.index_cast %get3A_413 : i32 to index
        %get3A_415 = arith.constant 80 : index
        %get3A_416 = tpu.vector_load %arg8[%get3A_414, %get3A_415] {strides = array<i32>} : memref<2x128xi32, #tpu.memory_space<vmem>>, vector<1x16xi32>,
        %get3A_417 = vector.shape_cast %get3A_416 : vector<1x16xi32> to vector<16xi32>
        %swap3A_418 = arith.constant 80 : index
        %swap3A_419 = tpu.vector_load %arg10[%swap3A_418] {strides = array<i32>} : memref<128xi32, #tpu.memory_space<vmem>>, vector<16xi32>,
        %swap3A_420 = vector.shape_cast %swap3A_419 : vector<16xi32> to vector<16xi32>
        %swap3A_421 = vector.shape_cast %get3A_417 : vector<16xi32> to vector<16xi32>
        tpu.vector_store %arg10[%swap3A_418], %swap3A_421 {strides = array<i32>} : memref<128xi32, #tpu.memory_space<vmem>>, vector<16xi32>,
        %get3A_422 = arith.constant 0 : i32
        %get3A_423 = arith.index_cast %get3A_422 : i32 to index
        %get3A_424 = arith.constant 96 : index
        %get3A_425 = tpu.vector_load %arg8[%get3A_423, %get3A_424] {strides = array<i32>} : memref<2x128xi32, #tpu.memory_space<vmem>>, vector<1x16xi32>,
        %get3A_426 = vector.shape_cast %get3A_425 : vector<1x16xi32> to vector<16xi32>
        %swap3A_427 = arith.constant 96 : index
        %swap3A_428 = tpu.vector_load %arg10[%swap3A_427] {strides = array<i32>} : memref<128xi32, #tpu.memory_space<vmem>>, vector<16xi32>,
        %swap3A_429 = vector.shape_cast %swap3A_428 : vector<16xi32> to vector<16xi32>
        %swap3A_430 = vector.shape_cast %get3A_426 : vector<16xi32> to vector<16xi32>
        tpu.vector_store %arg10[%swap3A_427], %swap3A_430 {strides = array<i32>} : memref<128xi32, #tpu.memory_space<vmem>>, vector<16xi32>,
        %get3A_431 = arith.constant 0 : i32
        %get3A_432 = arith.index_cast %get3A_431 : i32 to index
        %get3A_433 = arith.constant 112 : index
        %get3A_434 = tpu.vector_load %arg8[%get3A_432, %get3A_433] {strides = array<i32>} : memref<2x128xi32, #tpu.memory_space<vmem>>, vector<1x16xi32>,
        %get3A_435 = vector.shape_cast %get3A_434 : vector<1x16xi32> to vector<16xi32>
        %swap3A_436 = arith.constant 112 : index
        %swap3A_437 = tpu.vector_load %arg10[%swap3A_436] {strides = array<i32>} : memref<128xi32, #tpu.memory_space<vmem>>, vector<16xi32>,
        %swap3A_438 = vector.shape_cast %swap3A_437 : vector<16xi32> to vector<16xi32>
        %swap3A_439 = vector.shape_cast %get3A_435 : vector<16xi32> to vector<16xi32>
        tpu.vector_store %arg10[%swap3A_436], %swap3A_439 {strides = array<i32>} : memref<128xi32, #tpu.memory_space<vmem>>, vector<16xi32>,
        %dma_start3A_440 = arith.constant 0 : i32
        %dma_start3A_441 = arith.constant 0 : i32
        %dma_start3A_442 = tpu.memref_slice %arg2[%arg0, %dma_start3A_440, %dma_start3A_441] : memref<2x10000x128xf32, #tpu.memory_space<hbm>> -> memref<1x10000x128xf32, #tpu.memory_space<hbm>>
        %dma_start3A_443 = tpu.memref_squeeze %dma_start3A_442 : memref<1x10000x128xf32, #tpu.memory_space<hbm>> -> memref<10000x128xf32, #tpu.memory_space<hbm>>
        %dma_start3A_444 = arith.constant 0 : i32
        %dma_start3A_445 = arith.constant 0 : i32
        %dma_start3A_446 = tpu.memref_slice %dma_start3A_443[%dma_start3A_444, %dma_start3A_445] : memref<10000x128xf32, #tpu.memory_space<hbm>> -> memref<10000x128xf32, #tpu.memory_space<hbm>>
        tpu.enqueue_indirect_dma source(%dma_start3A_446 : memref<10000x128xf32, #tpu.memory_space<hbm>>) target(%arg12 : memref<128x128xf32, #tpu.memory_space<vmem>>) offsets(%arg10 : memref<128xi32, #tpu.memory_space<vmem>>) semaphore(%arg19 : memref<!tpu.dma_semaphore, #tpu.memory_space<semaphore_mem>>)
      } else {
      }
      %mul3A_308 = arith.constant 4 : i32
      %mul3A_309 = arith.muli %mul3A_308, %while3A_259 : i32
      %add3A_310 = arith.constant 2 : i32
      %add3A_311 = arith.addi %mul3A_309, %add3A_310 : i32
      %dma_wait3A_312 = arith.constant 0 : i32
      %dma_wait3A_313 = arith.constant 0 : i32
      %dma_wait3A_314 = tpu.memref_slice %arg2[%arg0, %dma_wait3A_312, %dma_wait3A_313] : memref<2x10000x128xf32, #tpu.memory_space<hbm>> -> memref<1x10000x128xf32, #tpu.memory_space<hbm>>
      %dma_wait3A_315 = tpu.memref_squeeze %dma_wait3A_314 : memref<1x10000x128xf32, #tpu.memory_space<hbm>> -> memref<10000x128xf32, #tpu.memory_space<hbm>>
      %dma_wait3A_316 = arith.constant 0 : i32
      %dma_wait3A_317 = arith.constant 0 : i32
      %dma_wait3A_318 = tpu.memref_slice %dma_wait3A_315[%dma_wait3A_316, %dma_wait3A_317] : memref<10000x128xf32, #tpu.memory_space<hbm>> -> memref<10000x128xf32, #tpu.memory_space<hbm>>
      tpu.wait_indirect_dma semaphore(%arg18 : memref<!tpu.dma_semaphore, #tpu.memory_space<semaphore_mem>>) src(%dma_wait3A_318 : memref<10000x128xf32, #tpu.memory_space<hbm>>) dst(%arg11 : memref<128x128xf32, #tpu.memory_space<vmem>>)
      %run_scoped3A_319 = arith.constant 1 : i32
      "tpu.region"() ({
        %run_scoped3A_356 = tpu.sem_alloc : memref<!tpu.dma_semaphore, #tpu.memory_space<semaphore_mem>>
        %dma_start3A_357 = arith.constant 0 : i32
        %dma_start3A_358 = tpu.memref_slice %arg7[%run_scoped3A_319, %dma_start3A_357] : memref<2x128xi32, #tpu.memory_space<vmem>> -> memref<1x128xi32, #tpu.memory_space<vmem>>
        %dma_start3A_359 = tpu.memref_squeeze %dma_start3A_358 : memref<1x128xi32, #tpu.memory_space<vmem>> -> memref<128xi32, #tpu.memory_space<vmem>>
        %dma_start3A_360 = arith.constant 0 : i32
        %dma_start3A_361 = arith.constant 0 : i32
        %dma_start3A_362 = tpu.memref_slice %arg13[%dma_start3A_360, %dma_start3A_361] : memref<10240x128xf32, #tpu.memory_space<vmem_shared>> -> memref<10240x128xf32, #tpu.memory_space<vmem_shared>>
        tpu.enqueue_indirect_dma source(%arg11 : memref<128x128xf32, #tpu.memory_space<vmem>>) target(%dma_start3A_362 : memref<10240x128xf32, #tpu.memory_space<vmem_shared>>) offsets(%dma_start3A_359 : memref<128xi32, #tpu.memory_space<vmem>>) semaphore(%run_scoped3A_356 : memref<!tpu.dma_semaphore, #tpu.memory_space<semaphore_mem>>) {add = true}
        %dma_wait3A_363 = arith.constant 0 : i32
        %dma_wait3A_364 = tpu.memref_slice %arg7[%run_scoped3A_319, %dma_wait3A_363] : memref<2x128xi32, #tpu.memory_space<vmem>> -> memref<1x128xi32, #tpu.memory_space<vmem>>
        %dma_wait3A_365 = tpu.memref_squeeze %dma_wait3A_364 : memref<1x128xi32, #tpu.memory_space<vmem>> -> memref<128xi32, #tpu.memory_space<vmem>>
        %dma_wait3A_366 = arith.constant 0 : i32
        %dma_wait3A_367 = arith.constant 0 : i32
        %dma_wait3A_368 = tpu.memref_slice %arg13[%dma_wait3A_366, %dma_wait3A_367] : memref<10240x128xf32, #tpu.memory_space<vmem_shared>> -> memref<10240x128xf32, #tpu.memory_space<vmem_shared>>
        tpu.wait_indirect_dma semaphore(%run_scoped3A_356 : memref<!tpu.dma_semaphore, #tpu.memory_space<semaphore_mem>>) src(%arg11 : memref<128x128xf32, #tpu.memory_space<vmem>>) dst(%dma_wait3A_368 : memref<10240x128xf32, #tpu.memory_space<vmem_shared>>)
        tpu.yield
      }) : () -> ()
      %add3A_320 = arith.constant 4 : i32
      %add3A_321 = arith.addi %add3A_311, %add3A_320 : i32
      %lt3A_322 = arith.cmpi slt, %add3A_321, %select_n3A : i32
      %convert_element_type3A_323 = arith.extui %lt3A_322 : i1 to i32
      %cond3A_324 = arith.constant 0 : i32
      %cond3A_325 = arith.cmpi ne, %convert_element_type3A_323, %cond3A_324 : i32
      scf.if %cond3A_325 {
        %add3A_356 = arith.constant 2 : i32
        %add3A_357 = arith.addi %add3A_262, %add3A_356 : i32
        %add3A_358 = arith.constant 4 : i32
        %add3A_359 = arith.addi %add3A_357, %add3A_358 : i32
        %dma_start3A_360 = arith.constant 0 : i32
        %dma_start3A_361 = arith.constant 0 : i32
        %dma_start3A_362 = tpu.memref_slice %arg3[%arg0, %add3A_359, %dma_start3A_360, %dma_start3A_361] : memref<2x2500x2x128xi32, #tpu.memory_space<hbm>> -> memref<1x1x2x128xi32, #tpu.memory_space<hbm>>
        %dma_start3A_363 = tpu.memref_squeeze %dma_start3A_362 : memref<1x1x2x128xi32, #tpu.memory_space<hbm>> -> memref<2x128xi32, #tpu.memory_space<hbm>>
        %dma_start3A_364 = arith.constant 0 : i32
        %dma_start3A_365 = arith.constant 0 : i32
        %dma_start3A_366 = tpu.memref_slice %arg3[%arg0, %add3A_359, %dma_start3A_364, %dma_start3A_365] : memref<2x2500x2x128xi32, #tpu.memory_space<hbm>> -> memref<1x1x2x128xi32, #tpu.memory_space<hbm>>
        %dma_start3A_367 = tpu.memref_squeeze %dma_start3A_366 : memref<1x1x2x128xi32, #tpu.memory_space<hbm>> -> memref<2x128xi32, #tpu.memory_space<hbm>>
        tpu.enqueue_dma source(%dma_start3A_367 : memref<2x128xi32, #tpu.memory_space<hbm>>) target(%arg7 : memref<2x128xi32, #tpu.memory_space<vmem>>) target_semaphore(%arg16 : memref<!tpu.dma_semaphore, #tpu.memory_space<semaphore_mem>>)
      } else {
      }
      %add3A_326 = arith.constant 2 : i32
      %add3A_327 = arith.addi %add3A_311, %add3A_326 : i32
      %lt3A_328 = arith.cmpi slt, %add3A_327, %select_n3A : i32
      %convert_element_type3A_329 = arith.extui %lt3A_328 : i1 to i32
      %cond3A_330 = arith.constant 0 : i32
      %cond3A_331 = arith.cmpi ne, %convert_element_type3A_329, %cond3A_330 : i32
      scf.if %cond3A_331 {
        %add3A_356 = arith.constant 2 : i32
        %add3A_357 = arith.addi %add3A_262, %add3A_356 : i32
        %add3A_358 = arith.constant 2 : i32
        %add3A_359 = arith.addi %add3A_357, %add3A_358 : i32
        %dma_wait3A_360 = arith.constant 0 : i32
        %dma_wait3A_361 = arith.constant 0 : i32
        %dma_wait3A_362 = tpu.memref_slice %arg3[%arg0, %add3A_359, %dma_wait3A_360, %dma_wait3A_361] : memref<2x2500x2x128xi32, #tpu.memory_space<hbm>> -> memref<1x1x2x128xi32, #tpu.memory_space<hbm>>
        %dma_wait3A_363 = tpu.memref_squeeze %dma_wait3A_362 : memref<1x1x2x128xi32, #tpu.memory_space<hbm>> -> memref<2x128xi32, #tpu.memory_space<hbm>>
        %dma_wait3A_364 = arith.constant 0 : i32
        %dma_wait3A_365 = arith.constant 0 : i32
        %dma_wait3A_366 = tpu.memref_slice %arg3[%arg0, %add3A_359, %dma_wait3A_364, %dma_wait3A_365] : memref<2x2500x2x128xi32, #tpu.memory_space<hbm>> -> memref<1x1x2x128xi32, #tpu.memory_space<hbm>>
        %dma_wait3A_367 = tpu.memref_squeeze %dma_wait3A_366 : memref<1x1x2x128xi32, #tpu.memory_space<hbm>> -> memref<2x128xi32, #tpu.memory_space<hbm>>
        tpu.wait_dma2 semaphore(%arg14 : memref<!tpu.dma_semaphore, #tpu.memory_space<semaphore_mem>>) src(%dma_wait3A_367 : memref<2x128xi32, #tpu.memory_space<hbm>>) dst(%arg5 : memref<2x128xi32, #tpu.memory_space<vmem>>)
        %get3A_368 = arith.constant 0 : i32
        %get3A_369 = arith.index_cast %get3A_368 : i32 to index
        %get3A_370 = arith.constant 0 : index
        %get3A_371 = tpu.vector_load %arg5[%get3A_369, %get3A_370] {strides = array<i32>} : memref<2x128xi32, #tpu.memory_space<vmem>>, vector<1x16xi32>,
        %get3A_372 = vector.shape_cast %get3A_371 : vector<1x16xi32> to vector<16xi32>
        %swap3A_373 = arith.constant 0 : index
        %swap3A_374 = tpu.vector_load %arg9[%swap3A_373] {strides = array<i32>} : memref<128xi32, #tpu.memory_space<vmem>>, vector<16xi32>,
        %swap3A_375 = vector.shape_cast %swap3A_374 : vector<16xi32> to vector<16xi32>
        %swap3A_376 = vector.shape_cast %get3A_372 : vector<16xi32> to vector<16xi32>
        tpu.vector_store %arg9[%swap3A_373], %swap3A_376 {strides = array<i32>} : memref<128xi32, #tpu.memory_space<vmem>>, vector<16xi32>,
        %get3A_377 = arith.constant 0 : i32
        %get3A_378 = arith.index_cast %get3A_377 : i32 to index
        %get3A_379 = arith.constant 16 : index
        %get3A_380 = tpu.vector_load %arg5[%get3A_378, %get3A_379] {strides = array<i32>} : memref<2x128xi32, #tpu.memory_space<vmem>>, vector<1x16xi32>,
        %get3A_381 = vector.shape_cast %get3A_380 : vector<1x16xi32> to vector<16xi32>
        %swap3A_382 = arith.constant 16 : index
        %swap3A_383 = tpu.vector_load %arg9[%swap3A_382] {strides = array<i32>} : memref<128xi32, #tpu.memory_space<vmem>>, vector<16xi32>,
        %swap3A_384 = vector.shape_cast %swap3A_383 : vector<16xi32> to vector<16xi32>
        %swap3A_385 = vector.shape_cast %get3A_381 : vector<16xi32> to vector<16xi32>
        tpu.vector_store %arg9[%swap3A_382], %swap3A_385 {strides = array<i32>} : memref<128xi32, #tpu.memory_space<vmem>>, vector<16xi32>,
        %get3A_386 = arith.constant 0 : i32
        %get3A_387 = arith.index_cast %get3A_386 : i32 to index
        %get3A_388 = arith.constant 32 : index
        %get3A_389 = tpu.vector_load %arg5[%get3A_387, %get3A_388] {strides = array<i32>} : memref<2x128xi32, #tpu.memory_space<vmem>>, vector<1x16xi32>,
        %get3A_390 = vector.shape_cast %get3A_389 : vector<1x16xi32> to vector<16xi32>
        %swap3A_391 = arith.constant 32 : index
        %swap3A_392 = tpu.vector_load %arg9[%swap3A_391] {strides = array<i32>} : memref<128xi32, #tpu.memory_space<vmem>>, vector<16xi32>,
        %swap3A_393 = vector.shape_cast %swap3A_392 : vector<16xi32> to vector<16xi32>
        %swap3A_394 = vector.shape_cast %get3A_390 : vector<16xi32> to vector<16xi32>
        tpu.vector_store %arg9[%swap3A_391], %swap3A_394 {strides = array<i32>} : memref<128xi32, #tpu.memory_space<vmem>>, vector<16xi32>,
        %get3A_395 = arith.constant 0 : i32
        %get3A_396 = arith.index_cast %get3A_395 : i32 to index
        %get3A_397 = arith.constant 48 : index
        %get3A_398 = tpu.vector_load %arg5[%get3A_396, %get3A_397] {strides = array<i32>} : memref<2x128xi32, #tpu.memory_space<vmem>>, vector<1x16xi32>,
        %get3A_399 = vector.shape_cast %get3A_398 : vector<1x16xi32> to vector<16xi32>
        %swap3A_400 = arith.constant 48 : index
        %swap3A_401 = tpu.vector_load %arg9[%swap3A_400] {strides = array<i32>} : memref<128xi32, #tpu.memory_space<vmem>>, vector<16xi32>,
        %swap3A_402 = vector.shape_cast %swap3A_401 : vector<16xi32> to vector<16xi32>
        %swap3A_403 = vector.shape_cast %get3A_399 : vector<16xi32> to vector<16xi32>
        tpu.vector_store %arg9[%swap3A_400], %swap3A_403 {strides = array<i32>} : memref<128xi32, #tpu.memory_space<vmem>>, vector<16xi32>,
        %get3A_404 = arith.constant 0 : i32
        %get3A_405 = arith.index_cast %get3A_404 : i32 to index
        %get3A_406 = arith.constant 64 : index
        %get3A_407 = tpu.vector_load %arg5[%get3A_405, %get3A_406] {strides = array<i32>} : memref<2x128xi32, #tpu.memory_space<vmem>>, vector<1x16xi32>,
        %get3A_408 = vector.shape_cast %get3A_407 : vector<1x16xi32> to vector<16xi32>
        %swap3A_409 = arith.constant 64 : index
        %swap3A_410 = tpu.vector_load %arg9[%swap3A_409] {strides = array<i32>} : memref<128xi32, #tpu.memory_space<vmem>>, vector<16xi32>,
        %swap3A_411 = vector.shape_cast %swap3A_410 : vector<16xi32> to vector<16xi32>
        %swap3A_412 = vector.shape_cast %get3A_408 : vector<16xi32> to vector<16xi32>
        tpu.vector_store %arg9[%swap3A_409], %swap3A_412 {strides = array<i32>} : memref<128xi32, #tpu.memory_space<vmem>>, vector<16xi32>,
        %get3A_413 = arith.constant 0 : i32
        %get3A_414 = arith.index_cast %get3A_413 : i32 to index
        %get3A_415 = arith.constant 80 : index
        %get3A_416 = tpu.vector_load %arg5[%get3A_414, %get3A_415] {strides = array<i32>} : memref<2x128xi32, #tpu.memory_space<vmem>>, vector<1x16xi32>,
        %get3A_417 = vector.shape_cast %get3A_416 : vector<1x16xi32> to vector<16xi32>
        %swap3A_418 = arith.constant 80 : index
        %swap3A_419 = tpu.vector_load %arg9[%swap3A_418] {strides = array<i32>} : memref<128xi32, #tpu.memory_space<vmem>>, vector<16xi32>,
        %swap3A_420 = vector.shape_cast %swap3A_419 : vector<16xi32> to vector<16xi32>
        %swap3A_421 = vector.shape_cast %get3A_417 : vector<16xi32> to vector<16xi32>
        tpu.vector_store %arg9[%swap3A_418], %swap3A_421 {strides = array<i32>} : memref<128xi32, #tpu.memory_space<vmem>>, vector<16xi32>,
        %get3A_422 = arith.constant 0 : i32
        %get3A_423 = arith.index_cast %get3A_422 : i32 to index
        %get3A_424 = arith.constant 96 : index
        %get3A_425 = tpu.vector_load %arg5[%get3A_423, %get3A_424] {strides = array<i32>} : memref<2x128xi32, #tpu.memory_space<vmem>>, vector<1x16xi32>,
        %get3A_426 = vector.shape_cast %get3A_425 : vector<1x16xi32> to vector<16xi32>
        %swap3A_427 = arith.constant 96 : index
        %swap3A_428 = tpu.vector_load %arg9[%swap3A_427] {strides = array<i32>} : memref<128xi32, #tpu.memory_space<vmem>>, vector<16xi32>,
        %swap3A_429 = vector.shape_cast %swap3A_428 : vector<16xi32> to vector<16xi32>
        %swap3A_430 = vector.shape_cast %get3A_426 : vector<16xi32> to vector<16xi32>
        tpu.vector_store %arg9[%swap3A_427], %swap3A_430 {strides = array<i32>} : memref<128xi32, #tpu.memory_space<vmem>>, vector<16xi32>,
        %get3A_431 = arith.constant 0 : i32
        %get3A_432 = arith.index_cast %get3A_431 : i32 to index
        %get3A_433 = arith.constant 112 : index
        %get3A_434 = tpu.vector_load %arg5[%get3A_432, %get3A_433] {strides = array<i32>} : memref<2x128xi32, #tpu.memory_space<vmem>>, vector<1x16xi32>,
        %get3A_435 = vector.shape_cast %get3A_434 : vector<1x16xi32> to vector<16xi32>
        %swap3A_436 = arith.constant 112 : index
        %swap3A_437 = tpu.vector_load %arg9[%swap3A_436] {strides = array<i32>} : memref<128xi32, #tpu.memory_space<vmem>>, vector<16xi32>,
        %swap3A_438 = vector.shape_cast %swap3A_437 : vector<16xi32> to vector<16xi32>
        %swap3A_439 = vector.shape_cast %get3A_435 : vector<16xi32> to vector<16xi32>
        tpu.vector_store %arg9[%swap3A_436], %swap3A_439 {strides = array<i32>} : memref<128xi32, #tpu.memory_space<vmem>>, vector<16xi32>,
        %dma_start3A_440 = arith.constant 0 : i32
        %dma_start3A_441 = arith.constant 0 : i32
        %dma_start3A_442 = tpu.memref_slice %arg2[%arg0, %dma_start3A_440, %dma_start3A_441] : memref<2x10000x128xf32, #tpu.memory_space<hbm>> -> memref<1x10000x128xf32, #tpu.memory_space<hbm>>
        %dma_start3A_443 = tpu.memref_squeeze %dma_start3A_442 : memref<1x10000x128xf32, #tpu.memory_space<hbm>> -> memref<10000x128xf32, #tpu.memory_space<hbm>>
        %dma_start3A_444 = arith.constant 0 : i32
        %dma_start3A_445 = arith.constant 0 : i32
        %dma_start3A_446 = tpu.memref_slice %dma_start3A_443[%dma_start3A_444, %dma_start3A_445] : memref<10000x128xf32, #tpu.memory_space<hbm>> -> memref<10000x128xf32, #tpu.memory_space<hbm>>
        tpu.enqueue_indirect_dma source(%dma_start3A_446 : memref<10000x128xf32, #tpu.memory_space<hbm>>) target(%arg11 : memref<128x128xf32, #tpu.memory_space<vmem>>) offsets(%arg9 : memref<128xi32, #tpu.memory_space<vmem>>) semaphore(%arg18 : memref<!tpu.dma_semaphore, #tpu.memory_space<semaphore_mem>>)
      } else {
      }
      %mul3A_332 = arith.constant 4 : i32
      %mul3A_333 = arith.muli %mul3A_332, %while3A_259 : i32
      %add3A_334 = arith.constant 3 : i32
      %add3A_335 = arith.addi %mul3A_333, %add3A_334 : i32
      %dma_wait3A_336 = arith.constant 0 : i32
      %dma_wait3A_337 = arith.constant 0 : i32
      %dma_wait3A_338 = tpu.memref_slice %arg2[%arg0, %dma_wait3A_336, %dma_wait3A_337] : memref<2x10000x128xf32, #tpu.memory_space<hbm>> -> memref<1x10000x128xf32, #tpu.memory_space<hbm>>
      %dma_wait3A_339 = tpu.memref_squeeze %dma_wait3A_338 : memref<1x10000x128xf32, #tpu.memory_space<hbm>> -> memref<10000x128xf32, #tpu.memory_space<hbm>>
      %dma_wait3A_340 = arith.constant 0 : i32
      %dma_wait3A_341 = arith.constant 0 : i32
      %dma_wait3A_342 = tpu.memref_slice %dma_wait3A_339[%dma_wait3A_340, %dma_wait3A_341] : memref<10000x128xf32, #tpu.memory_space<hbm>> -> memref<10000x128xf32, #tpu.memory_space<hbm>>
      tpu.wait_indirect_dma semaphore(%arg19 : memref<!tpu.dma_semaphore, #tpu.memory_space<semaphore_mem>>) src(%dma_wait3A_342 : memref<10000x128xf32, #tpu.memory_space<hbm>>) dst(%arg12 : memref<128x128xf32, #tpu.memory_space<vmem>>)
      %run_scoped3A_343 = arith.constant 1 : i32
      "tpu.region"() ({
        %run_scoped3A_356 = tpu.sem_alloc : memref<!tpu.dma_semaphore, #tpu.memory_space<semaphore_mem>>
        %dma_start3A_357 = arith.constant 0 : i32
        %dma_start3A_358 = tpu.memref_slice %arg8[%run_scoped3A_343, %dma_start3A_357] : memref<2x128xi32, #tpu.memory_space<vmem>> -> memref<1x128xi32, #tpu.memory_space<vmem>>
        %dma_start3A_359 = tpu.memref_squeeze %dma_start3A_358 : memref<1x128xi32, #tpu.memory_space<vmem>> -> memref<128xi32, #tpu.memory_space<vmem>>
        %dma_start3A_360 = arith.constant 0 : i32
        %dma_start3A_361 = arith.constant 0 : i32
        %dma_start3A_362 = tpu.memref_slice %arg13[%dma_start3A_360, %dma_start3A_361] : memref<10240x128xf32, #tpu.memory_space<vmem_shared>> -> memref<10240x128xf32, #tpu.memory_space<vmem_shared>>
        tpu.enqueue_indirect_dma source(%arg12 : memref<128x128xf32, #tpu.memory_space<vmem>>) target(%dma_start3A_362 : memref<10240x128xf32, #tpu.memory_space<vmem_shared>>) offsets(%dma_start3A_359 : memref<128xi32, #tpu.memory_space<vmem>>) semaphore(%run_scoped3A_356 : memref<!tpu.dma_semaphore, #tpu.memory_space<semaphore_mem>>) {add = true}
        %dma_wait3A_363 = arith.constant 0 : i32
        %dma_wait3A_364 = tpu.memref_slice %arg8[%run_scoped3A_343, %dma_wait3A_363] : memref<2x128xi32, #tpu.memory_space<vmem>> -> memref<1x128xi32, #tpu.memory_space<vmem>>
        %dma_wait3A_365 = tpu.memref_squeeze %dma_wait3A_364 : memref<1x128xi32, #tpu.memory_space<vmem>> -> memref<128xi32, #tpu.memory_space<vmem>>
        %dma_wait3A_366 = arith.constant 0 : i32
        %dma_wait3A_367 = arith.constant 0 : i32
        %dma_wait3A_368 = tpu.memref_slice %arg13[%dma_wait3A_366, %dma_wait3A_367] : memref<10240x128xf32, #tpu.memory_space<vmem_shared>> -> memref<10240x128xf32, #tpu.memory_space<vmem_shared>>
        tpu.wait_indirect_dma semaphore(%run_scoped3A_356 : memref<!tpu.dma_semaphore, #tpu.memory_space<semaphore_mem>>) src(%arg12 : memref<128x128xf32, #tpu.memory_space<vmem>>) dst(%dma_wait3A_368 : memref<10240x128xf32, #tpu.memory_space<vmem_shared>>)
        tpu.yield
      }) : () -> ()
      %add3A_344 = arith.constant 4 : i32
      %add3A_345 = arith.addi %add3A_335, %add3A_344 : i32
      %lt3A_346 = arith.cmpi slt, %add3A_345, %select_n3A : i32
      %convert_element_type3A_347 = arith.extui %lt3A_346 : i1 to i32
      %cond3A_348 = arith.constant 0 : i32
      %cond3A_349 = arith.cmpi ne, %convert_element_type3A_347, %cond3A_348 : i32
      scf.if %cond3A_349 {
        %add3A_356 = arith.constant 3 : i32
        %add3A_357 = arith.addi %add3A_262, %add3A_356 : i32
        %add3A_358 = arith.constant 4 : i32
        %add3A_359 = arith.addi %add3A_357, %add3A_358 : i32
        %dma_start3A_360 = arith.constant 0 : i32
        %dma_start3A_361 = arith.constant 0 : i32
        %dma_start3A_362 = tpu.memref_slice %arg3[%arg0, %add3A_359, %dma_start3A_360, %dma_start3A_361] : memref<2x2500x2x128xi32, #tpu.memory_space<hbm>> -> memref<1x1x2x128xi32, #tpu.memory_space<hbm>>
        %dma_start3A_363 = tpu.memref_squeeze %dma_start3A_362 : memref<1x1x2x128xi32, #tpu.memory_space<hbm>> -> memref<2x128xi32, #tpu.memory_space<hbm>>
        %dma_start3A_364 = arith.constant 0 : i32
        %dma_start3A_365 = arith.constant 0 : i32
        %dma_start3A_366 = tpu.memref_slice %arg3[%arg0, %add3A_359, %dma_start3A_364, %dma_start3A_365] : memref<2x2500x2x128xi32, #tpu.memory_space<hbm>> -> memref<1x1x2x128xi32, #tpu.memory_space<hbm>>
        %dma_start3A_367 = tpu.memref_squeeze %dma_start3A_366 : memref<1x1x2x128xi32, #tpu.memory_space<hbm>> -> memref<2x128xi32, #tpu.memory_space<hbm>>
        tpu.enqueue_dma source(%dma_start3A_367 : memref<2x128xi32, #tpu.memory_space<hbm>>) target(%arg8 : memref<2x128xi32, #tpu.memory_space<vmem>>) target_semaphore(%arg17 : memref<!tpu.dma_semaphore, #tpu.memory_space<semaphore_mem>>)
      } else {
      }
      %add3A_350 = arith.constant 2 : i32
      %add3A_351 = arith.addi %add3A_335, %add3A_350 : i32
      %lt3A_352 = arith.cmpi slt, %add3A_351, %select_n3A : i32
      %convert_element_type3A_353 = arith.extui %lt3A_352 : i1 to i32
      %cond3A_354 = arith.constant 0 : i32
      %cond3A_355 = arith.cmpi ne, %convert_element_type3A_353, %cond3A_354 : i32
      scf.if %cond3A_355 {
        %add3A_356 = arith.constant 3 : i32
        %add3A_357 = arith.addi %add3A_262, %add3A_356 : i32
        %add3A_358 = arith.constant 2 : i32
        %add3A_359 = arith.addi %add3A_357, %add3A_358 : i32
        %dma_wait3A_360 = arith.constant 0 : i32
        %dma_wait3A_361 = arith.constant 0 : i32
        %dma_wait3A_362 = tpu.memref_slice %arg3[%arg0, %add3A_359, %dma_wait3A_360, %dma_wait3A_361] : memref<2x2500x2x128xi32, #tpu.memory_space<hbm>> -> memref<1x1x2x128xi32, #tpu.memory_space<hbm>>
        %dma_wait3A_363 = tpu.memref_squeeze %dma_wait3A_362 : memref<1x1x2x128xi32, #tpu.memory_space<hbm>> -> memref<2x128xi32, #tpu.memory_space<hbm>>
        %dma_wait3A_364 = arith.constant 0 : i32
        %dma_wait3A_365 = arith.constant 0 : i32
        %dma_wait3A_366 = tpu.memref_slice %arg3[%arg0, %add3A_359, %dma_wait3A_364, %dma_wait3A_365] : memref<2x2500x2x128xi32, #tpu.memory_space<hbm>> -> memref<1x1x2x128xi32, #tpu.memory_space<hbm>>
        %dma_wait3A_367 = tpu.memref_squeeze %dma_wait3A_366 : memref<1x1x2x128xi32, #tpu.memory_space<hbm>> -> memref<2x128xi32, #tpu.memory_space<hbm>>
        tpu.wait_dma2 semaphore(%arg15 : memref<!tpu.dma_semaphore, #tpu.memory_space<semaphore_mem>>) src(%dma_wait3A_367 : memref<2x128xi32, #tpu.memory_space<hbm>>) dst(%arg6 : memref<2x128xi32, #tpu.memory_space<vmem>>)
        %get3A_368 = arith.constant 0 : i32
        %get3A_369 = arith.index_cast %get3A_368 : i32 to index
        %get3A_370 = arith.constant 0 : index
        %get3A_371 = tpu.vector_load %arg6[%get3A_369, %get3A_370] {strides = array<i32>} : memref<2x128xi32, #tpu.memory_space<vmem>>, vector<1x16xi32>,
        %get3A_372 = vector.shape_cast %get3A_371 : vector<1x16xi32> to vector<16xi32>
        %swap3A_373 = arith.constant 0 : index
        %swap3A_374 = tpu.vector_load %arg10[%swap3A_373] {strides = array<i32>} : memref<128xi32, #tpu.memory_space<vmem>>, vector<16xi32>,
        %swap3A_375 = vector.shape_cast %swap3A_374 : vector<16xi32> to vector<16xi32>
        %swap3A_376 = vector.shape_cast %get3A_372 : vector<16xi32> to vector<16xi32>
        tpu.vector_store %arg10[%swap3A_373], %swap3A_376 {strides = array<i32>} : memref<128xi32, #tpu.memory_space<vmem>>, vector<16xi32>,
        %get3A_377 = arith.constant 0 : i32
        %get3A_378 = arith.index_cast %get3A_377 : i32 to index
        %get3A_379 = arith.constant 16 : index
        %get3A_380 = tpu.vector_load %arg6[%get3A_378, %get3A_379] {strides = array<i32>} : memref<2x128xi32, #tpu.memory_space<vmem>>, vector<1x16xi32>,
        %get3A_381 = vector.shape_cast %get3A_380 : vector<1x16xi32> to vector<16xi32>
        %swap3A_382 = arith.constant 16 : index
        %swap3A_383 = tpu.vector_load %arg10[%swap3A_382] {strides = array<i32>} : memref<128xi32, #tpu.memory_space<vmem>>, vector<16xi32>,
        %swap3A_384 = vector.shape_cast %swap3A_383 : vector<16xi32> to vector<16xi32>
        %swap3A_385 = vector.shape_cast %get3A_381 : vector<16xi32> to vector<16xi32>
        tpu.vector_store %arg10[%swap3A_382], %swap3A_385 {strides = array<i32>} : memref<128xi32, #tpu.memory_space<vmem>>, vector<16xi32>,
        %get3A_386 = arith.constant 0 : i32
        %get3A_387 = arith.index_cast %get3A_386 : i32 to index
        %get3A_388 = arith.constant 32 : index
        %get3A_389 = tpu.vector_load %arg6[%get3A_387, %get3A_388] {strides = array<i32>} : memref<2x128xi32, #tpu.memory_space<vmem>>, vector<1x16xi32>,
        %get3A_390 = vector.shape_cast %get3A_389 : vector<1x16xi32> to vector<16xi32>
        %swap3A_391 = arith.constant 32 : index
        %swap3A_392 = tpu.vector_load %arg10[%swap3A_391] {strides = array<i32>} : memref<128xi32, #tpu.memory_space<vmem>>, vector<16xi32>,
        %swap3A_393 = vector.shape_cast %swap3A_392 : vector<16xi32> to vector<16xi32>
        %swap3A_394 = vector.shape_cast %get3A_390 : vector<16xi32> to vector<16xi32>
        tpu.vector_store %arg10[%swap3A_391], %swap3A_394 {strides = array<i32>} : memref<128xi32, #tpu.memory_space<vmem>>, vector<16xi32>,
        %get3A_395 = arith.constant 0 : i32
        %get3A_396 = arith.index_cast %get3A_395 : i32 to index
        %get3A_397 = arith.constant 48 : index
        %get3A_398 = tpu.vector_load %arg6[%get3A_396, %get3A_397] {strides = array<i32>} : memref<2x128xi32, #tpu.memory_space<vmem>>, vector<1x16xi32>,
        %get3A_399 = vector.shape_cast %get3A_398 : vector<1x16xi32> to vector<16xi32>
        %swap3A_400 = arith.constant 48 : index
        %swap3A_401 = tpu.vector_load %arg10[%swap3A_400] {strides = array<i32>} : memref<128xi32, #tpu.memory_space<vmem>>, vector<16xi32>,
        %swap3A_402 = vector.shape_cast %swap3A_401 : vector<16xi32> to vector<16xi32>
        %swap3A_403 = vector.shape_cast %get3A_399 : vector<16xi32> to vector<16xi32>
        tpu.vector_store %arg10[%swap3A_400], %swap3A_403 {strides = array<i32>} : memref<128xi32, #tpu.memory_space<vmem>>, vector<16xi32>,
        %get3A_404 = arith.constant 0 : i32
        %get3A_405 = arith.index_cast %get3A_404 : i32 to index
        %get3A_406 = arith.constant 64 : index
        %get3A_407 = tpu.vector_load %arg6[%get3A_405, %get3A_406] {strides = array<i32>} : memref<2x128xi32, #tpu.memory_space<vmem>>, vector<1x16xi32>,
        %get3A_408 = vector.shape_cast %get3A_407 : vector<1x16xi32> to vector<16xi32>
        %swap3A_409 = arith.constant 64 : index
        %swap3A_410 = tpu.vector_load %arg10[%swap3A_409] {strides = array<i32>} : memref<128xi32, #tpu.memory_space<vmem>>, vector<16xi32>,
        %swap3A_411 = vector.shape_cast %swap3A_410 : vector<16xi32> to vector<16xi32>
        %swap3A_412 = vector.shape_cast %get3A_408 : vector<16xi32> to vector<16xi32>
        tpu.vector_store %arg10[%swap3A_409], %swap3A_412 {strides = array<i32>} : memref<128xi32, #tpu.memory_space<vmem>>, vector<16xi32>,
        %get3A_413 = arith.constant 0 : i32
        %get3A_414 = arith.index_cast %get3A_413 : i32 to index
        %get3A_415 = arith.constant 80 : index
        %get3A_416 = tpu.vector_load %arg6[%get3A_414, %get3A_415] {strides = array<i32>} : memref<2x128xi32, #tpu.memory_space<vmem>>, vector<1x16xi32>,
        %get3A_417 = vector.shape_cast %get3A_416 : vector<1x16xi32> to vector<16xi32>
        %swap3A_418 = arith.constant 80 : index
        %swap3A_419 = tpu.vector_load %arg10[%swap3A_418] {strides = array<i32>} : memref<128xi32, #tpu.memory_space<vmem>>, vector<16xi32>,
        %swap3A_420 = vector.shape_cast %swap3A_419 : vector<16xi32> to vector<16xi32>
        %swap3A_421 = vector.shape_cast %get3A_417 : vector<16xi32> to vector<16xi32>
        tpu.vector_store %arg10[%swap3A_418], %swap3A_421 {strides = array<i32>} : memref<128xi32, #tpu.memory_space<vmem>>, vector<16xi32>,
        %get3A_422 = arith.constant 0 : i32
        %get3A_423 = arith.index_cast %get3A_422 : i32 to index
        %get3A_424 = arith.constant 96 : index
        %get3A_425 = tpu.vector_load %arg6[%get3A_423, %get3A_424] {strides = array<i32>} : memref<2x128xi32, #tpu.memory_space<vmem>>, vector<1x16xi32>,
        %get3A_426 = vector.shape_cast %get3A_425 : vector<1x16xi32> to vector<16xi32>
        %swap3A_427 = arith.constant 96 : index
        %swap3A_428 = tpu.vector_load %arg10[%swap3A_427] {strides = array<i32>} : memref<128xi32, #tpu.memory_space<vmem>>, vector<16xi32>,
        %swap3A_429 = vector.shape_cast %swap3A_428 : vector<16xi32> to vector<16xi32>
        %swap3A_430 = vector.shape_cast %get3A_426 : vector<16xi32> to vector<16xi32>
        tpu.vector_store %arg10[%swap3A_427], %swap3A_430 {strides = array<i32>} : memref<128xi32, #tpu.memory_space<vmem>>, vector<16xi32>,
        %get3A_431 = arith.constant 0 : i32
        %get3A_432 = arith.index_cast %get3A_431 : i32 to index
        %get3A_433 = arith.constant 112 : index
        %get3A_434 = tpu.vector_load %arg6[%get3A_432, %get3A_433] {strides = array<i32>} : memref<2x128xi32, #tpu.memory_space<vmem>>, vector<1x16xi32>,
        %get3A_435 = vector.shape_cast %get3A_434 : vector<1x16xi32> to vector<16xi32>
        %swap3A_436 = arith.constant 112 : index
        %swap3A_437 = tpu.vector_load %arg10[%swap3A_436] {strides = array<i32>} : memref<128xi32, #tpu.memory_space<vmem>>, vector<16xi32>,
        %swap3A_438 = vector.shape_cast %swap3A_437 : vector<16xi32> to vector<16xi32>
        %swap3A_439 = vector.shape_cast %get3A_435 : vector<16xi32> to vector<16xi32>
        tpu.vector_store %arg10[%swap3A_436], %swap3A_439 {strides = array<i32>} : memref<128xi32, #tpu.memory_space<vmem>>, vector<16xi32>,
        %dma_start3A_440 = arith.constant 0 : i32
        %dma_start3A_441 = arith.constant 0 : i32
        %dma_start3A_442 = tpu.memref_slice %arg2[%arg0, %dma_start3A_440, %dma_start3A_441] : memref<2x10000x128xf32, #tpu.memory_space<hbm>> -> memref<1x10000x128xf32, #tpu.memory_space<hbm>>
        %dma_start3A_443 = tpu.memref_squeeze %dma_start3A_442 : memref<1x10000x128xf32, #tpu.memory_space<hbm>> -> memref<10000x128xf32, #tpu.memory_space<hbm>>
        %dma_start3A_444 = arith.constant 0 : i32
        %dma_start3A_445 = arith.constant 0 : i32
        %dma_start3A_446 = tpu.memref_slice %dma_start3A_443[%dma_start3A_444, %dma_start3A_445] : memref<10000x128xf32, #tpu.memory_space<hbm>> -> memref<10000x128xf32, #tpu.memory_space<hbm>>
        tpu.enqueue_indirect_dma source(%dma_start3A_446 : memref<10000x128xf32, #tpu.memory_space<hbm>>) target(%arg12 : memref<128x128xf32, #tpu.memory_space<vmem>>) offsets(%arg10 : memref<128xi32, #tpu.memory_space<vmem>>) semaphore(%arg19 : memref<!tpu.dma_semaphore, #tpu.memory_space<semaphore_mem>>)
      } else {
      }
    }
    %barrier3A_254 = arith.constant 0 : index
    tpu.barrier barrier_id(%barrier3A_254)
    %mul3A_255 = arith.constant 640 : i32
    %mul3A_256 = arith.muli %arg1, %mul3A_255 : i32
    %mul3A_257 = arith.constant 640 : i32
    %mul3A_258 = arith.muli %arg1, %mul3A_257 : i32
    "tpu.region"() ({
      %run_scoped3A = tpu.sem_alloc : memref<!tpu.dma_semaphore, #tpu.memory_space<semaphore_mem>>
      %dma_start3A_259 = arith.constant 0 : i32
      %dma_start3A_260 = tpu.memref_slice %arg4[%arg0, %mul3A_258, %dma_start3A_259] : memref<2x10240x128xf32, #tpu.memory_space<hbm>> -> memref<1x640x128xf32, #tpu.memory_space<hbm>>
      %dma_start3A_261 = tpu.memref_squeeze %dma_start3A_260 : memref<1x640x128xf32, #tpu.memory_space<hbm>> -> memref<640x128xf32, #tpu.memory_space<hbm>>
      %dma_start3A_262 = arith.constant 0 : i32
      %dma_start3A_263 = tpu.memref_slice %arg13[%mul3A_256, %dma_start3A_262] : memref<10240x128xf32, #tpu.memory_space<vmem_shared>> -> memref<640x128xf32, #tpu.memory_space<vmem_shared>>
      tpu.enqueue_dma source(%dma_start3A_263 : memref<640x128xf32, #tpu.memory_space<vmem_shared>>) target(%dma_start3A_261 : memref<640x128xf32, #tpu.memory_space<hbm>>) target_semaphore(%run_scoped3A : memref<!tpu.dma_semaphore, #tpu.memory_space<semaphore_mem>>)
      %dma_wait3A_264 = arith.constant 0 : i32
      %dma_wait3A_265 = tpu.memref_slice %arg4[%arg0, %mul3A_258, %dma_wait3A_264] : memref<2x10240x128xf32, #tpu.memory_space<hbm>> -> memref<1x640x128xf32, #tpu.memory_space<hbm>>
      %dma_wait3A_266 = tpu.memref_squeeze %dma_wait3A_265 : memref<1x640x128xf32, #tpu.memory_space<hbm>> -> memref<640x128xf32, #tpu.memory_space<hbm>>
      %dma_wait3A_267 = arith.constant 0 : i32
      %dma_wait3A_268 = tpu.memref_slice %arg13[%mul3A_256, %dma_wait3A_267] : memref<10240x128xf32, #tpu.memory_space<vmem_shared>> -> memref<640x128xf32, #tpu.memory_space<vmem_shared>>
      tpu.wait_dma2 semaphore(%run_scoped3A : memref<!tpu.dma_semaphore, #tpu.memory_space<semaphore_mem>>) src(%dma_wait3A_268 : memref<640x128xf32, #tpu.memory_space<vmem_shared>>) dst(%dma_wait3A_266 : memref<640x128xf32, #tpu.memory_space<hbm>>)
      tpu.yield
    }) : () -> ()
    return
  }
}

#map = affine_map<(d0, d1) -> (0, 0, 0, 0)>
#map1 = affine_map<(d0, d1) -> (0)>
module attributes {stable_mosaic.version = 14 : i64} {
  func.func @_deg_body(%arg0: i32, %arg1: i32, %arg2: memref<2x2500x2x128xi32, #tpu.memory_space<hbm>>, %arg3: memref<10000xf32, #tpu.memory_space<hbm>>, %arg4: memref<10000xf32, #tpu.memory_space<hbm>>, %arg5: memref<128xi32, #tpu.memory_space<vmem>>, %arg6: memref<128xi32, #tpu.memory_space<vmem>>, %arg7: memref<128xi32, #tpu.memory_space<vmem>>, %arg8: memref<128xi32, #tpu.memory_space<vmem>>, %arg9: memref<128xf32, #tpu.memory_space<vmem>>, %arg10: memref<2000xf32, #tpu.memory_space<vmem>>, %arg11: memref<1000xf32, #tpu.memory_space<vmem>>, %arg12: memref<!tpu.dma_semaphore, #tpu.memory_space<semaphore_mem>>, %arg13: memref<!tpu.dma_semaphore, #tpu.memory_space<semaphore_mem>>, %arg14: memref<!tpu.dma_semaphore, #tpu.memory_space<semaphore_mem>>, %arg15: memref<!tpu.dma_semaphore, #tpu.memory_space<semaphore_mem>>, %arg16: memref<!tpu.dma_semaphore, #tpu.memory_space<semaphore_mem>>, %arg17: memref<!tpu.dma_semaphore, #tpu.memory_space<semaphore_mem>>, %arg18: memref<!tpu.dma_semaphore, #tpu.memory_space<semaphore_mem>>, %arg19: memref<!tpu.dma_semaphore, #tpu.memory_space<semaphore_mem>>, %arg20: memref<10000xf32, #tpu.memory_space<vmem_shared>>) attributes {dimension_semantics = [#tpu.dimension_semantics<core_parallel>, #tpu.dimension_semantics<subcore_parallel>], iteration_bounds = array<i64: 2, 16>, scalar_prefetch = 0 : i64, scratch_operands = 16 : i64, tpu.core_type = #tpu.core_type<sc_vector_subcore>, window_params = [{transform_indices = #map}, {transform_indices = #map1}, {transform_indices = #map1}]} {
    %broadcast_in_dim3A = arith.constant 1.000000e+00 : f32
    %broadcast_in_dim3A_0 = vector.broadcast %broadcast_in_dim3A : f32 to vector<16xf32>
    %swap3A = arith.constant 0 : index
    %swap3A_1 = tpu.vector_load %arg9[%swap3A] {strides = array<i32>} : memref<128xf32, #tpu.memory_space<vmem>>, vector<16xf32>,
    %swap3A_2 = vector.shape_cast %swap3A_1 : vector<16xf32> to vector<16xf32>
    %swap3A_3 = vector.shape_cast %broadcast_in_dim3A_0 : vector<16xf32> to vector<16xf32>
    tpu.vector_store %arg9[%swap3A], %swap3A_3 {strides = array<i32>} : memref<128xf32, #tpu.memory_space<vmem>>, vector<16xf32>,
    %broadcast_in_dim3A_4 = arith.constant 1.000000e+00 : f32
    %broadcast_in_dim3A_5 = vector.broadcast %broadcast_in_dim3A_4 : f32 to vector<16xf32>
    %swap3A_6 = arith.constant 16 : index
    %swap3A_7 = tpu.vector_load %arg9[%swap3A_6] {strides = array<i32>} : memref<128xf32, #tpu.memory_space<vmem>>, vector<16xf32>,
    %swap3A_8 = vector.shape_cast %swap3A_7 : vector<16xf32> to vector<16xf32>
    %swap3A_9 = vector.shape_cast %broadcast_in_dim3A_5 : vector<16xf32> to vector<16xf32>
    tpu.vector_store %arg9[%swap3A_6], %swap3A_9 {strides = array<i32>} : memref<128xf32, #tpu.memory_space<vmem>>, vector<16xf32>,
    %broadcast_in_dim3A_10 = arith.constant 1.000000e+00 : f32
    %broadcast_in_dim3A_11 = vector.broadcast %broadcast_in_dim3A_10 : f32 to vector<16xf32>
    %swap3A_12 = arith.constant 32 : index
    %swap3A_13 = tpu.vector_load %arg9[%swap3A_12] {strides = array<i32>} : memref<128xf32, #tpu.memory_space<vmem>>, vector<16xf32>,
    %swap3A_14 = vector.shape_cast %swap3A_13 : vector<16xf32> to vector<16xf32>
    %swap3A_15 = vector.shape_cast %broadcast_in_dim3A_11 : vector<16xf32> to vector<16xf32>
    tpu.vector_store %arg9[%swap3A_12], %swap3A_15 {strides = array<i32>} : memref<128xf32, #tpu.memory_space<vmem>>, vector<16xf32>,
    %broadcast_in_dim3A_16 = arith.constant 1.000000e+00 : f32
    %broadcast_in_dim3A_17 = vector.broadcast %broadcast_in_dim3A_16 : f32 to vector<16xf32>
    %swap3A_18 = arith.constant 48 : index
    %swap3A_19 = tpu.vector_load %arg9[%swap3A_18] {strides = array<i32>} : memref<128xf32, #tpu.memory_space<vmem>>, vector<16xf32>,
    %swap3A_20 = vector.shape_cast %swap3A_19 : vector<16xf32> to vector<16xf32>
    %swap3A_21 = vector.shape_cast %broadcast_in_dim3A_17 : vector<16xf32> to vector<16xf32>
    tpu.vector_store %arg9[%swap3A_18], %swap3A_21 {strides = array<i32>} : memref<128xf32, #tpu.memory_space<vmem>>, vector<16xf32>,
    %broadcast_in_dim3A_22 = arith.constant 1.000000e+00 : f32
    %broadcast_in_dim3A_23 = vector.broadcast %broadcast_in_dim3A_22 : f32 to vector<16xf32>
    %swap3A_24 = arith.constant 64 : index
    %swap3A_25 = tpu.vector_load %arg9[%swap3A_24] {strides = array<i32>} : memref<128xf32, #tpu.memory_space<vmem>>, vector<16xf32>,
    %swap3A_26 = vector.shape_cast %swap3A_25 : vector<16xf32> to vector<16xf32>
    %swap3A_27 = vector.shape_cast %broadcast_in_dim3A_23 : vector<16xf32> to vector<16xf32>
    tpu.vector_store %arg9[%swap3A_24], %swap3A_27 {strides = array<i32>} : memref<128xf32, #tpu.memory_space<vmem>>, vector<16xf32>,
    %broadcast_in_dim3A_28 = arith.constant 1.000000e+00 : f32
    %broadcast_in_dim3A_29 = vector.broadcast %broadcast_in_dim3A_28 : f32 to vector<16xf32>
    %swap3A_30 = arith.constant 80 : index
    %swap3A_31 = tpu.vector_load %arg9[%swap3A_30] {strides = array<i32>} : memref<128xf32, #tpu.memory_space<vmem>>, vector<16xf32>,
    %swap3A_32 = vector.shape_cast %swap3A_31 : vector<16xf32> to vector<16xf32>
    %swap3A_33 = vector.shape_cast %broadcast_in_dim3A_29 : vector<16xf32> to vector<16xf32>
    tpu.vector_store %arg9[%swap3A_30], %swap3A_33 {strides = array<i32>} : memref<128xf32, #tpu.memory_space<vmem>>, vector<16xf32>,
    %broadcast_in_dim3A_34 = arith.constant 1.000000e+00 : f32
    %broadcast_in_dim3A_35 = vector.broadcast %broadcast_in_dim3A_34 : f32 to vector<16xf32>
    %swap3A_36 = arith.constant 96 : index
    %swap3A_37 = tpu.vector_load %arg9[%swap3A_36] {strides = array<i32>} : memref<128xf32, #tpu.memory_space<vmem>>, vector<16xf32>,
    %swap3A_38 = vector.shape_cast %swap3A_37 : vector<16xf32> to vector<16xf32>
    %swap3A_39 = vector.shape_cast %broadcast_in_dim3A_35 : vector<16xf32> to vector<16xf32>
    tpu.vector_store %arg9[%swap3A_36], %swap3A_39 {strides = array<i32>} : memref<128xf32, #tpu.memory_space<vmem>>, vector<16xf32>,
    %broadcast_in_dim3A_40 = arith.constant 1.000000e+00 : f32
    %broadcast_in_dim3A_41 = vector.broadcast %broadcast_in_dim3A_40 : f32 to vector<16xf32>
    %swap3A_42 = arith.constant 112 : index
    %swap3A_43 = tpu.vector_load %arg9[%swap3A_42] {strides = array<i32>} : memref<128xf32, #tpu.memory_space<vmem>>, vector<16xf32>,
    %swap3A_44 = vector.shape_cast %swap3A_43 : vector<16xf32> to vector<16xf32>
    %swap3A_45 = vector.shape_cast %broadcast_in_dim3A_41 : vector<16xf32> to vector<16xf32>
    tpu.vector_store %arg9[%swap3A_42], %swap3A_45 {strides = array<i32>} : memref<128xf32, #tpu.memory_space<vmem>>, vector<16xf32>,
    %scan3A = arith.constant 0 : i32
    %scan3A_46 = arith.constant 0 : i32
    %scan3A_47 = arith.constant 125 : i32
    %scan3A_48 = arith.addi %scan3A_46, %scan3A_47 : i32
    %scan3A_49 = arith.constant 1 : i32
    scf.for %scan3A_124 = %scan3A_46 to %scan3A_48 step %scan3A_49  : i32 {
      %broadcast_in_dim3A_125 = arith.constant 0.000000e+00 : f32
      %broadcast_in_dim3A_126 = vector.broadcast %broadcast_in_dim3A_125 : f32 to vector<16xf32>
      %mul3A_127 = arith.constant 16 : i32
      %mul3A_128 = arith.muli %scan3A_124, %mul3A_127 : i32
      %swap3A_129 = arith.index_cast %mul3A_128 : i32 to index
      %swap3A_130 = tpu.vector_load %arg10[%swap3A_129] {strides = array<i32>} : memref<2000xf32, #tpu.memory_space<vmem>>, vector<16xf32>,
      %swap3A_131 = vector.shape_cast %swap3A_130 : vector<16xf32> to vector<16xf32>
      %swap3A_132 = vector.shape_cast %broadcast_in_dim3A_126 : vector<16xf32> to vector<16xf32>
      tpu.vector_store %arg10[%swap3A_129], %swap3A_132 {strides = array<i32>} : memref<2000xf32, #tpu.memory_space<vmem>>, vector<16xf32>,
    }
    %scan3A_50 = arith.constant 125 : i32
    %lt3A = arith.constant 5 : i32
    %lt3A_51 = arith.cmpi slt, %arg1, %lt3A : i32
    %convert_element_type3A = arith.extui %lt3A_51 : i1 to i32
    %cond3A = arith.constant 0 : i32
    %cond3A_52 = arith.cmpi ne, %convert_element_type3A, %cond3A : i32
    scf.if %cond3A_52 {
      %mul3A_124 = arith.constant 2000 : i32
      %mul3A_125 = arith.muli %arg1, %mul3A_124 : i32
      "tpu.region"() ({
        %run_scoped3A = tpu.sem_alloc : memref<!tpu.dma_semaphore, #tpu.memory_space<semaphore_mem>>
        %dma_start3A_126 = tpu.memref_slice %arg20[%mul3A_125] : memref<10000xf32, #tpu.memory_space<vmem_shared>> -> memref<2000xf32, #tpu.memory_space<vmem_shared>>
        %dma_start3A_127 = tpu.memref_slice %arg20[%mul3A_125] : memref<10000xf32, #tpu.memory_space<vmem_shared>> -> memref<2000xf32, #tpu.memory_space<vmem_shared>>
        tpu.enqueue_dma source(%arg10 : memref<2000xf32, #tpu.memory_space<vmem>>) target(%dma_start3A_127 : memref<2000xf32, #tpu.memory_space<vmem_shared>>) target_semaphore(%run_scoped3A : memref<!tpu.dma_semaphore, #tpu.memory_space<semaphore_mem>>)
        %dma_wait3A = tpu.memref_slice %arg20[%mul3A_125] : memref<10000xf32, #tpu.memory_space<vmem_shared>> -> memref<2000xf32, #tpu.memory_space<vmem_shared>>
        %dma_wait3A_128 = tpu.memref_slice %arg20[%mul3A_125] : memref<10000xf32, #tpu.memory_space<vmem_shared>> -> memref<2000xf32, #tpu.memory_space<vmem_shared>>
        tpu.wait_dma2 semaphore(%run_scoped3A : memref<!tpu.dma_semaphore, #tpu.memory_space<semaphore_mem>>) src(%arg10 : memref<2000xf32, #tpu.memory_space<vmem>>) dst(%dma_wait3A_128 : memref<2000xf32, #tpu.memory_space<vmem_shared>>)
        tpu.yield
      }) : () -> ()
    } else {
    }
    %barrier3A = arith.constant 0 : index
    tpu.barrier barrier_id(%barrier3A)
    %lt3A_53 = arith.constant 15 : i32
    %lt3A_54 = arith.cmpi slt, %arg1, %lt3A_53 : i32
    %jit3A = arith.constant 160 : i32
    %jit3A_55 = arith.constant 100 : i32
    %select_n3A = arith.select %lt3A_54, %jit3A, %jit3A_55 : i32
    %mul3A = arith.constant 160 : i32
    %mul3A_56 = arith.muli %arg1, %mul3A : i32
    %add3A = arith.constant 0 : i32
    %add3A_57 = arith.addi %mul3A_56, %add3A : i32
    %dma_start3A = arith.constant 0 : i32
    %dma_start3A_58 = arith.constant 0 : i32
    %dma_start3A_59 = tpu.memref_slice %arg2[%arg0, %add3A_57, %dma_start3A, %dma_start3A_58] : memref<2x2500x2x128xi32, #tpu.memory_space<hbm>> -> memref<1x1x1x128xi32, #tpu.memory_space<hbm>>
    %dma_start3A_60 = tpu.memref_squeeze %dma_start3A_59 : memref<1x1x1x128xi32, #tpu.memory_space<hbm>> -> memref<128xi32, #tpu.memory_space<hbm>>
    %dma_start3A_61 = arith.constant 0 : i32
    %dma_start3A_62 = tpu.memref_slice %arg2[%arg0, %add3A_57, %dma_start3A, %dma_start3A_61] : memref<2x2500x2x128xi32, #tpu.memory_space<hbm>> -> memref<1x1x1x128xi32, #tpu.memory_space<hbm>>
    %dma_start3A_63 = tpu.memref_squeeze %dma_start3A_62 : memref<1x1x1x128xi32, #tpu.memory_space<hbm>> -> memref<128xi32, #tpu.memory_space<hbm>>
    tpu.enqueue_dma source(%dma_start3A_63 : memref<128xi32, #tpu.memory_space<hbm>>) target(%arg5 : memref<128xi32, #tpu.memory_space<vmem>>) target_semaphore(%arg12 : memref<!tpu.dma_semaphore, #tpu.memory_space<semaphore_mem>>)
    %add3A_64 = arith.constant 1 : i32
    %add3A_65 = arith.addi %mul3A_56, %add3A_64 : i32
    %dma_start3A_66 = arith.constant 0 : i32
    %dma_start3A_67 = arith.constant 0 : i32
    %dma_start3A_68 = tpu.memref_slice %arg2[%arg0, %add3A_65, %dma_start3A_66, %dma_start3A_67] : memref<2x2500x2x128xi32, #tpu.memory_space<hbm>> -> memref<1x1x1x128xi32, #tpu.memory_space<hbm>>
    %dma_start3A_69 = tpu.memref_squeeze %dma_start3A_68 : memref<1x1x1x128xi32, #tpu.memory_space<hbm>> -> memref<128xi32, #tpu.memory_space<hbm>>
    %dma_start3A_70 = arith.constant 0 : i32
    %dma_start3A_71 = tpu.memref_slice %arg2[%arg0, %add3A_65, %dma_start3A_66, %dma_start3A_70] : memref<2x2500x2x128xi32, #tpu.memory_space<hbm>> -> memref<1x1x1x128xi32, #tpu.memory_space<hbm>>
    %dma_start3A_72 = tpu.memref_squeeze %dma_start3A_71 : memref<1x1x1x128xi32, #tpu.memory_space<hbm>> -> memref<128xi32, #tpu.memory_space<hbm>>
    tpu.enqueue_dma source(%dma_start3A_72 : memref<128xi32, #tpu.memory_space<hbm>>) target(%arg6 : memref<128xi32, #tpu.memory_space<vmem>>) target_semaphore(%arg13 : memref<!tpu.dma_semaphore, #tpu.memory_space<semaphore_mem>>)
    %add3A_73 = arith.constant 2 : i32
    %add3A_74 = arith.addi %mul3A_56, %add3A_73 : i32
    %dma_start3A_75 = arith.constant 0 : i32
    %dma_start3A_76 = arith.constant 0 : i32
    %dma_start3A_77 = tpu.memref_slice %arg2[%arg0, %add3A_74, %dma_start3A_75, %dma_start3A_76] : memref<2x2500x2x128xi32, #tpu.memory_space<hbm>> -> memref<1x1x1x128xi32, #tpu.memory_space<hbm>>
    %dma_start3A_78 = tpu.memref_squeeze %dma_start3A_77 : memref<1x1x1x128xi32, #tpu.memory_space<hbm>> -> memref<128xi32, #tpu.memory_space<hbm>>
    %dma_start3A_79 = arith.constant 0 : i32
    %dma_start3A_80 = tpu.memref_slice %arg2[%arg0, %add3A_74, %dma_start3A_75, %dma_start3A_79] : memref<2x2500x2x128xi32, #tpu.memory_space<hbm>> -> memref<1x1x1x128xi32, #tpu.memory_space<hbm>>
    %dma_start3A_81 = tpu.memref_squeeze %dma_start3A_80 : memref<1x1x1x128xi32, #tpu.memory_space<hbm>> -> memref<128xi32, #tpu.memory_space<hbm>>
    tpu.enqueue_dma source(%dma_start3A_81 : memref<128xi32, #tpu.memory_space<hbm>>) target(%arg7 : memref<128xi32, #tpu.memory_space<vmem>>) target_semaphore(%arg14 : memref<!tpu.dma_semaphore, #tpu.memory_space<semaphore_mem>>)
    %add3A_82 = arith.constant 3 : i32
    %add3A_83 = arith.addi %mul3A_56, %add3A_82 : i32
    %dma_start3A_84 = arith.constant 0 : i32
    %dma_start3A_85 = arith.constant 0 : i32
    %dma_start3A_86 = tpu.memref_slice %arg2[%arg0, %add3A_83, %dma_start3A_84, %dma_start3A_85] : memref<2x2500x2x128xi32, #tpu.memory_space<hbm>> -> memref<1x1x1x128xi32, #tpu.memory_space<hbm>>
    %dma_start3A_87 = tpu.memref_squeeze %dma_start3A_86 : memref<1x1x1x128xi32, #tpu.memory_space<hbm>> -> memref<128xi32, #tpu.memory_space<hbm>>
    %dma_start3A_88 = arith.constant 0 : i32
    %dma_start3A_89 = tpu.memref_slice %arg2[%arg0, %add3A_83, %dma_start3A_84, %dma_start3A_88] : memref<2x2500x2x128xi32, #tpu.memory_space<hbm>> -> memref<1x1x1x128xi32, #tpu.memory_space<hbm>>
    %dma_start3A_90 = tpu.memref_squeeze %dma_start3A_89 : memref<1x1x1x128xi32, #tpu.memory_space<hbm>> -> memref<128xi32, #tpu.memory_space<hbm>>
    tpu.enqueue_dma source(%dma_start3A_90 : memref<128xi32, #tpu.memory_space<hbm>>) target(%arg8 : memref<128xi32, #tpu.memory_space<vmem>>) target_semaphore(%arg15 : memref<!tpu.dma_semaphore, #tpu.memory_space<semaphore_mem>>)
    %jit3A_91 = arith.constant 4 : i32
    %div3A = arith.divsi %select_n3A, %jit3A_91 : i32
    %sign3A = arith.constant 0 : i32
    %sign3A_92 = arith.cmpi sgt, %select_n3A, %sign3A : i32
    %sign3A_93 = arith.extui %sign3A_92 : i1 to i32
    %sign3A_94 = arith.constant 0 : i32
    %sign3A_95 = arith.cmpi slt, %select_n3A, %sign3A_94 : i32
    %sign3A_96 = arith.extui %sign3A_95 : i1 to i32
    %sign3A_97 = arith.subi %sign3A_93, %sign3A_96 : i32
    %sign3A_98 = arith.constant 0 : i32
    %sign3A_99 = arith.cmpi sgt, %jit3A_91, %sign3A_98 : i32
    %sign3A_100 = arith.extui %sign3A_99 : i1 to i32
    %sign3A_101 = arith.constant 0 : i32
    %sign3A_102 = arith.cmpi slt, %jit3A_91, %sign3A_101 : i32
    %sign3A_103 = arith.extui %sign3A_102 : i1 to i32
    %sign3A_104 = arith.subi %sign3A_100, %sign3A_103 : i32
    %ne3A = arith.cmpi ne, %sign3A_97, %sign3A_104 : i32
    %rem3A = arith.remsi %select_n3A, %jit3A_91 : i32
    %ne3A_105 = arith.constant 0 : i32
    %ne3A_106 = arith.cmpi ne, %rem3A, %ne3A_105 : i32
    %and3A = arith.andi %ne3A, %ne3A_106 : i1
    %sub3A = arith.constant 1 : i32
    %sub3A_107 = arith.subi %div3A, %sub3A : i32
    %select_n3A_108 = arith.select %and3A, %sub3A_107, %div3A : i32
    %while3A = arith.constant 0 : i32
    %while3A_109 = arith.constant 0 : i32
    %while3A_110 = arith.subi %select_n3A_108, %while3A_109 : i32
    %while3A_111 = arith.addi %while3A_109, %while3A_110 : i32
    %while3A_112 = arith.constant 1 : i32
    %while3A_113 = arith.divsi %while3A_110, %while3A_112 : i32
    %while3A_114 = arith.muli %while3A_113, %while3A_112 : i32
    %while3A_115 = arith.addi %while3A_109, %while3A_114 : i32
    %while3A_116 = arith.constant 1 : i32
    scf.for %while3A_124 = %while3A_109 to %while3A_115 step %while3A_116  : i32 {
      %mul3A_125 = arith.constant 4 : i32
      %mul3A_126 = arith.muli %while3A_124, %mul3A_125 : i32
      %add3A_127 = arith.addi %mul3A_56, %mul3A_126 : i32
      %add3A_128 = arith.constant 0 : i32
      %add3A_129 = arith.addi %add3A_127, %add3A_128 : i32
      %dma_wait3A = arith.constant 0 : i32
      %dma_wait3A_130 = arith.constant 0 : i32
      %dma_wait3A_131 = tpu.memref_slice %arg2[%arg0, %add3A_129, %dma_wait3A, %dma_wait3A_130] : memref<2x2500x2x128xi32, #tpu.memory_space<hbm>> -> memref<1x1x1x128xi32, #tpu.memory_space<hbm>>
      %dma_wait3A_132 = tpu.memref_squeeze %dma_wait3A_131 : memref<1x1x1x128xi32, #tpu.memory_space<hbm>> -> memref<128xi32, #tpu.memory_space<hbm>>
      %dma_wait3A_133 = arith.constant 0 : i32
      %dma_wait3A_134 = tpu.memref_slice %arg2[%arg0, %add3A_129, %dma_wait3A, %dma_wait3A_133] : memref<2x2500x2x128xi32, #tpu.memory_space<hbm>> -> memref<1x1x1x128xi32, #tpu.memory_space<hbm>>
      %dma_wait3A_135 = tpu.memref_squeeze %dma_wait3A_134 : memref<1x1x1x128xi32, #tpu.memory_space<hbm>> -> memref<128xi32, #tpu.memory_space<hbm>>
      tpu.wait_dma2 semaphore(%arg12 : memref<!tpu.dma_semaphore, #tpu.memory_space<semaphore_mem>>) src(%dma_wait3A_135 : memref<128xi32, #tpu.memory_space<hbm>>) dst(%arg5 : memref<128xi32, #tpu.memory_space<vmem>>)
      %dma_start3A_136 = arith.constant 0 : i32
      %dma_start3A_137 = tpu.memref_slice %arg20[%dma_start3A_136] : memref<10000xf32, #tpu.memory_space<vmem_shared>> -> memref<10000xf32, #tpu.memory_space<vmem_shared>>
      tpu.enqueue_indirect_dma source(%arg9 : memref<128xf32, #tpu.memory_space<vmem>>) target(%dma_start3A_137 : memref<10000xf32, #tpu.memory_space<vmem_shared>>) offsets(%arg5 : memref<128xi32, #tpu.memory_space<vmem>>) semaphore(%arg16 : memref<!tpu.dma_semaphore, #tpu.memory_space<semaphore_mem>>) {add = true}
      %add3A_138 = arith.constant 1 : i32
      %add3A_139 = arith.addi %add3A_127, %add3A_138 : i32
      %dma_wait3A_140 = arith.constant 0 : i32
      %dma_wait3A_141 = arith.constant 0 : i32
      %dma_wait3A_142 = tpu.memref_slice %arg2[%arg0, %add3A_139, %dma_wait3A_140, %dma_wait3A_141] : memref<2x2500x2x128xi32, #tpu.memory_space<hbm>> -> memref<1x1x1x128xi32, #tpu.memory_space<hbm>>
      %dma_wait3A_143 = tpu.memref_squeeze %dma_wait3A_142 : memref<1x1x1x128xi32, #tpu.memory_space<hbm>> -> memref<128xi32, #tpu.memory_space<hbm>>
      %dma_wait3A_144 = arith.constant 0 : i32
      %dma_wait3A_145 = tpu.memref_slice %arg2[%arg0, %add3A_139, %dma_wait3A_140, %dma_wait3A_144] : memref<2x2500x2x128xi32, #tpu.memory_space<hbm>> -> memref<1x1x1x128xi32, #tpu.memory_space<hbm>>
      %dma_wait3A_146 = tpu.memref_squeeze %dma_wait3A_145 : memref<1x1x1x128xi32, #tpu.memory_space<hbm>> -> memref<128xi32, #tpu.memory_space<hbm>>
      tpu.wait_dma2 semaphore(%arg13 : memref<!tpu.dma_semaphore, #tpu.memory_space<semaphore_mem>>) src(%dma_wait3A_146 : memref<128xi32, #tpu.memory_space<hbm>>) dst(%arg6 : memref<128xi32, #tpu.memory_space<vmem>>)
      %dma_start3A_147 = arith.constant 0 : i32
      %dma_start3A_148 = tpu.memref_slice %arg20[%dma_start3A_147] : memref<10000xf32, #tpu.memory_space<vmem_shared>> -> memref<10000xf32, #tpu.memory_space<vmem_shared>>
      tpu.enqueue_indirect_dma source(%arg9 : memref<128xf32, #tpu.memory_space<vmem>>) target(%dma_start3A_148 : memref<10000xf32, #tpu.memory_space<vmem_shared>>) offsets(%arg6 : memref<128xi32, #tpu.memory_space<vmem>>) semaphore(%arg17 : memref<!tpu.dma_semaphore, #tpu.memory_space<semaphore_mem>>) {add = true}
      %add3A_149 = arith.constant 2 : i32
      %add3A_150 = arith.addi %add3A_127, %add3A_149 : i32
      %dma_wait3A_151 = arith.constant 0 : i32
      %dma_wait3A_152 = arith.constant 0 : i32
      %dma_wait3A_153 = tpu.memref_slice %arg2[%arg0, %add3A_150, %dma_wait3A_151, %dma_wait3A_152] : memref<2x2500x2x128xi32, #tpu.memory_space<hbm>> -> memref<1x1x1x128xi32, #tpu.memory_space<hbm>>
      %dma_wait3A_154 = tpu.memref_squeeze %dma_wait3A_153 : memref<1x1x1x128xi32, #tpu.memory_space<hbm>> -> memref<128xi32, #tpu.memory_space<hbm>>
      %dma_wait3A_155 = arith.constant 0 : i32
      %dma_wait3A_156 = tpu.memref_slice %arg2[%arg0, %add3A_150, %dma_wait3A_151, %dma_wait3A_155] : memref<2x2500x2x128xi32, #tpu.memory_space<hbm>> -> memref<1x1x1x128xi32, #tpu.memory_space<hbm>>
      %dma_wait3A_157 = tpu.memref_squeeze %dma_wait3A_156 : memref<1x1x1x128xi32, #tpu.memory_space<hbm>> -> memref<128xi32, #tpu.memory_space<hbm>>
      tpu.wait_dma2 semaphore(%arg14 : memref<!tpu.dma_semaphore, #tpu.memory_space<semaphore_mem>>) src(%dma_wait3A_157 : memref<128xi32, #tpu.memory_space<hbm>>) dst(%arg7 : memref<128xi32, #tpu.memory_space<vmem>>)
      %dma_start3A_158 = arith.constant 0 : i32
      %dma_start3A_159 = tpu.memref_slice %arg20[%dma_start3A_158] : memref<10000xf32, #tpu.memory_space<vmem_shared>> -> memref<10000xf32, #tpu.memory_space<vmem_shared>>
      tpu.enqueue_indirect_dma source(%arg9 : memref<128xf32, #tpu.memory_space<vmem>>) target(%dma_start3A_159 : memref<10000xf32, #tpu.memory_space<vmem_shared>>) offsets(%arg7 : memref<128xi32, #tpu.memory_space<vmem>>) semaphore(%arg18 : memref<!tpu.dma_semaphore, #tpu.memory_space<semaphore_mem>>) {add = true}
      %add3A_160 = arith.constant 3 : i32
      %add3A_161 = arith.addi %add3A_127, %add3A_160 : i32
      %dma_wait3A_162 = arith.constant 0 : i32
      %dma_wait3A_163 = arith.constant 0 : i32
      %dma_wait3A_164 = tpu.memref_slice %arg2[%arg0, %add3A_161, %dma_wait3A_162, %dma_wait3A_163] : memref<2x2500x2x128xi32, #tpu.memory_space<hbm>> -> memref<1x1x1x128xi32, #tpu.memory_space<hbm>>
      %dma_wait3A_165 = tpu.memref_squeeze %dma_wait3A_164 : memref<1x1x1x128xi32, #tpu.memory_space<hbm>> -> memref<128xi32, #tpu.memory_space<hbm>>
      %dma_wait3A_166 = arith.constant 0 : i32
      %dma_wait3A_167 = tpu.memref_slice %arg2[%arg0, %add3A_161, %dma_wait3A_162, %dma_wait3A_166] : memref<2x2500x2x128xi32, #tpu.memory_space<hbm>> -> memref<1x1x1x128xi32, #tpu.memory_space<hbm>>
      %dma_wait3A_168 = tpu.memref_squeeze %dma_wait3A_167 : memref<1x1x1x128xi32, #tpu.memory_space<hbm>> -> memref<128xi32, #tpu.memory_space<hbm>>
      tpu.wait_dma2 semaphore(%arg15 : memref<!tpu.dma_semaphore, #tpu.memory_space<semaphore_mem>>) src(%dma_wait3A_168 : memref<128xi32, #tpu.memory_space<hbm>>) dst(%arg8 : memref<128xi32, #tpu.memory_space<vmem>>)
      %dma_start3A_169 = arith.constant 0 : i32
      %dma_start3A_170 = tpu.memref_slice %arg20[%dma_start3A_169] : memref<10000xf32, #tpu.memory_space<vmem_shared>> -> memref<10000xf32, #tpu.memory_space<vmem_shared>>
      tpu.enqueue_indirect_dma source(%arg9 : memref<128xf32, #tpu.memory_space<vmem>>) target(%dma_start3A_170 : memref<10000xf32, #tpu.memory_space<vmem_shared>>) offsets(%arg8 : memref<128xi32, #tpu.memory_space<vmem>>) semaphore(%arg19 : memref<!tpu.dma_semaphore, #tpu.memory_space<semaphore_mem>>) {add = true}
      %add3A_171 = arith.constant 0 : i32
      %add3A_172 = arith.addi %add3A_127, %add3A_171 : i32
      %dma_wait3A_173 = arith.constant 0 : i32
      %dma_wait3A_174 = tpu.memref_slice %arg20[%dma_wait3A_173] : memref<10000xf32, #tpu.memory_space<vmem_shared>> -> memref<10000xf32, #tpu.memory_space<vmem_shared>>
      tpu.wait_indirect_dma semaphore(%arg16 : memref<!tpu.dma_semaphore, #tpu.memory_space<semaphore_mem>>) src(%arg9 : memref<128xf32, #tpu.memory_space<vmem>>) dst(%dma_wait3A_174 : memref<10000xf32, #tpu.memory_space<vmem_shared>>)
      %add3A_175 = arith.constant 4 : i32
      %add3A_176 = arith.addi %add3A_172, %add3A_175 : i32
      %sub3A_177 = arith.subi %add3A_176, %mul3A_56 : i32
      %lt3A_178 = arith.cmpi slt, %sub3A_177, %select_n3A : i32
      %convert_element_type3A_179 = arith.extui %lt3A_178 : i1 to i32
      %cond3A_180 = arith.constant 0 : i32
      %cond3A_181 = arith.cmpi ne, %convert_element_type3A_179, %cond3A_180 : i32
      scf.if %cond3A_181 {
        %add3A_215 = arith.constant 4 : i32
        %add3A_216 = arith.addi %add3A_172, %add3A_215 : i32
        %dma_start3A_217 = arith.constant 0 : i32
        %dma_start3A_218 = arith.constant 0 : i32
        %dma_start3A_219 = tpu.memref_slice %arg2[%arg0, %add3A_216, %dma_start3A_217, %dma_start3A_218] : memref<2x2500x2x128xi32, #tpu.memory_space<hbm>> -> memref<1x1x1x128xi32, #tpu.memory_space<hbm>>
        %dma_start3A_220 = tpu.memref_squeeze %dma_start3A_219 : memref<1x1x1x128xi32, #tpu.memory_space<hbm>> -> memref<128xi32, #tpu.memory_space<hbm>>
        %dma_start3A_221 = arith.constant 0 : i32
        %dma_start3A_222 = tpu.memref_slice %arg2[%arg0, %add3A_216, %dma_start3A_217, %dma_start3A_221] : memref<2x2500x2x128xi32, #tpu.memory_space<hbm>> -> memref<1x1x1x128xi32, #tpu.memory_space<hbm>>
        %dma_start3A_223 = tpu.memref_squeeze %dma_start3A_222 : memref<1x1x1x128xi32, #tpu.memory_space<hbm>> -> memref<128xi32, #tpu.memory_space<hbm>>
        tpu.enqueue_dma source(%dma_start3A_223 : memref<128xi32, #tpu.memory_space<hbm>>) target(%arg5 : memref<128xi32, #tpu.memory_space<vmem>>) target_semaphore(%arg12 : memref<!tpu.dma_semaphore, #tpu.memory_space<semaphore_mem>>)
      } else {
      }
      %add3A_182 = arith.constant 1 : i32
      %add3A_183 = arith.addi %add3A_127, %add3A_182 : i32
      %dma_wait3A_184 = arith.constant 0 : i32
      %dma_wait3A_185 = tpu.memref_slice %arg20[%dma_wait3A_184] : memref<10000xf32, #tpu.memory_space<vmem_shared>> -> memref<10000xf32, #tpu.memory_space<vmem_shared>>
      tpu.wait_indirect_dma semaphore(%arg17 : memref<!tpu.dma_semaphore, #tpu.memory_space<semaphore_mem>>) src(%arg9 : memref<128xf32, #tpu.memory_space<vmem>>) dst(%dma_wait3A_185 : memref<10000xf32, #tpu.memory_space<vmem_shared>>)
      %add3A_186 = arith.constant 4 : i32
      %add3A_187 = arith.addi %add3A_183, %add3A_186 : i32
      %sub3A_188 = arith.subi %add3A_187, %mul3A_56 : i32
      %lt3A_189 = arith.cmpi slt, %sub3A_188, %select_n3A : i32
      %convert_element_type3A_190 = arith.extui %lt3A_189 : i1 to i32
      %cond3A_191 = arith.constant 0 : i32
      %cond3A_192 = arith.cmpi ne, %convert_element_type3A_190, %cond3A_191 : i32
      scf.if %cond3A_192 {
        %add3A_215 = arith.constant 4 : i32
        %add3A_216 = arith.addi %add3A_183, %add3A_215 : i32
        %dma_start3A_217 = arith.constant 0 : i32
        %dma_start3A_218 = arith.constant 0 : i32
        %dma_start3A_219 = tpu.memref_slice %arg2[%arg0, %add3A_216, %dma_start3A_217, %dma_start3A_218] : memref<2x2500x2x128xi32, #tpu.memory_space<hbm>> -> memref<1x1x1x128xi32, #tpu.memory_space<hbm>>
        %dma_start3A_220 = tpu.memref_squeeze %dma_start3A_219 : memref<1x1x1x128xi32, #tpu.memory_space<hbm>> -> memref<128xi32, #tpu.memory_space<hbm>>
        %dma_start3A_221 = arith.constant 0 : i32
        %dma_start3A_222 = tpu.memref_slice %arg2[%arg0, %add3A_216, %dma_start3A_217, %dma_start3A_221] : memref<2x2500x2x128xi32, #tpu.memory_space<hbm>> -> memref<1x1x1x128xi32, #tpu.memory_space<hbm>>
        %dma_start3A_223 = tpu.memref_squeeze %dma_start3A_222 : memref<1x1x1x128xi32, #tpu.memory_space<hbm>> -> memref<128xi32, #tpu.memory_space<hbm>>
        tpu.enqueue_dma source(%dma_start3A_223 : memref<128xi32, #tpu.memory_space<hbm>>) target(%arg6 : memref<128xi32, #tpu.memory_space<vmem>>) target_semaphore(%arg13 : memref<!tpu.dma_semaphore, #tpu.memory_space<semaphore_mem>>)
      } else {
      }
      %add3A_193 = arith.constant 2 : i32
      %add3A_194 = arith.addi %add3A_127, %add3A_193 : i32
      %dma_wait3A_195 = arith.constant 0 : i32
      %dma_wait3A_196 = tpu.memref_slice %arg20[%dma_wait3A_195] : memref<10000xf32, #tpu.memory_space<vmem_shared>> -> memref<10000xf32, #tpu.memory_space<vmem_shared>>
      tpu.wait_indirect_dma semaphore(%arg18 : memref<!tpu.dma_semaphore, #tpu.memory_space<semaphore_mem>>) src(%arg9 : memref<128xf32, #tpu.memory_space<vmem>>) dst(%dma_wait3A_196 : memref<10000xf32, #tpu.memory_space<vmem_shared>>)
      %add3A_197 = arith.constant 4 : i32
      %add3A_198 = arith.addi %add3A_194, %add3A_197 : i32
      %sub3A_199 = arith.subi %add3A_198, %mul3A_56 : i32
      %lt3A_200 = arith.cmpi slt, %sub3A_199, %select_n3A : i32
      %convert_element_type3A_201 = arith.extui %lt3A_200 : i1 to i32
      %cond3A_202 = arith.constant 0 : i32
      %cond3A_203 = arith.cmpi ne, %convert_element_type3A_201, %cond3A_202 : i32
      scf.if %cond3A_203 {
        %add3A_215 = arith.constant 4 : i32
        %add3A_216 = arith.addi %add3A_194, %add3A_215 : i32
        %dma_start3A_217 = arith.constant 0 : i32
        %dma_start3A_218 = arith.constant 0 : i32
        %dma_start3A_219 = tpu.memref_slice %arg2[%arg0, %add3A_216, %dma_start3A_217, %dma_start3A_218] : memref<2x2500x2x128xi32, #tpu.memory_space<hbm>> -> memref<1x1x1x128xi32, #tpu.memory_space<hbm>>
        %dma_start3A_220 = tpu.memref_squeeze %dma_start3A_219 : memref<1x1x1x128xi32, #tpu.memory_space<hbm>> -> memref<128xi32, #tpu.memory_space<hbm>>
        %dma_start3A_221 = arith.constant 0 : i32
        %dma_start3A_222 = tpu.memref_slice %arg2[%arg0, %add3A_216, %dma_start3A_217, %dma_start3A_221] : memref<2x2500x2x128xi32, #tpu.memory_space<hbm>> -> memref<1x1x1x128xi32, #tpu.memory_space<hbm>>
        %dma_start3A_223 = tpu.memref_squeeze %dma_start3A_222 : memref<1x1x1x128xi32, #tpu.memory_space<hbm>> -> memref<128xi32, #tpu.memory_space<hbm>>
        tpu.enqueue_dma source(%dma_start3A_223 : memref<128xi32, #tpu.memory_space<hbm>>) target(%arg7 : memref<128xi32, #tpu.memory_space<vmem>>) target_semaphore(%arg14 : memref<!tpu.dma_semaphore, #tpu.memory_space<semaphore_mem>>)
      } else {
      }
      %add3A_204 = arith.constant 3 : i32
      %add3A_205 = arith.addi %add3A_127, %add3A_204 : i32
      %dma_wait3A_206 = arith.constant 0 : i32
      %dma_wait3A_207 = tpu.memref_slice %arg20[%dma_wait3A_206] : memref<10000xf32, #tpu.memory_space<vmem_shared>> -> memref<10000xf32, #tpu.memory_space<vmem_shared>>
      tpu.wait_indirect_dma semaphore(%arg19 : memref<!tpu.dma_semaphore, #tpu.memory_space<semaphore_mem>>) src(%arg9 : memref<128xf32, #tpu.memory_space<vmem>>) dst(%dma_wait3A_207 : memref<10000xf32, #tpu.memory_space<vmem_shared>>)
      %add3A_208 = arith.constant 4 : i32
      %add3A_209 = arith.addi %add3A_205, %add3A_208 : i32
      %sub3A_210 = arith.subi %add3A_209, %mul3A_56 : i32
      %lt3A_211 = arith.cmpi slt, %sub3A_210, %select_n3A : i32
      %convert_element_type3A_212 = arith.extui %lt3A_211 : i1 to i32
      %cond3A_213 = arith.constant 0 : i32
      %cond3A_214 = arith.cmpi ne, %convert_element_type3A_212, %cond3A_213 : i32
      scf.if %cond3A_214 {
        %add3A_215 = arith.constant 4 : i32
        %add3A_216 = arith.addi %add3A_205, %add3A_215 : i32
        %dma_start3A_217 = arith.constant 0 : i32
        %dma_start3A_218 = arith.constant 0 : i32
        %dma_start3A_219 = tpu.memref_slice %arg2[%arg0, %add3A_216, %dma_start3A_217, %dma_start3A_218] : memref<2x2500x2x128xi32, #tpu.memory_space<hbm>> -> memref<1x1x1x128xi32, #tpu.memory_space<hbm>>
        %dma_start3A_220 = tpu.memref_squeeze %dma_start3A_219 : memref<1x1x1x128xi32, #tpu.memory_space<hbm>> -> memref<128xi32, #tpu.memory_space<hbm>>
        %dma_start3A_221 = arith.constant 0 : i32
        %dma_start3A_222 = tpu.memref_slice %arg2[%arg0, %add3A_216, %dma_start3A_217, %dma_start3A_221] : memref<2x2500x2x128xi32, #tpu.memory_space<hbm>> -> memref<1x1x1x128xi32, #tpu.memory_space<hbm>>
        %dma_start3A_223 = tpu.memref_squeeze %dma_start3A_222 : memref<1x1x1x128xi32, #tpu.memory_space<hbm>> -> memref<128xi32, #tpu.memory_space<hbm>>
        tpu.enqueue_dma source(%dma_start3A_223 : memref<128xi32, #tpu.memory_space<hbm>>) target(%arg8 : memref<128xi32, #tpu.memory_space<vmem>>) target_semaphore(%arg15 : memref<!tpu.dma_semaphore, #tpu.memory_space<semaphore_mem>>)
      } else {
      }
    }
    %while3A_117 = arith.constant 1 : i32
    scf.for %while3A_124 = %while3A_115 to %while3A_111 step %while3A_117  : i32 {
      %mul3A_125 = arith.constant 4 : i32
      %mul3A_126 = arith.muli %while3A_124, %mul3A_125 : i32
      %add3A_127 = arith.addi %mul3A_56, %mul3A_126 : i32
      %add3A_128 = arith.constant 0 : i32
      %add3A_129 = arith.addi %add3A_127, %add3A_128 : i32
      %dma_wait3A = arith.constant 0 : i32
      %dma_wait3A_130 = arith.constant 0 : i32
      %dma_wait3A_131 = tpu.memref_slice %arg2[%arg0, %add3A_129, %dma_wait3A, %dma_wait3A_130] : memref<2x2500x2x128xi32, #tpu.memory_space<hbm>> -> memref<1x1x1x128xi32, #tpu.memory_space<hbm>>
      %dma_wait3A_132 = tpu.memref_squeeze %dma_wait3A_131 : memref<1x1x1x128xi32, #tpu.memory_space<hbm>> -> memref<128xi32, #tpu.memory_space<hbm>>
      %dma_wait3A_133 = arith.constant 0 : i32
      %dma_wait3A_134 = tpu.memref_slice %arg2[%arg0, %add3A_129, %dma_wait3A, %dma_wait3A_133] : memref<2x2500x2x128xi32, #tpu.memory_space<hbm>> -> memref<1x1x1x128xi32, #tpu.memory_space<hbm>>
      %dma_wait3A_135 = tpu.memref_squeeze %dma_wait3A_134 : memref<1x1x1x128xi32, #tpu.memory_space<hbm>> -> memref<128xi32, #tpu.memory_space<hbm>>
      tpu.wait_dma2 semaphore(%arg12 : memref<!tpu.dma_semaphore, #tpu.memory_space<semaphore_mem>>) src(%dma_wait3A_135 : memref<128xi32, #tpu.memory_space<hbm>>) dst(%arg5 : memref<128xi32, #tpu.memory_space<vmem>>)
      %dma_start3A_136 = arith.constant 0 : i32
      %dma_start3A_137 = tpu.memref_slice %arg20[%dma_start3A_136] : memref<10000xf32, #tpu.memory_space<vmem_shared>> -> memref<10000xf32, #tpu.memory_space<vmem_shared>>
      tpu.enqueue_indirect_dma source(%arg9 : memref<128xf32, #tpu.memory_space<vmem>>) target(%dma_start3A_137 : memref<10000xf32, #tpu.memory_space<vmem_shared>>) offsets(%arg5 : memref<128xi32, #tpu.memory_space<vmem>>) semaphore(%arg16 : memref<!tpu.dma_semaphore, #tpu.memory_space<semaphore_mem>>) {add = true}
      %add3A_138 = arith.constant 1 : i32
      %add3A_139 = arith.addi %add3A_127, %add3A_138 : i32
      %dma_wait3A_140 = arith.constant 0 : i32
      %dma_wait3A_141 = arith.constant 0 : i32
      %dma_wait3A_142 = tpu.memref_slice %arg2[%arg0, %add3A_139, %dma_wait3A_140, %dma_wait3A_141] : memref<2x2500x2x128xi32, #tpu.memory_space<hbm>> -> memref<1x1x1x128xi32, #tpu.memory_space<hbm>>
      %dma_wait3A_143 = tpu.memref_squeeze %dma_wait3A_142 : memref<1x1x1x128xi32, #tpu.memory_space<hbm>> -> memref<128xi32, #tpu.memory_space<hbm>>
      %dma_wait3A_144 = arith.constant 0 : i32
      %dma_wait3A_145 = tpu.memref_slice %arg2[%arg0, %add3A_139, %dma_wait3A_140, %dma_wait3A_144] : memref<2x2500x2x128xi32, #tpu.memory_space<hbm>> -> memref<1x1x1x128xi32, #tpu.memory_space<hbm>>
      %dma_wait3A_146 = tpu.memref_squeeze %dma_wait3A_145 : memref<1x1x1x128xi32, #tpu.memory_space<hbm>> -> memref<128xi32, #tpu.memory_space<hbm>>
      tpu.wait_dma2 semaphore(%arg13 : memref<!tpu.dma_semaphore, #tpu.memory_space<semaphore_mem>>) src(%dma_wait3A_146 : memref<128xi32, #tpu.memory_space<hbm>>) dst(%arg6 : memref<128xi32, #tpu.memory_space<vmem>>)
      %dma_start3A_147 = arith.constant 0 : i32
      %dma_start3A_148 = tpu.memref_slice %arg20[%dma_start3A_147] : memref<10000xf32, #tpu.memory_space<vmem_shared>> -> memref<10000xf32, #tpu.memory_space<vmem_shared>>
      tpu.enqueue_indirect_dma source(%arg9 : memref<128xf32, #tpu.memory_space<vmem>>) target(%dma_start3A_148 : memref<10000xf32, #tpu.memory_space<vmem_shared>>) offsets(%arg6 : memref<128xi32, #tpu.memory_space<vmem>>) semaphore(%arg17 : memref<!tpu.dma_semaphore, #tpu.memory_space<semaphore_mem>>) {add = true}
      %add3A_149 = arith.constant 2 : i32
      %add3A_150 = arith.addi %add3A_127, %add3A_149 : i32
      %dma_wait3A_151 = arith.constant 0 : i32
      %dma_wait3A_152 = arith.constant 0 : i32
      %dma_wait3A_153 = tpu.memref_slice %arg2[%arg0, %add3A_150, %dma_wait3A_151, %dma_wait3A_152] : memref<2x2500x2x128xi32, #tpu.memory_space<hbm>> -> memref<1x1x1x128xi32, #tpu.memory_space<hbm>>
      %dma_wait3A_154 = tpu.memref_squeeze %dma_wait3A_153 : memref<1x1x1x128xi32, #tpu.memory_space<hbm>> -> memref<128xi32, #tpu.memory_space<hbm>>
      %dma_wait3A_155 = arith.constant 0 : i32
      %dma_wait3A_156 = tpu.memref_slice %arg2[%arg0, %add3A_150, %dma_wait3A_151, %dma_wait3A_155] : memref<2x2500x2x128xi32, #tpu.memory_space<hbm>> -> memref<1x1x1x128xi32, #tpu.memory_space<hbm>>
      %dma_wait3A_157 = tpu.memref_squeeze %dma_wait3A_156 : memref<1x1x1x128xi32, #tpu.memory_space<hbm>> -> memref<128xi32, #tpu.memory_space<hbm>>
      tpu.wait_dma2 semaphore(%arg14 : memref<!tpu.dma_semaphore, #tpu.memory_space<semaphore_mem>>) src(%dma_wait3A_157 : memref<128xi32, #tpu.memory_space<hbm>>) dst(%arg7 : memref<128xi32, #tpu.memory_space<vmem>>)
      %dma_start3A_158 = arith.constant 0 : i32
      %dma_start3A_159 = tpu.memref_slice %arg20[%dma_start3A_158] : memref<10000xf32, #tpu.memory_space<vmem_shared>> -> memref<10000xf32, #tpu.memory_space<vmem_shared>>
      tpu.enqueue_indirect_dma source(%arg9 : memref<128xf32, #tpu.memory_space<vmem>>) target(%dma_start3A_159 : memref<10000xf32, #tpu.memory_space<vmem_shared>>) offsets(%arg7 : memref<128xi32, #tpu.memory_space<vmem>>) semaphore(%arg18 : memref<!tpu.dma_semaphore, #tpu.memory_space<semaphore_mem>>) {add = true}
      %add3A_160 = arith.constant 3 : i32
      %add3A_161 = arith.addi %add3A_127, %add3A_160 : i32
      %dma_wait3A_162 = arith.constant 0 : i32
      %dma_wait3A_163 = arith.constant 0 : i32
      %dma_wait3A_164 = tpu.memref_slice %arg2[%arg0, %add3A_161, %dma_wait3A_162, %dma_wait3A_163] : memref<2x2500x2x128xi32, #tpu.memory_space<hbm>> -> memref<1x1x1x128xi32, #tpu.memory_space<hbm>>
      %dma_wait3A_165 = tpu.memref_squeeze %dma_wait3A_164 : memref<1x1x1x128xi32, #tpu.memory_space<hbm>> -> memref<128xi32, #tpu.memory_space<hbm>>
      %dma_wait3A_166 = arith.constant 0 : i32
      %dma_wait3A_167 = tpu.memref_slice %arg2[%arg0, %add3A_161, %dma_wait3A_162, %dma_wait3A_166] : memref<2x2500x2x128xi32, #tpu.memory_space<hbm>> -> memref<1x1x1x128xi32, #tpu.memory_space<hbm>>
      %dma_wait3A_168 = tpu.memref_squeeze %dma_wait3A_167 : memref<1x1x1x128xi32, #tpu.memory_space<hbm>> -> memref<128xi32, #tpu.memory_space<hbm>>
      tpu.wait_dma2 semaphore(%arg15 : memref<!tpu.dma_semaphore, #tpu.memory_space<semaphore_mem>>) src(%dma_wait3A_168 : memref<128xi32, #tpu.memory_space<hbm>>) dst(%arg8 : memref<128xi32, #tpu.memory_space<vmem>>)
      %dma_start3A_169 = arith.constant 0 : i32
      %dma_start3A_170 = tpu.memref_slice %arg20[%dma_start3A_169] : memref<10000xf32, #tpu.memory_space<vmem_shared>> -> memref<10000xf32, #tpu.memory_space<vmem_shared>>
      tpu.enqueue_indirect_dma source(%arg9 : memref<128xf32, #tpu.memory_space<vmem>>) target(%dma_start3A_170 : memref<10000xf32, #tpu.memory_space<vmem_shared>>) offsets(%arg8 : memref<128xi32, #tpu.memory_space<vmem>>) semaphore(%arg19 : memref<!tpu.dma_semaphore, #tpu.memory_space<semaphore_mem>>) {add = true}
      %add3A_171 = arith.constant 0 : i32
      %add3A_172 = arith.addi %add3A_127, %add3A_171 : i32
      %dma_wait3A_173 = arith.constant 0 : i32
      %dma_wait3A_174 = tpu.memref_slice %arg20[%dma_wait3A_173] : memref<10000xf32, #tpu.memory_space<vmem_shared>> -> memref<10000xf32, #tpu.memory_space<vmem_shared>>
      tpu.wait_indirect_dma semaphore(%arg16 : memref<!tpu.dma_semaphore, #tpu.memory_space<semaphore_mem>>) src(%arg9 : memref<128xf32, #tpu.memory_space<vmem>>) dst(%dma_wait3A_174 : memref<10000xf32, #tpu.memory_space<vmem_shared>>)
      %add3A_175 = arith.constant 4 : i32
      %add3A_176 = arith.addi %add3A_172, %add3A_175 : i32
      %sub3A_177 = arith.subi %add3A_176, %mul3A_56 : i32
      %lt3A_178 = arith.cmpi slt, %sub3A_177, %select_n3A : i32
      %convert_element_type3A_179 = arith.extui %lt3A_178 : i1 to i32
      %cond3A_180 = arith.constant 0 : i32
      %cond3A_181 = arith.cmpi ne, %convert_element_type3A_179, %cond3A_180 : i32
      scf.if %cond3A_181 {
        %add3A_215 = arith.constant 4 : i32
        %add3A_216 = arith.addi %add3A_172, %add3A_215 : i32
        %dma_start3A_217 = arith.constant 0 : i32
        %dma_start3A_218 = arith.constant 0 : i32
        %dma_start3A_219 = tpu.memref_slice %arg2[%arg0, %add3A_216, %dma_start3A_217, %dma_start3A_218] : memref<2x2500x2x128xi32, #tpu.memory_space<hbm>> -> memref<1x1x1x128xi32, #tpu.memory_space<hbm>>
        %dma_start3A_220 = tpu.memref_squeeze %dma_start3A_219 : memref<1x1x1x128xi32, #tpu.memory_space<hbm>> -> memref<128xi32, #tpu.memory_space<hbm>>
        %dma_start3A_221 = arith.constant 0 : i32
        %dma_start3A_222 = tpu.memref_slice %arg2[%arg0, %add3A_216, %dma_start3A_217, %dma_start3A_221] : memref<2x2500x2x128xi32, #tpu.memory_space<hbm>> -> memref<1x1x1x128xi32, #tpu.memory_space<hbm>>
        %dma_start3A_223 = tpu.memref_squeeze %dma_start3A_222 : memref<1x1x1x128xi32, #tpu.memory_space<hbm>> -> memref<128xi32, #tpu.memory_space<hbm>>
        tpu.enqueue_dma source(%dma_start3A_223 : memref<128xi32, #tpu.memory_space<hbm>>) target(%arg5 : memref<128xi32, #tpu.memory_space<vmem>>) target_semaphore(%arg12 : memref<!tpu.dma_semaphore, #tpu.memory_space<semaphore_mem>>)
      } else {
      }
      %add3A_182 = arith.constant 1 : i32
      %add3A_183 = arith.addi %add3A_127, %add3A_182 : i32
      %dma_wait3A_184 = arith.constant 0 : i32
      %dma_wait3A_185 = tpu.memref_slice %arg20[%dma_wait3A_184] : memref<10000xf32, #tpu.memory_space<vmem_shared>> -> memref<10000xf32, #tpu.memory_space<vmem_shared>>
      tpu.wait_indirect_dma semaphore(%arg17 : memref<!tpu.dma_semaphore, #tpu.memory_space<semaphore_mem>>) src(%arg9 : memref<128xf32, #tpu.memory_space<vmem>>) dst(%dma_wait3A_185 : memref<10000xf32, #tpu.memory_space<vmem_shared>>)
      %add3A_186 = arith.constant 4 : i32
      %add3A_187 = arith.addi %add3A_183, %add3A_186 : i32
      %sub3A_188 = arith.subi %add3A_187, %mul3A_56 : i32
      %lt3A_189 = arith.cmpi slt, %sub3A_188, %select_n3A : i32
      %convert_element_type3A_190 = arith.extui %lt3A_189 : i1 to i32
      %cond3A_191 = arith.constant 0 : i32
      %cond3A_192 = arith.cmpi ne, %convert_element_type3A_190, %cond3A_191 : i32
      scf.if %cond3A_192 {
        %add3A_215 = arith.constant 4 : i32
        %add3A_216 = arith.addi %add3A_183, %add3A_215 : i32
        %dma_start3A_217 = arith.constant 0 : i32
        %dma_start3A_218 = arith.constant 0 : i32
        %dma_start3A_219 = tpu.memref_slice %arg2[%arg0, %add3A_216, %dma_start3A_217, %dma_start3A_218] : memref<2x2500x2x128xi32, #tpu.memory_space<hbm>> -> memref<1x1x1x128xi32, #tpu.memory_space<hbm>>
        %dma_start3A_220 = tpu.memref_squeeze %dma_start3A_219 : memref<1x1x1x128xi32, #tpu.memory_space<hbm>> -> memref<128xi32, #tpu.memory_space<hbm>>
        %dma_start3A_221 = arith.constant 0 : i32
        %dma_start3A_222 = tpu.memref_slice %arg2[%arg0, %add3A_216, %dma_start3A_217, %dma_start3A_221] : memref<2x2500x2x128xi32, #tpu.memory_space<hbm>> -> memref<1x1x1x128xi32, #tpu.memory_space<hbm>>
        %dma_start3A_223 = tpu.memref_squeeze %dma_start3A_222 : memref<1x1x1x128xi32, #tpu.memory_space<hbm>> -> memref<128xi32, #tpu.memory_space<hbm>>
        tpu.enqueue_dma source(%dma_start3A_223 : memref<128xi32, #tpu.memory_space<hbm>>) target(%arg6 : memref<128xi32, #tpu.memory_space<vmem>>) target_semaphore(%arg13 : memref<!tpu.dma_semaphore, #tpu.memory_space<semaphore_mem>>)
      } else {
      }
      %add3A_193 = arith.constant 2 : i32
      %add3A_194 = arith.addi %add3A_127, %add3A_193 : i32
      %dma_wait3A_195 = arith.constant 0 : i32
      %dma_wait3A_196 = tpu.memref_slice %arg20[%dma_wait3A_195] : memref<10000xf32, #tpu.memory_space<vmem_shared>> -> memref<10000xf32, #tpu.memory_space<vmem_shared>>
      tpu.wait_indirect_dma semaphore(%arg18 : memref<!tpu.dma_semaphore, #tpu.memory_space<semaphore_mem>>) src(%arg9 : memref<128xf32, #tpu.memory_space<vmem>>) dst(%dma_wait3A_196 : memref<10000xf32, #tpu.memory_space<vmem_shared>>)
      %add3A_197 = arith.constant 4 : i32
      %add3A_198 = arith.addi %add3A_194, %add3A_197 : i32
      %sub3A_199 = arith.subi %add3A_198, %mul3A_56 : i32
      %lt3A_200 = arith.cmpi slt, %sub3A_199, %select_n3A : i32
      %convert_element_type3A_201 = arith.extui %lt3A_200 : i1 to i32
      %cond3A_202 = arith.constant 0 : i32
      %cond3A_203 = arith.cmpi ne, %convert_element_type3A_201, %cond3A_202 : i32
      scf.if %cond3A_203 {
        %add3A_215 = arith.constant 4 : i32
        %add3A_216 = arith.addi %add3A_194, %add3A_215 : i32
        %dma_start3A_217 = arith.constant 0 : i32
        %dma_start3A_218 = arith.constant 0 : i32
        %dma_start3A_219 = tpu.memref_slice %arg2[%arg0, %add3A_216, %dma_start3A_217, %dma_start3A_218] : memref<2x2500x2x128xi32, #tpu.memory_space<hbm>> -> memref<1x1x1x128xi32, #tpu.memory_space<hbm>>
        %dma_start3A_220 = tpu.memref_squeeze %dma_start3A_219 : memref<1x1x1x128xi32, #tpu.memory_space<hbm>> -> memref<128xi32, #tpu.memory_space<hbm>>
        %dma_start3A_221 = arith.constant 0 : i32
        %dma_start3A_222 = tpu.memref_slice %arg2[%arg0, %add3A_216, %dma_start3A_217, %dma_start3A_221] : memref<2x2500x2x128xi32, #tpu.memory_space<hbm>> -> memref<1x1x1x128xi32, #tpu.memory_space<hbm>>
        %dma_start3A_223 = tpu.memref_squeeze %dma_start3A_222 : memref<1x1x1x128xi32, #tpu.memory_space<hbm>> -> memref<128xi32, #tpu.memory_space<hbm>>
        tpu.enqueue_dma source(%dma_start3A_223 : memref<128xi32, #tpu.memory_space<hbm>>) target(%arg7 : memref<128xi32, #tpu.memory_space<vmem>>) target_semaphore(%arg14 : memref<!tpu.dma_semaphore, #tpu.memory_space<semaphore_mem>>)
      } else {
      }
      %add3A_204 = arith.constant 3 : i32
      %add3A_205 = arith.addi %add3A_127, %add3A_204 : i32
      %dma_wait3A_206 = arith.constant 0 : i32
      %dma_wait3A_207 = tpu.memref_slice %arg20[%dma_wait3A_206] : memref<10000xf32, #tpu.memory_space<vmem_shared>> -> memref<10000xf32, #tpu.memory_space<vmem_shared>>
      tpu.wait_indirect_dma semaphore(%arg19 : memref<!tpu.dma_semaphore, #tpu.memory_space<semaphore_mem>>) src(%arg9 : memref<128xf32, #tpu.memory_space<vmem>>) dst(%dma_wait3A_207 : memref<10000xf32, #tpu.memory_space<vmem_shared>>)
      %add3A_208 = arith.constant 4 : i32
      %add3A_209 = arith.addi %add3A_205, %add3A_208 : i32
      %sub3A_210 = arith.subi %add3A_209, %mul3A_56 : i32
      %lt3A_211 = arith.cmpi slt, %sub3A_210, %select_n3A : i32
      %convert_element_type3A_212 = arith.extui %lt3A_211 : i1 to i32
      %cond3A_213 = arith.constant 0 : i32
      %cond3A_214 = arith.cmpi ne, %convert_element_type3A_212, %cond3A_213 : i32
      scf.if %cond3A_214 {
        %add3A_215 = arith.constant 4 : i32
        %add3A_216 = arith.addi %add3A_205, %add3A_215 : i32
        %dma_start3A_217 = arith.constant 0 : i32
        %dma_start3A_218 = arith.constant 0 : i32
        %dma_start3A_219 = tpu.memref_slice %arg2[%arg0, %add3A_216, %dma_start3A_217, %dma_start3A_218] : memref<2x2500x2x128xi32, #tpu.memory_space<hbm>> -> memref<1x1x1x128xi32, #tpu.memory_space<hbm>>
        %dma_start3A_220 = tpu.memref_squeeze %dma_start3A_219 : memref<1x1x1x128xi32, #tpu.memory_space<hbm>> -> memref<128xi32, #tpu.memory_space<hbm>>
        %dma_start3A_221 = arith.constant 0 : i32
        %dma_start3A_222 = tpu.memref_slice %arg2[%arg0, %add3A_216, %dma_start3A_217, %dma_start3A_221] : memref<2x2500x2x128xi32, #tpu.memory_space<hbm>> -> memref<1x1x1x128xi32, #tpu.memory_space<hbm>>
        %dma_start3A_223 = tpu.memref_squeeze %dma_start3A_222 : memref<1x1x1x128xi32, #tpu.memory_space<hbm>> -> memref<128xi32, #tpu.memory_space<hbm>>
        tpu.enqueue_dma source(%dma_start3A_223 : memref<128xi32, #tpu.memory_space<hbm>>) target(%arg8 : memref<128xi32, #tpu.memory_space<vmem>>) target_semaphore(%arg15 : memref<!tpu.dma_semaphore, #tpu.memory_space<semaphore_mem>>)
      } else {
      }
    }
    %barrier3A_118 = arith.constant 0 : index
    tpu.barrier barrier_id(%barrier3A_118)
    %lt3A_119 = arith.constant 10 : i32
    %lt3A_120 = arith.cmpi slt, %arg1, %lt3A_119 : i32
    %convert_element_type3A_121 = arith.extui %lt3A_120 : i1 to i32
    %cond3A_122 = arith.constant 0 : i32
    %cond3A_123 = arith.cmpi ne, %convert_element_type3A_121, %cond3A_122 : i32
    scf.if %cond3A_123 {
      %mul3A_124 = arith.constant 1000 : i32
      %mul3A_125 = arith.muli %arg1, %mul3A_124 : i32
      "tpu.region"() ({
        %run_scoped3A = tpu.sem_alloc : memref<!tpu.dma_semaphore, #tpu.memory_space<semaphore_mem>>
        %dma_start3A_135 = tpu.memref_slice %arg20[%mul3A_125] : memref<10000xf32, #tpu.memory_space<vmem_shared>> -> memref<1000xf32, #tpu.memory_space<vmem_shared>>
        %dma_start3A_136 = tpu.memref_slice %arg20[%mul3A_125] : memref<10000xf32, #tpu.memory_space<vmem_shared>> -> memref<1000xf32, #tpu.memory_space<vmem_shared>>
        tpu.enqueue_dma source(%dma_start3A_136 : memref<1000xf32, #tpu.memory_space<vmem_shared>>) target(%arg11 : memref<1000xf32, #tpu.memory_space<vmem>>) target_semaphore(%run_scoped3A : memref<!tpu.dma_semaphore, #tpu.memory_space<semaphore_mem>>)
        %dma_wait3A = tpu.memref_slice %arg20[%mul3A_125] : memref<10000xf32, #tpu.memory_space<vmem_shared>> -> memref<1000xf32, #tpu.memory_space<vmem_shared>>
        %dma_wait3A_137 = tpu.memref_slice %arg20[%mul3A_125] : memref<10000xf32, #tpu.memory_space<vmem_shared>> -> memref<1000xf32, #tpu.memory_space<vmem_shared>>
        tpu.wait_dma2 semaphore(%run_scoped3A : memref<!tpu.dma_semaphore, #tpu.memory_space<semaphore_mem>>) src(%dma_wait3A_137 : memref<1000xf32, #tpu.memory_space<vmem_shared>>) dst(%arg11 : memref<1000xf32, #tpu.memory_space<vmem>>)
        tpu.yield
      }) : () -> ()
      %eq3A = arith.constant 0 : i32
      %eq3A_126 = arith.cmpi eq, %arg0, %eq3A : i32
      %convert_element_type3A_127 = arith.extui %eq3A_126 : i1 to i32
      %cond3A_128 = arith.constant 0 : i32
      %cond3A_129 = arith.cmpi ne, %convert_element_type3A_127, %cond3A_128 : i32
      scf.if %cond3A_129 {
        %mul3A_135 = arith.constant 1000 : i32
        %mul3A_136 = arith.muli %arg1, %mul3A_135 : i32
        "tpu.region"() ({
          %run_scoped3A = tpu.sem_alloc : memref<!tpu.dma_semaphore, #tpu.memory_space<semaphore_mem>>
          %dma_start3A_137 = tpu.memref_slice %arg3[%mul3A_136] : memref<10000xf32, #tpu.memory_space<hbm>> -> memref<1000xf32, #tpu.memory_space<hbm>>
          %dma_start3A_138 = tpu.memref_slice %arg3[%mul3A_136] : memref<10000xf32, #tpu.memory_space<hbm>> -> memref<1000xf32, #tpu.memory_space<hbm>>
          tpu.enqueue_dma source(%arg11 : memref<1000xf32, #tpu.memory_space<vmem>>) target(%dma_start3A_138 : memref<1000xf32, #tpu.memory_space<hbm>>) target_semaphore(%run_scoped3A : memref<!tpu.dma_semaphore, #tpu.memory_space<semaphore_mem>>)
          %dma_wait3A = tpu.memref_slice %arg3[%mul3A_136] : memref<10000xf32, #tpu.memory_space<hbm>> -> memref<1000xf32, #tpu.memory_space<hbm>>
          %dma_wait3A_139 = tpu.memref_slice %arg3[%mul3A_136] : memref<10000xf32, #tpu.memory_space<hbm>> -> memref<1000xf32, #tpu.memory_space<hbm>>
          tpu.wait_dma2 semaphore(%run_scoped3A : memref<!tpu.dma_semaphore, #tpu.memory_space<semaphore_mem>>) src(%arg11 : memref<1000xf32, #tpu.memory_space<vmem>>) dst(%dma_wait3A_139 : memref<1000xf32, #tpu.memory_space<hbm>>)
          tpu.yield
        }) : () -> ()
      } else {
      }
      %eq3A_130 = arith.constant 1 : i32
      %eq3A_131 = arith.cmpi eq, %arg0, %eq3A_130 : i32
      %convert_element_type3A_132 = arith.extui %eq3A_131 : i1 to i32
      %cond3A_133 = arith.constant 0 : i32
      %cond3A_134 = arith.cmpi ne, %convert_element_type3A_132, %cond3A_133 : i32
      scf.if %cond3A_134 {
        %mul3A_135 = arith.constant 1000 : i32
        %mul3A_136 = arith.muli %arg1, %mul3A_135 : i32
        "tpu.region"() ({
          %run_scoped3A = tpu.sem_alloc : memref<!tpu.dma_semaphore, #tpu.memory_space<semaphore_mem>>
          %dma_start3A_137 = tpu.memref_slice %arg4[%mul3A_136] : memref<10000xf32, #tpu.memory_space<hbm>> -> memref<1000xf32, #tpu.memory_space<hbm>>
          %dma_start3A_138 = tpu.memref_slice %arg4[%mul3A_136] : memref<10000xf32, #tpu.memory_space<hbm>> -> memref<1000xf32, #tpu.memory_space<hbm>>
          tpu.enqueue_dma source(%arg11 : memref<1000xf32, #tpu.memory_space<vmem>>) target(%dma_start3A_138 : memref<1000xf32, #tpu.memory_space<hbm>>) target_semaphore(%run_scoped3A : memref<!tpu.dma_semaphore, #tpu.memory_space<semaphore_mem>>)
          %dma_wait3A = tpu.memref_slice %arg4[%mul3A_136] : memref<10000xf32, #tpu.memory_space<hbm>> -> memref<1000xf32, #tpu.memory_space<hbm>>
          %dma_wait3A_139 = tpu.memref_slice %arg4[%mul3A_136] : memref<10000xf32, #tpu.memory_space<hbm>> -> memref<1000xf32, #tpu.memory_space<hbm>>
          tpu.wait_dma2 semaphore(%run_scoped3A : memref<!tpu.dma_semaphore, #tpu.memory_space<semaphore_mem>>) src(%arg11 : memref<1000xf32, #tpu.memory_space<vmem>>) dst(%dma_wait3A_139 : memref<1000xf32, #tpu.memory_space<hbm>>)
          tpu.yield
        }) : () -> ()
      } else {
      }
    } else {
    }
    return
  }
}

module attributes {stable_mosaic.version = 14 : i64} {
  func.func @_dense_body(%arg0: i32, %arg1: i32, %arg2: memref<1x2000x128xf32, #tpu.memory_space<vmem>>, %arg3: memref<1x128x128xf32, #tpu.memory_space<vmem>>, %arg4: memref<1x1x128xf32, #tpu.memory_space<vmem>>, %arg5: memref<1x128x128xf32, #tpu.memory_space<vmem>>, %arg6: memref<1x128x128xf32, #tpu.memory_space<vmem>>, %arg7: memref<1x2000x1xf32, #tpu.memory_space<vmem>>, %arg8: memref<1x2000x128xf32, #tpu.memory_space<vmem>>, %arg9: memref<1x2000x128xf32, #tpu.memory_space<vmem>>) attributes {dimension_semantics = [#tpu.dimension_semantics<arbitrary>, #tpu.dimension_semantics<arbitrary>], iteration_bounds = array<i64: 2, 5>, scalar_prefetch = 0 : i64, scratch_operands = 0 : i64, tpu.core_type = #tpu.core_type<tc>, window_params = [{transform_indices = @transform_0, window_bounds = array<i64: 1, 2000, 128>}, {transform_indices = @transform_1, window_bounds = array<i64: 1, 128, 128>}, {transform_indices = @transform_2, window_bounds = array<i64: 1, 1, 128>}, {transform_indices = @transform_3, window_bounds = array<i64: 1, 128, 128>}, {transform_indices = @transform_4, window_bounds = array<i64: 1, 128, 128>}, {transform_indices = @transform_5, window_bounds = array<i64: 1, 2000, 1>}, {transform_indices = @transform_6, window_bounds = array<i64: 1, 2000, 128>}, {transform_indices = @transform_7, window_bounds = array<i64: 1, 2000, 128>}]} {
    %get3A = arith.constant 0 : index
    %get3A_0 = arith.constant 0 : index
    %get3A_1 = arith.constant 0 : index
    %get3A_2 = vector.load %arg2[%get3A, %get3A_0, %get3A_1] : memref<1x2000x128xf32, #tpu.memory_space<vmem>>, vector<1x2000x128xf32>
    %get3A_3 = vector.shape_cast %get3A_2 : vector<1x2000x128xf32> to vector<2000x128xf32>
    %get3A_4 = arith.constant 0 : index
    %get3A_5 = arith.constant 0 : index
    %get3A_6 = arith.constant 0 : index
    %get3A_7 = vector.load %arg3[%get3A_4, %get3A_5, %get3A_6] : memref<1x128x128xf32, #tpu.memory_space<vmem>>, vector<1x128x128xf32>
    %get3A_8 = vector.shape_cast %get3A_7 : vector<1x128x128xf32> to vector<128x128xf32>
    %dot_general3A = arith.constant dense<0.000000e+00> : vector<2000x128xf32>
    %dot_general3A_9 = tpu.matmul %get3A_3, %get3A_8, %dot_general3A {dimension_numbers = #tpu.dot_dimension_numbers<[1], [0], [0], [1], [0, 0, 1, 1], [], []>, transpose_lhs_hint = false} : vector<2000x128xf32>, vector<128x128xf32>, vector<2000x128xf32> -> vector<2000x128xf32>
    %get3A_10 = arith.constant 0 : index
    %get3A_11 = arith.constant 0 : index
    %get3A_12 = arith.constant 0 : index
    %get3A_13 = vector.load %arg4[%get3A_10, %get3A_11, %get3A_12] : memref<1x1x128xf32, #tpu.memory_space<vmem>>, vector<1x1x128xf32>
    %get3A_14 = vector.shape_cast %get3A_13 : vector<1x1x128xf32> to vector<1x128xf32>
    %add3A = vector.broadcast %get3A_14 : vector<1x128xf32> to vector<2000x128xf32>
    %add3A_15 = arith.addf %dot_general3A_9, %add3A : vector<2000x128xf32>
    %max3A = arith.constant 0.000000e+00 : f32
    %max3A_16 = vector.broadcast %max3A : f32 to vector<2000x128xf32>
    %max3A_17 = arith.maximumf %add3A_15, %max3A_16 : vector<2000x128xf32>
    %get3A_18 = arith.constant 0 : index
    %get3A_19 = arith.constant 0 : index
    %get3A_20 = arith.constant 0 : index
    %get3A_21 = vector.load %arg5[%get3A_18, %get3A_19, %get3A_20] : memref<1x128x128xf32, #tpu.memory_space<vmem>>, vector<1x128x128xf32>
    %get3A_22 = vector.shape_cast %get3A_21 : vector<1x128x128xf32> to vector<128x128xf32>
    %dot_general3A_23 = arith.constant dense<0.000000e+00> : vector<2000x128xf32>
    %dot_general3A_24 = tpu.matmul %max3A_17, %get3A_22, %dot_general3A_23 {dimension_numbers = #tpu.dot_dimension_numbers<[1], [0], [0], [1], [0, 0, 1, 1], [], []>, transpose_lhs_hint = false} : vector<2000x128xf32>, vector<128x128xf32>, vector<2000x128xf32> -> vector<2000x128xf32>
    %swap3A = arith.constant 0 : index
    %swap3A_25 = arith.constant 0 : index
    %swap3A_26 = arith.constant 0 : index
    %swap3A_27 = vector.load %arg8[%swap3A, %swap3A_25, %swap3A_26] : memref<1x2000x128xf32, #tpu.memory_space<vmem>>, vector<1x2000x128xf32>
    %swap3A_28 = vector.shape_cast %swap3A_27 : vector<1x2000x128xf32> to vector<2000x128xf32>
    %swap3A_29 = vector.shape_cast %dot_general3A_24 : vector<2000x128xf32> to vector<1x2000x128xf32>
    tpu.vector_store %arg8[%swap3A, %swap3A_25, %swap3A_26], %swap3A_29 {strides = array<i32>} : memref<1x2000x128xf32, #tpu.memory_space<vmem>>, vector<1x2000x128xf32>,
    %get3A_30 = arith.constant 0 : index
    %get3A_31 = arith.constant 0 : index
    %get3A_32 = arith.constant 0 : index
    %get3A_33 = vector.load %arg7[%get3A_30, %get3A_31, %get3A_32] : memref<1x2000x1xf32, #tpu.memory_space<vmem>>, vector<1x2000x1xf32>
    %get3A_34 = vector.shape_cast %get3A_33 : vector<1x2000x1xf32> to vector<2000x1xf32>
    %gt3A = arith.constant 0.000000e+00 : f32
    %gt3A_35 = vector.broadcast %gt3A : f32 to vector<2000x1xf32>
    %gt3A_36 = arith.cmpf ogt, %get3A_34, %gt3A_35 : vector<2000x1xf32>
    %rsqrt3A = math.rsqrt %get3A_34 : vector<2000x1xf32>
    %jit3A = arith.constant 0.000000e+00 : f32
    %broadcast_in_dim3A = vector.broadcast %jit3A : f32 to vector<2000x1xf32>
    %select_n3A = arith.select %gt3A_36, %rsqrt3A, %broadcast_in_dim3A : vector<2000x1xi1>, vector<2000x1xf32>
    %get3A_37 = arith.constant 0 : index
    %get3A_38 = arith.constant 0 : index
    %get3A_39 = arith.constant 0 : index
    %get3A_40 = vector.load %arg6[%get3A_37, %get3A_38, %get3A_39] : memref<1x128x128xf32, #tpu.memory_space<vmem>>, vector<1x128x128xf32>
    %get3A_41 = vector.shape_cast %get3A_40 : vector<1x128x128xf32> to vector<128x128xf32>
    %dot_general3A_42 = arith.constant dense<0.000000e+00> : vector<2000x128xf32>
    %dot_general3A_43 = tpu.matmul %max3A_17, %get3A_41, %dot_general3A_42 {dimension_numbers = #tpu.dot_dimension_numbers<[1], [0], [0], [1], [0, 0, 1, 1], [], []>, transpose_lhs_hint = false} : vector<2000x128xf32>, vector<128x128xf32>, vector<2000x128xf32> -> vector<2000x128xf32>
    %mul3A = vector.broadcast %select_n3A : vector<2000x1xf32> to vector<2000x128xf32>
    %mul3A_44 = arith.mulf %mul3A, %dot_general3A_43 : vector<2000x128xf32>
    %swap3A_45 = arith.constant 0 : index
    %swap3A_46 = arith.constant 0 : index
    %swap3A_47 = arith.constant 0 : index
    %swap3A_48 = vector.load %arg9[%swap3A_45, %swap3A_46, %swap3A_47] : memref<1x2000x128xf32, #tpu.memory_space<vmem>>, vector<1x2000x128xf32>
    %swap3A_49 = vector.shape_cast %swap3A_48 : vector<1x2000x128xf32> to vector<2000x128xf32>
    %swap3A_50 = vector.shape_cast %mul3A_44 : vector<2000x128xf32> to vector<1x2000x128xf32>
    tpu.vector_store %arg9[%swap3A_45, %swap3A_46, %swap3A_47], %swap3A_50 {strides = array<i32>} : memref<1x2000x128xf32, #tpu.memory_space<vmem>>, vector<1x2000x128xf32>,
    return
  }
  func.func @transform_0(%arg0: i32, %arg1: i32) -> (i32, i32, i32) {
    %c0_i32 = arith.constant 0 : i32
    %c0_i32_0 = arith.constant 0 : i32
    return %arg0, %arg1, %c0_i32 : i32, i32, i32
  }
  func.func @transform_1(%arg0: i32, %arg1: i32) -> (i32, i32, i32) {
    %c0_i32 = arith.constant 0 : i32
    %c0_i32_0 = arith.constant 0 : i32
    %c0_i32_1 = arith.constant 0 : i32
    return %arg0, %c0_i32, %c0_i32_0 : i32, i32, i32
  }
  func.func @transform_2(%arg0: i32, %arg1: i32) -> (i32, i32, i32) {
    %c0_i32 = arith.constant 0 : i32
    %c0_i32_0 = arith.constant 0 : i32
    %c0_i32_1 = arith.constant 0 : i32
    return %arg0, %c0_i32, %c0_i32_0 : i32, i32, i32
  }
  func.func @transform_3(%arg0: i32, %arg1: i32) -> (i32, i32, i32) {
    %c0_i32 = arith.constant 0 : i32
    %c0_i32_0 = arith.constant 0 : i32
    %c0_i32_1 = arith.constant 0 : i32
    return %arg0, %c0_i32, %c0_i32_0 : i32, i32, i32
  }
  func.func @transform_4(%arg0: i32, %arg1: i32) -> (i32, i32, i32) {
    %c0_i32 = arith.constant 0 : i32
    %c0_i32_0 = arith.constant 0 : i32
    %c0_i32_1 = arith.constant 0 : i32
    return %arg0, %c0_i32, %c0_i32_0 : i32, i32, i32
  }
  func.func @transform_5(%arg0: i32, %arg1: i32) -> (i32, i32, i32) {
    %c0_i32 = arith.constant 0 : i32
    %c0_i32_0 = arith.constant 0 : i32
    return %arg0, %arg1, %c0_i32 : i32, i32, i32
  }
  func.func @transform_6(%arg0: i32, %arg1: i32) -> (i32, i32, i32) {
    %c0_i32 = arith.constant 0 : i32
    %c0_i32_0 = arith.constant 0 : i32
    return %arg0, %arg1, %c0_i32 : i32, i32, i32
  }
  func.func @transform_7(%arg0: i32, %arg1: i32) -> (i32, i32, i32) {
    %c0_i32 = arith.constant 0 : i32
    %c0_i32_0 = arith.constant 0 : i32
    return %arg0, %arg1, %c0_i32 : i32, i32, i32
  }
}

module attributes {stable_mosaic.version = 14 : i64} {
  func.func @_final_body(%arg0: i32, %arg1: i32, %arg2: memref<1x2000x128xf32, #tpu.memory_space<vmem>>, %arg3: memref<1x2000x128xf32, #tpu.memory_space<vmem>>, %arg4: memref<1x2000x1xf32, #tpu.memory_space<vmem>>, %arg5: memref<1x1x128xf32, #tpu.memory_space<vmem>>, %arg6: memref<1x2000x64xf32, #tpu.memory_space<vmem>>, %arg7: memref<256x1xf32, #tpu.memory_space<vmem>>, %arg8: memref<1x1xf32, #tpu.memory_space<vmem>>, %arg9: memref<64x1xf32, #tpu.memory_space<vmem>>, %arg10: memref<2x64x128xf32, #tpu.memory_space<vmem>>) attributes {dimension_semantics = [#tpu.dimension_semantics<arbitrary>, #tpu.dimension_semantics<arbitrary>], iteration_bounds = array<i64: 2, 5>, scalar_prefetch = 0 : i64, scratch_operands = 1 : i64, tpu.core_type = #tpu.core_type<tc>, window_params = [{transform_indices = @transform_0, window_bounds = array<i64: 1, 2000, 128>}, {transform_indices = @transform_1, window_bounds = array<i64: 1, 2000, 128>}, {transform_indices = @transform_2, window_bounds = array<i64: 1, 2000, 1>}, {transform_indices = @transform_3, window_bounds = array<i64: 1, 1, 128>}, {transform_indices = @transform_4, window_bounds = array<i64: 1, 2000, 64>}, {pipeline_mode = #tpu.pipeline_mode<synchronous>, transform_indices = @transform_5, window_bounds = array<i64: 256, 1>}, {pipeline_mode = #tpu.pipeline_mode<synchronous>, transform_indices = @transform_6, window_bounds = array<i64: 1, 1>}, {pipeline_mode = #tpu.pipeline_mode<synchronous>, transform_indices = @transform_7, window_bounds = array<i64: 64, 1>}]} {
    %get3A = arith.constant 0 : index
    %get3A_0 = arith.constant 0 : index
    %get3A_1 = arith.constant 0 : index
    %get3A_2 = vector.load %arg4[%get3A, %get3A_0, %get3A_1] : memref<1x2000x1xf32, #tpu.memory_space<vmem>>, vector<1x2000x1xf32>
    %get3A_3 = vector.shape_cast %get3A_2 : vector<1x2000x1xf32> to vector<2000x1xf32>
    %gt3A = arith.constant 0.000000e+00 : f32
    %gt3A_4 = vector.broadcast %gt3A : f32 to vector<2000x1xf32>
    %gt3A_5 = arith.cmpf ogt, %get3A_3, %gt3A_4 : vector<2000x1xf32>
    %rsqrt3A = math.rsqrt %get3A_3 : vector<2000x1xf32>
    %jit3A = arith.constant 0.000000e+00 : f32
    %broadcast_in_dim3A = vector.broadcast %jit3A : f32 to vector<2000x1xf32>
    %select_n3A = arith.select %gt3A_5, %rsqrt3A, %broadcast_in_dim3A : vector<2000x1xi1>, vector<2000x1xf32>
    %get3A_6 = arith.constant 0 : index
    %get3A_7 = arith.constant 0 : index
    %get3A_8 = arith.constant 0 : index
    %get3A_9 = vector.load %arg2[%get3A_6, %get3A_7, %get3A_8] : memref<1x2000x128xf32, #tpu.memory_space<vmem>>, vector<1x2000x128xf32>
    %get3A_10 = vector.shape_cast %get3A_9 : vector<1x2000x128xf32> to vector<2000x128xf32>
    %get3A_11 = arith.constant 0 : index
    %get3A_12 = arith.constant 0 : index
    %get3A_13 = arith.constant 0 : index
    %get3A_14 = vector.load %arg3[%get3A_11, %get3A_12, %get3A_13] : memref<1x2000x128xf32, #tpu.memory_space<vmem>>, vector<1x2000x128xf32>
    %get3A_15 = vector.shape_cast %get3A_14 : vector<1x2000x128xf32> to vector<2000x128xf32>
    %mul3A = vector.broadcast %select_n3A : vector<2000x1xf32> to vector<2000x128xf32>
    %mul3A_16 = arith.mulf %mul3A, %get3A_15 : vector<2000x128xf32>
    %sub3A = arith.subf %get3A_10, %mul3A_16 : vector<2000x128xf32>
    %get3A_17 = arith.constant 0 : index
    %get3A_18 = arith.constant 0 : index
    %get3A_19 = arith.constant 0 : index
    %get3A_20 = vector.load %arg5[%get3A_17, %get3A_18, %get3A_19] : memref<1x1x128xf32, #tpu.memory_space<vmem>>, vector<1x1x128xf32>
    %get3A_21 = vector.shape_cast %get3A_20 : vector<1x1x128xf32> to vector<1x128xf32>
    %add3A = vector.broadcast %get3A_21 : vector<1x128xf32> to vector<2000x128xf32>
    %add3A_22 = arith.addf %sub3A, %add3A : vector<2000x128xf32>
    %max3A = arith.constant 0.000000e+00 : f32
    %max3A_23 = vector.broadcast %max3A : f32 to vector<2000x128xf32>
    %max3A_24 = arith.maximumf %add3A_22, %max3A_23 : vector<2000x128xf32>
    %get3A_25 = arith.constant 0 : index
    %get3A_26 = arith.constant 0 : index
    %get3A_27 = arith.constant 0 : index
    %get3A_28 = vector.load %arg6[%get3A_25, %get3A_26, %get3A_27] : memref<1x2000x64xf32, #tpu.memory_space<vmem>>, vector<1x2000x64xf32>
    %get3A_29 = vector.shape_cast %get3A_28 : vector<1x2000x64xf32> to vector<2000x64xf32>
    %dot_general3A = arith.constant dense<0.000000e+00> : vector<64x128xf32>
    %dot_general3A_30 = tpu.matmul %get3A_29, %max3A_24, %dot_general3A {dimension_numbers = #tpu.dot_dimension_numbers<[0], [0], [1], [1], [0, 1, 1, 1], [], []>, transpose_lhs_hint = false} : vector<2000x64xf32>, vector<2000x128xf32>, vector<64x128xf32> -> vector<64x128xf32>
    %eq3A = arith.constant 0 : i32
    %eq3A_31 = arith.cmpi eq, %arg1, %eq3A : i32
    %convert_element_type3A = arith.extui %eq3A_31 : i1 to i32
    %cond3A = arith.constant 0 : i32
    %cond3A_32 = arith.cmpi ne, %convert_element_type3A, %cond3A : i32
    scf.if %cond3A_32 {
      %swap3A = arith.index_cast %arg0 : i32 to index
      %swap3A_45 = arith.constant 0 : index
      %swap3A_46 = arith.constant 0 : index
      %swap3A_47 = vector.load %arg10[%swap3A, %swap3A_45, %swap3A_46] : memref<2x64x128xf32, #tpu.memory_space<vmem>>, vector<1x64x128xf32>
      %swap3A_48 = vector.shape_cast %swap3A_47 : vector<1x64x128xf32> to vector<64x128xf32>
      %swap3A_49 = vector.shape_cast %dot_general3A_30 : vector<64x128xf32> to vector<1x64x128xf32>
      tpu.vector_store %arg10[%swap3A, %swap3A_45, %swap3A_46], %swap3A_49 {strides = array<i32>} : memref<2x64x128xf32, #tpu.memory_space<vmem>>, vector<1x64x128xf32>,
    } else {
    }
    %gt3A_33 = arith.constant 0 : i32
    %gt3A_34 = arith.cmpi sgt, %arg1, %gt3A_33 : i32
    %convert_element_type3A_35 = arith.extui %gt3A_34 : i1 to i32
    %cond3A_36 = arith.constant 0 : i32
    %cond3A_37 = arith.cmpi ne, %convert_element_type3A_35, %cond3A_36 : i32
    scf.if %cond3A_37 {
      %get3A_45 = arith.index_cast %arg0 : i32 to index
      %get3A_46 = arith.constant 0 : index
      %get3A_47 = arith.constant 0 : index
      %get3A_48 = vector.load %arg10[%get3A_45, %get3A_46, %get3A_47] : memref<2x64x128xf32, #tpu.memory_space<vmem>>, vector<1x64x128xf32>
      %get3A_49 = vector.shape_cast %get3A_48 : vector<1x64x128xf32> to vector<64x128xf32>
      %add3A_50 = arith.addf %get3A_49, %dot_general3A_30 : vector<64x128xf32>
      %swap3A = arith.index_cast %arg0 : i32 to index
      %swap3A_51 = arith.constant 0 : index
      %swap3A_52 = arith.constant 0 : index
      %swap3A_53 = vector.load %arg10[%swap3A, %swap3A_51, %swap3A_52] : memref<2x64x128xf32, #tpu.memory_space<vmem>>, vector<1x64x128xf32>
      %swap3A_54 = vector.shape_cast %swap3A_53 : vector<1x64x128xf32> to vector<64x128xf32>
      %swap3A_55 = vector.shape_cast %add3A_50 : vector<64x128xf32> to vector<1x64x128xf32>
      tpu.vector_store %arg10[%swap3A, %swap3A_51, %swap3A_52], %swap3A_55 {strides = array<i32>} : memref<2x64x128xf32, #tpu.memory_space<vmem>>, vector<1x64x128xf32>,
    } else {
    }
    %eq3A_38 = arith.constant 1 : i32
    %eq3A_39 = arith.cmpi eq, %arg0, %eq3A_38 : i32
    %eq3A_40 = arith.constant 4 : i32
    %eq3A_41 = arith.cmpi eq, %arg1, %eq3A_40 : i32
    %and3A = arith.andi %eq3A_39, %eq3A_41 : i1
    %convert_element_type3A_42 = arith.extui %and3A : i1 to i32
    %cond3A_43 = arith.constant 0 : i32
    %cond3A_44 = arith.cmpi ne, %convert_element_type3A_42, %cond3A_43 : i32
    scf.if %cond3A_44 {
      %get3A_45 = arith.constant 0 : index
      %get3A_46 = arith.constant 0 : index
      %get3A_47 = arith.constant 0 : index
      %get3A_48 = vector.load %arg10[%get3A_45, %get3A_46, %get3A_47] : memref<2x64x128xf32, #tpu.memory_space<vmem>>, vector<1x64x128xf32>
      %get3A_49 = vector.shape_cast %get3A_48 : vector<1x64x128xf32> to vector<64x128xf32>
      %get3A_50 = arith.constant 1 : index
      %get3A_51 = arith.constant 0 : index
      %get3A_52 = arith.constant 0 : index
      %get3A_53 = vector.load %arg10[%get3A_50, %get3A_51, %get3A_52] : memref<2x64x128xf32, #tpu.memory_space<vmem>>, vector<1x64x128xf32>
      %get3A_54 = vector.shape_cast %get3A_53 : vector<1x64x128xf32> to vector<64x128xf32>
      %concatenate3A = tpu.concatenate %get3A_49, %get3A_54 in 1 : vector<64x128xf32>, vector<64x128xf32> -> vector<64x256xf32>
      %get3A_55 = arith.constant 0 : index
      %get3A_56 = arith.constant 0 : index
      %get3A_57 = vector.load %arg7[%get3A_55, %get3A_56] : memref<256x1xf32, #tpu.memory_space<vmem>>, vector<256x1xf32>
      %dot_general3A_58 = arith.constant dense<0.000000e+00> : vector<64x1xf32>
      %dot_general3A_59 = tpu.matmul %concatenate3A, %get3A_57, %dot_general3A_58 {dimension_numbers = #tpu.dot_dimension_numbers<[1], [0], [0], [1], [0, 0, 1, 1], [], []>, transpose_lhs_hint = false} : vector<64x256xf32>, vector<256x1xf32>, vector<64x1xf32> -> vector<64x1xf32>
      %get3A_60 = arith.constant 0 : index
      %get3A_61 = arith.constant 0 : index
      %get3A_62 = vector.load %arg8[%get3A_60, %get3A_61] : memref<1x1xf32, #tpu.memory_space<vmem>>, vector<1x1xf32>
      %get3A_63 = vector.extract %get3A_62[0, 0] : f32 from vector<1x1xf32>
      %add3A_64 = vector.broadcast %get3A_63 : f32 to vector<64x1xf32>
      %add3A_65 = arith.addf %dot_general3A_59, %add3A_64 : vector<64x1xf32>
      %swap3A = arith.constant 0 : index
      %swap3A_66 = arith.constant 0 : index
      %swap3A_67 = vector.load %arg9[%swap3A, %swap3A_66] : memref<64x1xf32, #tpu.memory_space<vmem>>, vector<64x1xf32>
      tpu.vector_store %arg9[%swap3A, %swap3A_66], %add3A_65 {strides = array<i32>} : memref<64x1xf32, #tpu.memory_space<vmem>>, vector<64x1xf32>,
    } else {
    }
    return
  }
  func.func @transform_0(%arg0: i32, %arg1: i32) -> (i32, i32, i32) {
    %c0_i32 = arith.constant 0 : i32
    %c0_i32_0 = arith.constant 0 : i32
    return %arg0, %arg1, %c0_i32 : i32, i32, i32
  }
  func.func @transform_1(%arg0: i32, %arg1: i32) -> (i32, i32, i32) {
    %c0_i32 = arith.constant 0 : i32
    %c0_i32_0 = arith.constant 0 : i32
    return %arg0, %arg1, %c0_i32 : i32, i32, i32
  }
  func.func @transform_2(%arg0: i32, %arg1: i32) -> (i32, i32, i32) {
    %c0_i32 = arith.constant 0 : i32
    %c0_i32_0 = arith.constant 0 : i32
    return %arg0, %arg1, %c0_i32 : i32, i32, i32
  }
  func.func @transform_3(%arg0: i32, %arg1: i32) -> (i32, i32, i32) {
    %c0_i32 = arith.constant 0 : i32
    %c0_i32_0 = arith.constant 0 : i32
    %c0_i32_1 = arith.constant 0 : i32
    return %arg0, %c0_i32, %c0_i32_0 : i32, i32, i32
  }
  func.func @transform_4(%arg0: i32, %arg1: i32) -> (i32, i32, i32) {
    %c0_i32 = arith.constant 0 : i32
    %c0_i32_0 = arith.constant 0 : i32
    return %arg0, %arg1, %c0_i32 : i32, i32, i32
  }
  func.func @transform_5(%arg0: i32, %arg1: i32) -> (i32, i32) {
    %c0_i32 = arith.constant 0 : i32
    %c0_i32_0 = arith.constant 0 : i32
    %c0_i32_1 = arith.constant 0 : i32
    return %c0_i32, %c0_i32_0 : i32, i32
  }
  func.func @transform_6(%arg0: i32, %arg1: i32) -> (i32, i32) {
    %c0_i32 = arith.constant 0 : i32
    %c0_i32_0 = arith.constant 0 : i32
    %c0_i32_1 = arith.constant 0 : i32
    return %c0_i32, %c0_i32_0 : i32, i32
  }
  func.func @transform_7(%arg0: i32, %arg1: i32) -> (i32, i32) {
    %c0_i32 = arith.constant 0 : i32
    %c0_i32_0 = arith.constant 0 : i32
    %c0_i32_1 = arith.constant 0 : i32
    return %c0_i32, %c0_i32_0 : i32, i32
  }
}

</mosaic_0001>

<sc_bundles>
// kernel: kernel.6.cloned.1.call-start
scs
__scs_entry_jumppad:
0x0: {  	(pc) =	sbr.rel $0x88, $3  }
0x1: {  	(tag) =	ssettag $0x0;
	lr =	simm.s32 $0x1  }
0x2: {  	[smem:$0x3F8F] =	sst lr;
	_ =	strace $0xD0000000  }
0x3: {  	_ = 	snop  }
0x4: {  	_ = 	snop  }
0x5: {  	_ = 	snop  }
0x6: {  	_ = 	snop  }
0x7: {  	_ = 	snop  }
__scs_overlays_trampoline_lowered:
0x8: {  	[smem:$0x3F9E] =	sst s0  }
0x9: {  	[smem:$0x3F9F] =	sst s1  }
0xa: {  	[smem:$0x3FA0] =	sst s2  }
0xb: {  	[smem:$0x3FA1] =	sst s3  }
0xc: {  	[smem:$0x3FA2] =	sst s4  }
0xd: {  	[smem:$0x3FA3] =	sst s5  }
0xe: {  	[smem:$0x3FA4] =	sst s6  }
0xf: {  	[smem:$0x3FA5] =	sst s7  }
0x10: {  	[smem:$0x3FA6] =	sst s8  }
0x11: {  	[smem:$0x3FA7] =	sst s9;
	s0 =	simm.s32 @!p0 $0x0  }
0x12: {  	s1 =	sld [smem:$0x3F8D];
	s0 =	simm.s32 @p0 $0x1  }
0x13: {  	[smem:$0x3FA8] =	sst s0;
	s0 =	simm.s32 @!p1 $0x0  }
0x14: {  	s2 =	sld [smem:$0x3F8C];
	s0 =	simm.s32 @p1 $0x1  }
0x15: {  	[smem:$0x3FA9] =	sst s0;
	s0 =	simm.s32 @!p2 $0x0  }
0x16: {  	s3 =	sld [smem:$0x3FDB];
	s0 =	simm.s32 @p2 $0x1  }
0x17: {  	s4 =	simm.s32 $0x1BF5;
	[smem:$0x3FAB] =	sst s0  }
0x18: {  	s0 =	sld [smem:$0x3F8E];
	_ =	swait.ge [sflag:s4], $0x0  }
0x19: {  	s7 =	sld [smem:$0x3F8F]  }
0x1a: {  	s8 =	sadd.s32 $0xFFFFE003, lr  }
0x1b: {  	s9 =	sadd.s32 $0xFFFFFEF7, lr;
	s5 =	simm.s32 $0xFFFFFFFF;
	p2 =	slt.u32 s8, $0xFFFFF086  }
0x1c: {  	p1 =	slt.u32 s9, $0xF7A;
	s5 =	simm.s32 @!p2 $0x0  }
0x1d: {  	s5 =	simm.s32 @p1 $0x1;
	p0 =	seq.s32 s7, s2  }
0x1e: {  	s7 =	smul.u32 @!p0 $0xF7A, s2;
	p2 =	seq.s32 @!p0 s5, $0x0  }
0x1f: {  	s9 =	smul.u32 $0xF7A, s1;
	s8 =	simm.s32 @!p0 $0x1BF5;
	p2 =	por !p2, p0  }
0x20: {  	[sflag:s8] =	ssyncset.s32 @!p0 $0xFFFFF086;
	s6 =	sadd.s32 @!p0 s3, s7;
	s7 =	simm.s32 @!p0 $0x108  }
0x21: {  	s3 =	sadd.s32 s3, s9;
	s6 =	sadd.s32 @!p0 $0x88, s6;
	s7 =	simm.s32 @p2 $0x1082  }
0x22: {  	[simem:s7], [sflag:s8] =	dma.local @!p0 [hbm:s6], $0xF7A  }
0x23: {  	s9 =	sor.u32 $0xD0000000, s2;
	s6 =	simm.s32 $0x108;
	_ =	swait.ge @!p0 [sflag:s8], $0x0  }
0x24: {  	s3 =	sadd.s32 $0x88, s3;
	s6 =	simm.s32 @!p1 $0x1082;
	[sflag:s4] =	ssyncset.s32 $0xFFFFF086  }
0x25: {  	[simem:s6], [sflag:s4] =	dma.local [hbm:s3], $0xF7A  }
0x26: {  	[smem:$0x3F8F] =	sst s1;
	(tag) =	ssettag s2;
	_ =	strace s9  }
0x27: {  	s1 =	sld [smem:$0x3F9F]  }
0x28: {  	s2 =	sld [smem:$0x3FA0]  }
0x29: {  	s4 =	sld [smem:$0x3FA2]  }
0x2a: {  	p0 =	seq.s32 s5, $0x0;
	s5 =	sld [smem:$0x3FA3]  }
0x2b: {  	s6 =	sld [smem:$0x3FA4]  }
0x2c: {  	s7 =	sld [smem:$0x3FA5]  }
0x2d: {  	s3 =	simm.s32 $0x108;
	s8 =	sld [smem:$0x3FA6]  }
0x2e: {  	s3 =	simm.s32 @!p0 $0x1082;
	s9 =	sld [smem:$0x3FA7]  }
0x2f: {  	lr =	sadd.s32 s0, s3;
	s0 =	sld [smem:$0x3F9E]  }
0x30: {  	s3 =	sld [smem:$0x3FA1]  }
0x31: {  	[smem:$0x3FAA] =	sst s10  }
0x32: {  	s10 =	sld [smem:$0x3FA8];
	_ =	sdelay $0x3  }
0x33: {  	p0 =	seq.s32 s10, $0x1;
	s10 =	sld [smem:$0x3FAA];
	_ =	sdelay $0x3  }
0x34: {  	[smem:$0x3FAA] =	sst s10  }
0x35: {  	s10 =	sld [smem:$0x3FA9];
	_ =	sdelay $0x3  }
0x36: {  	p1 =	seq.s32 s10, $0x1;
	s10 =	sld [smem:$0x3FAA];
	_ =	sdelay $0x3  }
0x37: {  	[smem:$0x3FAA] =	sst s10  }
0x38: {  	s10 =	sld [smem:$0x3FAB]  }
0x39: {  	_ = 	snop;
	(pc) =	sbr.ind lr, $3  }
0x3a: {  	_ = 	snop  }
0x3b: {  	_ = 	snop  }
0x3c: {  	p2 =	seq.s32 s10, $0x1;
	s10 =	sld [smem:$0x3FAA]  }
0x3d: {  	_ =	shalt  }
0x3e: {  	_ =	shalt  }
0x3f: {  	_ =	shalt  }
0x40: {  	_ =	shalt  }
0x41: {  	_ =	shalt  }
0x42: {  	_ =	shalt  }
0x43: {  	_ =	shalt  }
0x44: {  	_ =	shalt  }
0x45: {  	_ =	shalt  }
0x46: {  	_ =	shalt  }
0x47: {  	_ =	shalt  }
0x48: {  	_ =	shalt  }
0x49: {  	_ =	shalt  }
0x4a: {  	_ =	shalt  }
0x4b: {  	_ =	shalt  }
0x4c: {  	_ =	shalt  }
0x4d: {  	_ =	shalt  }
0x4e: {  	_ =	shalt  }
0x4f: {  	_ =	shalt  }
0x50: {  	_ =	shalt  }
0x51: {  	_ =	shalt  }
0x52: {  	_ =	shalt  }
0x53: {  	_ =	shalt  }
0x54: {  	_ =	shalt  }
0x55: {  	_ =	shalt  }
0x56: {  	_ =	shalt  }
0x57: {  	_ =	shalt  }
0x58: {  	_ =	shalt  }
0x59: {  	_ =	shalt  }
0x5a: {  	_ =	shalt  }
0x5b: {  	_ =	shalt  }
0x5c: {  	_ =	shalt  }
0x5d: {  	_ =	shalt  }
0x5e: {  	_ =	shalt  }
0x5f: {  	_ =	shalt  }
0x60: {  	_ =	shalt  }
0x61: {  	_ =	shalt  }
0x62: {  	_ =	shalt  }
0x63: {  	_ =	shalt  }
0x64: {  	_ =	shalt  }
0x65: {  	_ =	shalt  }
0x66: {  	_ =	shalt  }
0x67: {  	_ =	shalt  }
0x68: {  	_ =	shalt  }
0x69: {  	_ =	shalt  }
0x6a: {  	_ =	shalt  }
0x6b: {  	_ =	shalt  }
0x6c: {  	_ =	shalt  }
0x6d: {  	_ =	shalt  }
0x6e: {  	_ =	shalt  }
0x6f: {  	_ =	shalt  }
0x70: {  	_ =	shalt  }
0x71: {  	_ =	shalt  }
0x72: {  	_ =	shalt  }
0x73: {  	_ =	shalt  }
0x74: {  	_ =	shalt  }
0x75: {  	_ =	shalt  }
0x76: {  	_ =	shalt  }
0x77: {  	_ =	shalt  }
0x78: {  	_ =	shalt  }
0x79: {  	_ =	shalt  }
0x7a: {  	_ =	shalt  }
0x7b: {  	_ =	shalt  }
0x7c: {  	_ =	shalt  }
0x7d: {  	_ =	shalt  }
0x7e: {  	_ =	shalt  }
0x7f: {  	_ =	shalt  }
0x80: {  	_ =	shalt  }
0x81: {  	_ =	shalt  }
0x82: {  	_ =	shalt  }
0x83: {  	_ =	shalt  }
0x84: {  	_ =	shalt  }
0x85: {  	_ =	shalt  }
0x86: {  	_ =	shalt  }
0x87: {  	_ =	shalt  }
.Lfunc_end0:
.L_simem_size_0:
called_computation_lowered:
.L_overlay_start_0:
0x88: {  	s2 =	sld [smem:$0x3FD9]  }
0x89: {  	s3 =	sld [smem:$0x3FFE];
	_ =	sdelay $0x1  }
0x8a: {  	s1 =	srdreg.scid  }
0x8b: {  	s0 =	sand.u32 $0x1, s1  }
0x8c: {  	s16 =	sshll.u32 s0, $0xA;
	s2 =	sadd.s32 s3, s2  }
0x8d: {  	s2 =	sadd.s32 s2, s16  }
0x8e: {  	[smem:$0x3FB6] =	sst s2  }
0x8f: {  	_ = 	snop  }
0x90: {  	(tm) =	ssettm $0x1  }
0x91: {  	s17 =	sld [smem:$0x3FFB];
	_ =	sdelay $0x3  }
0x92: {  	_ =	strace s17  }
0x93: {  	s2 =	sld [smem:$0x3FFC];
	_ =	sdelay $0x3  }
0x94: {  	_ =	strace s2  }
0x95: {  	s2 =	sld [smem:$0x3FFD];
	_ =	sdelay $0x3  }
0x96: {  	_ =	strace s2  }
0x97: {  	_ =	strace $0x8FFFFFFF  }
0x98: {  	s18 =	sld [smem:$0x3FDB];
	_ =	sdelay $0x1  }
0x99: {  	s19 =	simm.s32 $_scs_section_size  }
0x9a: {  	s4 =	simm.s32 $_size__tile_overlayer_lowered;
	s5 =	simm.s32 $_tile_overlayer_lowered  }
0x9b: {  	s22 =	simm.s32 $0x1BFF;
	s21 =	sshll.u32 s5, $0x1;
	s2 =	sadd.s32 s19, s18  }
0x9c: {  	s6 =	simm.s32 $0x0;
	s20 =	sshll.u32 s4, $0x1;
	s4 =	sadd.s32 s21, s2  }
0x9d: {  	[timem:s6], [sflag:s22] =	dma.local [hbm:s4], s20  }
0x9e: {  	_ =	swait.ge [sflag:s22], s20  }
0x9f: {  	s3 =	ssub.s32 $0x0, s20;
	[sflag:s22] =	ssyncset.done $0x0  }
0xa0: {  	[sflag:s22] =	ssyncadd.s32 s3;
	_ =	sdelay $0x1  }
0xa1: {  	s23 =	simm.s32 $0x1B8B  }
0xa2: {  	_ =	swait.ge [sflag:s23], $0x1  }
0xa3: {  	[sflag:s23] =	ssyncset.done $0x0  }
0xa4: {  	s25 =	simm.s32 $0x1B8E;
	s24 =	sld [smem:$0x3FFE];
	[sflag:s23] =	ssyncadd.s32 $0xFFFFFFFF  }
0xa5: {  	s26 =	simm.s32 $execute0_lowered;
	[smem:$0x3FD2] =	sst s25  }
0xa6: {  	s4 =	sshll.u32 s26, $0x1;
	_ =	strace $0x80000046;
	[dreg:$0x1] =	wrdreg $0xFFFFFFFF  }
0xa7: {  	s28 =	simm.s32 $_size_execute0_lowered;
	s2 =	sadd.s32 s2, s4;
	[dreg:$0x0] =	wrdreg $0x0  }
0xa8: {  	s4 =	sshll.u32 s28, $0x1;
	[dreg:$0x2] =	wrdreg s2  }
0xa9: {  	[dreg:$0x3] =	wrdreg s4  }
0xaa: {  	[dreg:$0x4] =	wrdreg $0xC0  }
0xab: {  	_ =	task [dreg:s6], $0x5FFFF  }
0xac: {  	[dreg:$0x1] =	wrdreg $0xFFFFFFFF  }
0xad: {  	[dreg:$0x0] =	wrdreg $0x60  }
0xae: {  	[dreg:$0x2] =	wrdreg s24  }
0xaf: {  	[dreg:$0x3] =	wrdreg $0xE800  }
0xb0: {  	[dreg:$0x4] =	wrdreg $0x9  }
0xb1: {  	_ =	task.clear_ibuf [dreg:s6], $0x5FFFF;
	_ =	strace $0x90000046  }
0xb2: {  	s29 =	simm.s32 $0x9;
	_ =	strace $0x80000048  }
0xb3: {  	_ =	swait.ge [sflag:s29], $0x1  }
0xb4: {  	[sflag:s29] =	ssyncadd.s32 $0xFFFFFFFF  }
0xb5: {  	_ =	strace $0x90000048  }
0xb6: {  	_ =	sfence  }
0xb7: {  	s30 =	sld [smem:$0x0];
	_ =	sdelay $0x2  }
0xb8: {  	s31 =	sshll.u32 s1, $0xD;
	s1 =	sshrl.u32 s1, $0x2  }
0xb9: {  	s3 =	sand.u32 $0x4000, s31;
	s1 =	sadd.s32 s1, s30  }
0xba: {  	s0 =	sor.u32 s3, s0;
	s1 =	sshll.u32 s1, $0x11  }
0xbb: {  	s0 =	sor.u32 s1, s0  }
0xbc: {  	s0 =	sadd.s32 $0x8F2B, s0  }
0xbd: {  	[sflag:s0] =	ssyncadd.remote.s32 $0x1  }
0xbe: {  	_ =	sfence.sel $0xFFFF  }
0xbf: {  	[dreg:$0x0] =	wrdreg $0xFFFFFFFF;
	(pc) =	sbr.abs _section_cstart, $3  }
0xc0: {  	[dreg:$0x1] =	wrdreg $0xFFFFFFFF  }
0xc1: {  	_ =	task.clear_ibuf [dreg:s6], $0x2FFFF;
	_ =	strace $0x9FFFFFFF  }
0xc2: {  	(tm) =	ssettm $0x7FFFFFFF  }
0xc3: {  	_ =	shalt  }
tec
execute0_lowered:
.L_overlay_start_1:
0x0: {  	(tag) =	ssettag $0x1  }
0x1: {  	s0 =	rddreg [dreg:$0x0]  }
0x2: {  	s2 =	rddreg [dreg:$0x1]  }
0x3: {  	s1 =	srdreg.scid;
	s12 =	stileid.u32  }
0x4: {  	s3 =	simm.s32 $0x0;
	s28 =	simm.s32 $0x4;
	s29 =	simm.s32 $0x5  }
0x5: {  	s30 =	simm.s32 $0x6;
	s31 =	simm.s32 $0x7;
	s5 =	smul.u32 $0x1F40, s12  }
0x6: {  	s1 =	sand.u32 $0x1, s1;
	[smem:$0x7FF] =	sst s3;
	s9 =	smul.u32 $0xA000, s12  }
0x7: {  	s4 =	sadd.s32 $0x4A00, s0;
	p0 =	seq.s32 s12, $0xF;
	s14 =	smul.u32 $0xA0, s12  }
0x8: {  	s19 =	smul.u32 $0x3E8, s12;
	p1 =	sgt.u32 s12, $0x9;
	s6 =	ssub.s32 $0x2, s1  }
0x9: {  	s7 =	smul.u32 $0x9C400, s1;
	_ =	strace $0x80000047;
	s8 =	sshrl.u32 s6, $0x1  }
0xa: {  	s5 =	sshrl.u32 s5, $0x2;
	s21 =	sadd.s32 s19, s2;
	s6 =	ssub.s32 s6, s8  }
0xb: {  	s8 =	simm.s32 $0x64;
	s5 =	sadd.s32 s5, s2;
	[dreg:$0x9] =	wrdreg s21  }
0xc: {  	s7 =	sadd.s32 s9, s7;
	s21 =	simm.s32 $0x100;
	[dreg:$0x3] =	wrdreg s5  }
0xd: {  	s8 =	simm.s32 @!p0 $0xA0;
	s13 =	sshrl.u32 s7, $0x3;
	s15 =	sor.u32 $0x100, s7  }
0xe: {  	s10 =	sor.u32 $0x200, s7;
	s11 =	sor.u32 $0x300, s7;
	p0 =	seq.s32 s1, $0x1  }
0xf: {  	s1 =	simm.s32 $0x2C200;
	s6 =	smax.u32 s6, $0x1;
	s22 =	sadd.s32 $0x700, s7  }
0x10: {  	s23 =	sadd.s32 $0x600, s7;
	s24 =	sadd.s32 $0x500, s7;
	s5 =	sadd.s32 s4, s13  }
0x11: {  	s16 =	sshrl.u32 s10, $0x3;
	s17 =	sshrl.u32 s11, $0x3;
	s20 =	sshrl.u32 s8, $0x2  }
0x12: {  	s1 =	simm.s32 @!p0 $0x2BC00;
	[dreg:$0xa] =	wrdreg s6;
	s13 =	sadd.s32 s8, s14  }
0x13: {  	s25 =	sshrl.u32 s23, $0x3;
	s26 =	sshrl.u32 s24, $0x3;
	p0 =	sgt.u32 s12, $0x4  }
0x14: {  	s23 =	simm.s32 $0x1;
	s24 =	simm.s32 $0x200;
	[dreg:$0x4] =	wrdreg s5  }
0x15: {  	s5 =	sshrl.u32 s15, $0x3;
	s18 =	sadd.s32 s4, s17;
	[dreg:$0x8] =	wrdreg s20  }
0x16: {  	s0 =	sadd.s32 s1, s0;
	s15 =	sor.u32 $0x7, s14;
	s17 =	sadd.s32 s25, s4  }
0x17: {  	s20 =	simm.s32 $0x80;
	s5 =	sadd.s32 s4, s5;
	[dreg:$0x7] =	wrdreg s18  }
0x18: {  	s25 =	simm.s32 $0x2;
	[dreg:$0x5] =	wrdreg s5;
	s5 =	sadd.s32 s4, s16  }
0x19: {  	s1 =	simm.s32 $0x0;
	[dreg:$0x6] =	wrdreg s5;
	s5 =	sshrl.u32 s19, $0x3  }
0x1a: {  	s18 =	sadd.s32 s26, s4;
	s26 =	simm.s32 $0x3;
	s0 =	sadd.s32 s0, s5  }
0x1b: {  	s19 =	sadd.s32 $0x400, s7;
	[dreg:$0xb] =	wrdreg s0;
	s0 =	sshrl.u32 s22, $0x3  }
0x1c: {  	v0 =	vimm.f32 $1.000000000e+00;
	v1 =	vimm.f32 $0.0e+00;
	s22 =	simm.s32 $0x180;
	s11 =	sadd.s32 s0, s4;
	s0 =	simm.s32 $0x8  }
.LBB2_1:
0x1d: {  	[tilespmem:$0x200] =	vst v0  }
0x1e: {  	[tilespmem:$0x210] =	vst v0  }
0x1f: {  	[tilespmem:$0x220] =	vst v0  }
0x20: {  	[tilespmem:$0x230] =	vst v0  }
0x21: {  	[tilespmem:$0x240] =	vst v0  }
0x22: {  	[tilespmem:$0x250] =	vst v0  }
0x23: {  	[tilespmem:$0x260] =	vst v0  }
0x24: {  	[tilespmem:$0x270] =	vst v0;
	s5 =	simm.s32 $0x40;
	s6 =	simm.s32 $0x0  }
.LBB2_2:
0x25: {  	p2 =	sne.s32 s5, $0x1F00;
	[tilespmem:s6+$0x280] =	vst v1;
	s6 =	smov.u32 s5;
	s5 =	sadd.s32 $0x40, s5  }
.Ltmp0:
0x26: {  	(pc) =	sbr.rel @p2 .LBB2_2-.Ltmp0, $2  }
0x27: {  	_ =	sdelay $0x2  }
0x28: {  	s6 =	sshra.s32 s6, $0x2  }
0x29: {  	[tilespmem:s6+$0x280] =	vst v1;
	s5 =	simm.s32 @!p0 $0x280;
	s6 =	rddreg [dreg:$0x3]  }
0x2a: {  	[spmem:s6] =	stream.linear.scatter @!p0 [tilespmem:s5], [sflag:$0x9], $0x7D0, $0x38;
	[tilespmem:$0x10F8] =	vst v63  }
0x2b: {  	s5 =	simm.s32 @!p0 $0x9  }
0x2c: {  	_ =	swait.ge @!p0 [sflag:s5], $0x7D0  }
0x2d: {  	[sflag:s5] =	ssyncset.done @!p0 $0x0  }
0x2e: {  	[sflag:s5] =	ssyncadd.s32 @!p0 $0xFFFFF830  }
0x2f: {  	[bflag:$0x0] =	sbarrier.arrive $0xFFFF  }
0x30: {  	s6 =	rddreg [dreg:$0x4]  }
0x31: {  	[tilespmem:s3], [sflag:$0x1] =	stream.linear.gather [hbm4b:s6+s3], $0x80, $0x38;
	[tilespmem:$0x10F8] =	vst v63  }
0x32: {  	s7 =	rddreg [dreg:$0x5]  }
0x33: {  	[tilespmem:s20], [sflag:$0x2] =	stream.linear.gather [hbm4b:s7+s3], $0x80, $0x38;
	[tilespmem:$0x10F8] =	vst v63  }
0x34: {  	s8 =	rddreg [dreg:$0x6]  }
0x35: {  	[tilespmem:s21], [sflag:$0x3] =	stream.linear.gather [hbm4b:s8+s3], $0x80, $0x38;
	[tilespmem:$0x10F8] =	vst v63  }
0x36: {  	s9 =	rddreg [dreg:$0x7]  }
0x37: {  	[tilespmem:s22], [sflag:$0x4] =	stream.linear.gather [hbm4b:s9+s3], $0x80, $0x38;
	[tilespmem:$0x10F8] =	vst v63  }
0x38: {  	_ =	swait.ge [sflag:s23], $0x80  }
0x39: {  	[sflag:s23] =	ssyncset.done $0x0  }
0x3a: {  	[sflag:s23] =	ssyncadd.s32 $0xFFFFFF80  }
0x3b: {  	[spmem:s2] =	stream.indirect.scatter.add.f32 [tilespmem:s24], [sflag:$0x5], $0x1, s3, s20, $0xb8;
	[tilespmem:$0x10F8] =	vst v63  }
0x3c: {  	_ =	swait.ge [sflag:s25], $0x80  }
0x3d: {  	[sflag:s25] =	ssyncset.done $0x0  }
0x3e: {  	[sflag:s25] =	ssyncadd.s32 $0xFFFFFF80  }
0x3f: {  	[spmem:s2] =	stream.indirect.scatter.add.f32 [tilespmem:s24], [sflag:$0x6], $0x1, s20, s20, $0xb8;
	[tilespmem:$0x10F8] =	vst v63  }
0x40: {  	_ =	swait.ge [sflag:s26], $0x80  }
0x41: {  	[sflag:s26] =	ssyncset.done $0x0  }
0x42: {  	[sflag:s26] =	ssyncadd.s32 $0xFFFFFF80  }
0x43: {  	[spmem:s2] =	stream.indirect.scatter.add.f32 [tilespmem:s24], [sflag:$0x7], $0x1, s21, s20, $0xb8;
	[tilespmem:$0x10F8] =	vst v63  }
0x44: {  	_ =	swait.ge [sflag:s28], $0x80  }
0x45: {  	[sflag:s28] =	ssyncset.done $0x0  }
0x46: {  	s10 =	sadd.s32 $0xFFFFFFFD, s15;
	s14 =	sadd.s32 $0xFFFFFFFE, s15;
	[sflag:s28] =	ssyncadd.s32 $0xFFFFFF80  }
0x47: {  	[spmem:s2] =	stream.indirect.scatter.add.f32 [tilespmem:s24], [sflag:$0x8], $0x1, s22, s20, $0xb8;
	[tilespmem:$0x10F8] =	vst v63  }
0x48: {  	s16 =	sadd.s32 $0xFFFFFFFF, s15;
	p2 =	sge.u32 s10, s13;
	_ =	swait.ge [sflag:s29], $0x80  }
0x49: {  	p3 =	sge.u32 s14, s13;
	s5 =	sshrl.u32 @!p2 s19, $0x3;
	[sflag:s29] =	ssyncset.done $0x0  }
0x4a: {  	s5 =	sadd.s32 @!p2 s4, s5;
	s6 =	simm.s32 @!p2 $0x0;
	[sflag:s29] =	ssyncadd.s32 $0xFFFFFF80  }
0x4b: {  	[tilespmem:s6], [sflag:$0x1] =	stream.linear.gather @!p2 [hbm4b:s5+s6], $0x80, $0x38;
	[tilespmem:$0x10F8] =	vst v63  }
0x4c: {  	s10 =	sadd.s32 $0x4, s15;
	s12 =	rddreg [dreg:$0x8];
	_ =	swait.ge [sflag:s30], $0x80  }
0x4d: {  	s7 =	simm.s32 @!p3 $0x80;
	s5 =	sadd.s32 $0xFFFFFFFF, s12;
	[sflag:s30] =	ssyncset.done $0x0  }
0x4e: {  	s6 =	simm.s32 @!p3 $0x0;
	p2 =	sne.s32 s5, $0x0;
	[sflag:s30] =	ssyncadd.s32 $0xFFFFFF80  }
0x4f: {  	[tilespmem:s7], [sflag:$0x2] =	stream.linear.gather @!p3 [hbm4b:s18+s6], $0x80, $0x38;
	[tilespmem:$0x10F8] =	vst v63  }
0x50: {  	s6 =	sadd.s32 $0x400, s19;
	p3 =	sge.u32 s16, s13;
	_ =	swait.ge [sflag:s31], $0x80  }
0x51: {  	s7 =	sadd.s32 $0x80, s18;
	s8 =	simm.s32 @!p3 $0x0;
	[sflag:s31] =	ssyncset.done $0x0  }
.Ltmp1:
0x52: {  	s9 =	simm.s32 @!p3 $0x100;
	[sflag:s31] =	ssyncadd.s32 $0xFFFFFF80;
	(pc) =	sbr.rel @!p2 .LBB2_5-.Ltmp1, $4  }
0x53: {  	[tilespmem:s9], [sflag:$0x3] =	stream.linear.gather @!p3 [hbm4b:s17+s8], $0x80, $0x38;
	[tilespmem:$0x10F8] =	vst v63  }
0x54: {  	s16 =	smov.u32 s11;
	s8 =	sadd.s32 $0x80, s11;
	_ =	swait.ge [sflag:s0], $0x80  }
0x55: {  	s9 =	sadd.s32 $0x80, s17;
	p3 =	sge.u32 s15, s13;
	[sflag:s0] =	ssyncset.done $0x0  }
0x56: {  	s12 =	simm.s32 @!p3 $0x0;
	s14 =	simm.s32 @!p3 $0x180;
	[sflag:s0] =	ssyncadd.s32 $0xFFFFFF80  }
.LBB2_4:
0x57: {  	[tilespmem:s14], [sflag:$0x4] =	stream.linear.gather @!p3 [hbm4b:s16+s12], $0x80, $0x38;
	[tilespmem:$0x10F8] =	vst v63  }
0x58: {  	s5 =	sadd.s32 $0xFFFFFFFF, s5;
	s16 =	smov.u32 s8  }
0x59: {  	p2 =	sne.s32 s5, $0x0;
	_ =	swait.ge [sflag:s23], $0x80  }
0x5a: {  	[sflag:s23] =	ssyncset.done $0x0  }
0x5b: {  	[sflag:s23] =	ssyncadd.s32 $0xFFFFFF80  }
0x5c: {  	[spmem:s2] =	stream.indirect.scatter.add.f32 [tilespmem:s24], [sflag:$0x5], $0x1, s3, s20, $0xb8;
	[tilespmem:$0x10F8] =	vst v63  }
0x5d: {  	_ =	swait.ge [sflag:s25], $0x80  }
0x5e: {  	[sflag:s25] =	ssyncset.done $0x0  }
0x5f: {  	[sflag:s25] =	ssyncadd.s32 $0xFFFFFF80  }
0x60: {  	[spmem:s2] =	stream.indirect.scatter.add.f32 [tilespmem:s24], [sflag:$0x6], $0x1, s20, s20, $0xb8;
	[tilespmem:$0x10F8] =	vst v63  }
0x61: {  	_ =	swait.ge [sflag:s26], $0x80  }
0x62: {  	[sflag:s26] =	ssyncset.done $0x0  }
0x63: {  	[sflag:s26] =	ssyncadd.s32 $0xFFFFFF80  }
0x64: {  	[spmem:s2] =	stream.indirect.scatter.add.f32 [tilespmem:s24], [sflag:$0x7], $0x1, s21, s20, $0xb8;
	[tilespmem:$0x10F8] =	vst v63  }
0x65: {  	_ =	swait.ge [sflag:s28], $0x80  }
0x66: {  	[sflag:s28] =	ssyncset.done $0x0  }
0x67: {  	s12 =	sadd.s32 $0xFFFFFFFD, s10;
	[sflag:s28] =	ssyncadd.s32 $0xFFFFFF80  }
0x68: {  	[spmem:s2] =	stream.indirect.scatter.add.f32 [tilespmem:s24], [sflag:$0x8], $0x1, s22, s20, $0xb8;
	[tilespmem:$0x10F8] =	vst v63  }
0x69: {  	p3 =	sge.u32 s12, s13;
	_ =	swait.ge [sflag:s29], $0x80  }
0x6a: {  	s12 =	sshrl.u32 @!p3 s6, $0x3;
	[sflag:s29] =	ssyncset.done $0x0  }
0x6b: {  	s14 =	simm.s32 @!p3 $0x0;
	s12 =	sadd.s32 @!p3 s4, s12;
	[sflag:s29] =	ssyncadd.s32 $0xFFFFFF80  }
0x6c: {  	[tilespmem:s14], [sflag:$0x1] =	stream.linear.gather @!p3 [hbm4b:s12+s14], $0x80, $0x38;
	[tilespmem:$0x10F8] =	vst v63  }
0x6d: {  	s12 =	sadd.s32 $0xFFFFFFFE, s10;
	_ =	swait.ge [sflag:s30], $0x80  }
0x6e: {  	p3 =	sge.u32 s12, s13;
	[sflag:s30] =	ssyncset.done $0x0  }
0x6f: {  	s12 =	simm.s32 @!p3 $0x0;
	s14 =	simm.s32 @!p3 $0x80;
	[sflag:s30] =	ssyncadd.s32 $0xFFFFFF80  }
0x70: {  	[tilespmem:s14], [sflag:$0x2] =	stream.linear.gather @!p3 [hbm4b:s7+s12], $0x80, $0x38;
	[tilespmem:$0x10F8] =	vst v63  }
0x71: {  	s12 =	sadd.s32 $0xFFFFFFFF, s10  }
0x72: {  	s6 =	sadd.s32 $0x400, s6;
	_ =	swait.ge [sflag:s31], $0x80;
	p3 =	sge.u32 s12, s13  }
0x73: {  	s7 =	sadd.s32 $0x80, s7;
	[sflag:s31] =	ssyncset.done $0x0;
	s12 =	simm.s32 @!p3 $0x0  }
.Ltmp2:
0x74: {  	s14 =	simm.s32 @!p3 $0x100;
	[sflag:s31] =	ssyncadd.s32 $0xFFFFFF80;
	(pc) =	sbr.rel @p2 .LBB2_4-.Ltmp2, $4  }
0x75: {  	[tilespmem:s14], [sflag:$0x3] =	stream.linear.gather @!p3 [hbm4b:s9+s12], $0x80, $0x38;
	[tilespmem:$0x10F8] =	vst v63  }
0x76: {  	s8 =	sadd.s32 $0x80, s8;
	s9 =	sadd.s32 $0x80, s9;
	_ =	swait.ge [sflag:s0], $0x80  }
0x77: {  	p3 =	sge.u32 s10, s13;
	s10 =	sadd.s32 $0x4, s10;
	[sflag:s0] =	ssyncset.done $0x0  }
0x78: {  	s12 =	simm.s32 @!p3 $0x0;
	s14 =	simm.s32 @!p3 $0x180;
	[sflag:s0] =	ssyncadd.s32 $0xFFFFFF80  }
.LBB2_5:
0x79: {  	[tilespmem:s14], [sflag:$0x4] =	stream.linear.gather @!p3 [hbm4b:s16+s12], $0x80, $0x38;
	[tilespmem:$0x10F8] =	vst v63  }
0x7a: {  	[bflag:$0x0] =	sbarrier.arrive $0xFFFF  }
0x7b: {  	s5 =	simm.s32 @!p1 $0xA80;
	s6 =	rddreg [dreg:$0x9]  }
0x7c: {  	[tilespmem:s5], [sflag:$0x9] =	stream.linear.gather @!p1 [spmem:s6], $0x3E8, $0x38;
	[tilespmem:$0x10F8] =	vst v63  }
0x7d: {  	s6 =	simm.s32 @!p1 $0x9  }
0x7e: {  	_ =	swait.ge @!p1 [sflag:s6], $0x3E8  }
0x7f: {  	[sflag:s6] =	ssyncset.done @!p1 $0x0  }
0x80: {  	s7 =	simm.s32 @!p1 $0x0;
	s8 =	rddreg [dreg:$0xb];
	[sflag:s6] =	ssyncadd.s32 @!p1 $0xFFFFFC18  }
0x81: {  	[hbm4b:s8+s7] =	stream.linear.scatter @!p1 [tilespmem:s5], [sflag:$0x9], $0x3E8, $0x38;
	[tilespmem:$0x10F8] =	vst v63  }
0x82: {  	_ =	swait.ge @!p1 [sflag:s6], $0x3E8  }
0x83: {  	s1 =	sadd.s32 $0x1, s1;
	s16 =	rddreg [dreg:$0xa]  }
0x84: {  	p2 =	sne.s32 s1, s16  }
.Ltmp3:
0x85: {  	_ = 	snop;
	(pc) =	sbr.rel @p2 .LBB2_1-.Ltmp3, $3  }
0x86: {  	_ =	sdelay $0x1  }
0x87: {  	[sflag:s6] =	ssyncset.done @!p1 $0x0  }
0x88: {  	[sflag:s6] =	ssyncadd.s32 @!p1 $0xFFFFFC18  }
0x89: {  	_ =	sfence.sel $0x180000  }
0x8a: {  	[bflag:$0x0] =	sbarrier.arrive $0xFFFF  }
0x8b: {  	_ =	strace $0x90000047  }
0x8c: {  	s0 =	stileid.u32;
	[bflag:$0x2] =	sbarrier.arrive $0xFFFF  }
0x8d: {  	p0 =	sne.s32 s0, $0x0;
	s0 =	rddreg [dreg:$0x2]  }
0x8e: {  	s0 =	sadd.s32 @!p0 $0x100000, s0  }
0x8f: {  	[sflag:s0] =	ssyncadd.tile.s32 @!p0 $0x1;
	_ =	shalt  }
.Lfunc_end2:
_tile_overlayer_lowered:
.L_overlay_start_2:
0x90: {  	(tag) =	ssettag $0x2  }
0x91: {  	s0 =	rddreg [dreg:$0x0];
	s2 =	stileid.u32  }
0x92: {  	s1 =	rddreg [dreg:$0x1];
	p0 =	sne.s32 s2, $0x0  }
0x93: {  	s3 =	rddreg [dreg:$0x2];
	[bflag:$0x3] =	sbarrier.arrive $0xFFFF;
	s2 =	simm.s32 @!p0 $0x1C09  }
0x94: {  	[timem:s3], [sflag:s2] =	dma.local @!p0 [hbm:s0], s1  }
0x95: {  	s0 =	simm.s32 @!p0 $0x9  }
0x96: {  	_ =	swait.ge @!p0 [sflag:s0], s1  }
0x97: {  	s1 =	ssub.s32 @!p0 $0x0, s1;
	[sflag:s0] =	ssyncset.done @!p0 $0x0  }
0x98: {  	[sflag:s0] =	ssyncadd.s32 @!p0 s1  }
0x99: {  	[bflag:$0x3] =	sbarrier.arrive $0xFFFF  }
0x9a: {  	_ =	shalt  }

// kernel: kernel.9.cloned.1.call-start
scs
__scs_entry_jumppad:
0x0: {  	(pc) =	sbr.rel $0x88, $3  }
0x1: {  	(tag) =	ssettag $0x0;
	lr =	simm.s32 $0x1  }
0x2: {  	[smem:$0x3F8F] =	sst lr;
	_ =	strace $0xD0000000  }
0x3: {  	_ = 	snop  }
0x4: {  	_ = 	snop  }
0x5: {  	_ = 	snop  }
0x6: {  	_ = 	snop  }
0x7: {  	_ = 	snop  }
__scs_overlays_trampoline_lowered:
0x8: {  	[smem:$0x3F9E] =	sst s0  }
0x9: {  	[smem:$0x3F9F] =	sst s1  }
0xa: {  	[smem:$0x3FA0] =	sst s2  }
0xb: {  	[smem:$0x3FA1] =	sst s3  }
0xc: {  	[smem:$0x3FA2] =	sst s4  }
0xd: {  	[smem:$0x3FA3] =	sst s5  }
0xe: {  	[smem:$0x3FA4] =	sst s6  }
0xf: {  	[smem:$0x3FA5] =	sst s7  }
0x10: {  	[smem:$0x3FA6] =	sst s8  }
0x11: {  	[smem:$0x3FA7] =	sst s9;
	s0 =	simm.s32 @!p0 $0x0  }
0x12: {  	s1 =	sld [smem:$0x3F8D];
	s0 =	simm.s32 @p0 $0x1  }
0x13: {  	[smem:$0x3FA8] =	sst s0;
	s0 =	simm.s32 @!p1 $0x0  }
0x14: {  	s2 =	sld [smem:$0x3F8C];
	s0 =	simm.s32 @p1 $0x1  }
0x15: {  	[smem:$0x3FA9] =	sst s0;
	s0 =	simm.s32 @!p2 $0x0  }
0x16: {  	s3 =	sld [smem:$0x3FDB];
	s0 =	simm.s32 @p2 $0x1  }
0x17: {  	s4 =	simm.s32 $0x1BF5;
	[smem:$0x3FAB] =	sst s0  }
0x18: {  	s0 =	sld [smem:$0x3F8E];
	_ =	swait.ge [sflag:s4], $0x0  }
0x19: {  	s7 =	sld [smem:$0x3F8F]  }
0x1a: {  	s8 =	sadd.s32 $0xFFFFE003, lr  }
0x1b: {  	s9 =	sadd.s32 $0xFFFFFEF7, lr;
	s5 =	simm.s32 $0xFFFFFFFF;
	p2 =	slt.u32 s8, $0xFFFFF086  }
0x1c: {  	p1 =	slt.u32 s9, $0xF7A;
	s5 =	simm.s32 @!p2 $0x0  }
0x1d: {  	s5 =	simm.s32 @p1 $0x1;
	p0 =	seq.s32 s7, s2  }
0x1e: {  	s7 =	smul.u32 @!p0 $0xF7A, s2;
	p2 =	seq.s32 @!p0 s5, $0x0  }
0x1f: {  	s9 =	smul.u32 $0xF7A, s1;
	s8 =	simm.s32 @!p0 $0x1BF5;
	p2 =	por !p2, p0  }
0x20: {  	[sflag:s8] =	ssyncset.s32 @!p0 $0xFFFFF086;
	s6 =	sadd.s32 @!p0 s3, s7;
	s7 =	simm.s32 @!p0 $0x108  }
0x21: {  	s3 =	sadd.s32 s3, s9;
	s6 =	sadd.s32 @!p0 $0x88, s6;
	s7 =	simm.s32 @p2 $0x1082  }
0x22: {  	[simem:s7], [sflag:s8] =	dma.local @!p0 [hbm:s6], $0xF7A  }
0x23: {  	s9 =	sor.u32 $0xD0000000, s2;
	s6 =	simm.s32 $0x108;
	_ =	swait.ge @!p0 [sflag:s8], $0x0  }
0x24: {  	s3 =	sadd.s32 $0x88, s3;
	s6 =	simm.s32 @!p1 $0x1082;
	[sflag:s4] =	ssyncset.s32 $0xFFFFF086  }
0x25: {  	[simem:s6], [sflag:s4] =	dma.local [hbm:s3], $0xF7A  }
0x26: {  	[smem:$0x3F8F] =	sst s1;
	(tag) =	ssettag s2;
	_ =	strace s9  }
0x27: {  	s1 =	sld [smem:$0x3F9F]  }
0x28: {  	s2 =	sld [smem:$0x3FA0]  }
0x29: {  	s4 =	sld [smem:$0x3FA2]  }
0x2a: {  	p0 =	seq.s32 s5, $0x0;
	s5 =	sld [smem:$0x3FA3]  }
0x2b: {  	s6 =	sld [smem:$0x3FA4]  }
0x2c: {  	s7 =	sld [smem:$0x3FA5]  }
0x2d: {  	s3 =	simm.s32 $0x108;
	s8 =	sld [smem:$0x3FA6]  }
0x2e: {  	s3 =	simm.s32 @!p0 $0x1082;
	s9 =	sld [smem:$0x3FA7]  }
0x2f: {  	lr =	sadd.s32 s0, s3;
	s0 =	sld [smem:$0x3F9E]  }
0x30: {  	s3 =	sld [smem:$0x3FA1]  }
0x31: {  	[smem:$0x3FAA] =	sst s10  }
0x32: {  	s10 =	sld [smem:$0x3FA8];
	_ =	sdelay $0x3  }
0x33: {  	p0 =	seq.s32 s10, $0x1;
	s10 =	sld [smem:$0x3FAA];
	_ =	sdelay $0x3  }
0x34: {  	[smem:$0x3FAA] =	sst s10  }
0x35: {  	s10 =	sld [smem:$0x3FA9];
	_ =	sdelay $0x3  }
0x36: {  	p1 =	seq.s32 s10, $0x1;
	s10 =	sld [smem:$0x3FAA];
	_ =	sdelay $0x3  }
0x37: {  	[smem:$0x3FAA] =	sst s10  }
0x38: {  	s10 =	sld [smem:$0x3FAB]  }
0x39: {  	_ = 	snop;
	(pc) =	sbr.ind lr, $3  }
0x3a: {  	_ = 	snop  }
0x3b: {  	_ = 	snop  }
0x3c: {  	p2 =	seq.s32 s10, $0x1;
	s10 =	sld [smem:$0x3FAA]  }
0x3d: {  	_ =	shalt  }
0x3e: {  	_ =	shalt  }
0x3f: {  	_ =	shalt  }
0x40: {  	_ =	shalt  }
0x41: {  	_ =	shalt  }
0x42: {  	_ =	shalt  }
0x43: {  	_ =	shalt  }
0x44: {  	_ =	shalt  }
0x45: {  	_ =	shalt  }
0x46: {  	_ =	shalt  }
0x47: {  	_ =	shalt  }
0x48: {  	_ =	shalt  }
0x49: {  	_ =	shalt  }
0x4a: {  	_ =	shalt  }
0x4b: {  	_ =	shalt  }
0x4c: {  	_ =	shalt  }
0x4d: {  	_ =	shalt  }
0x4e: {  	_ =	shalt  }
0x4f: {  	_ =	shalt  }
0x50: {  	_ =	shalt  }
0x51: {  	_ =	shalt  }
0x52: {  	_ =	shalt  }
0x53: {  	_ =	shalt  }
0x54: {  	_ =	shalt  }
0x55: {  	_ =	shalt  }
0x56: {  	_ =	shalt  }
0x57: {  	_ =	shalt  }
0x58: {  	_ =	shalt  }
0x59: {  	_ =	shalt  }
0x5a: {  	_ =	shalt  }
0x5b: {  	_ =	shalt  }
0x5c: {  	_ =	shalt  }
0x5d: {  	_ =	shalt  }
0x5e: {  	_ =	shalt  }
0x5f: {  	_ =	shalt  }
0x60: {  	_ =	shalt  }
0x61: {  	_ =	shalt  }
0x62: {  	_ =	shalt  }
0x63: {  	_ =	shalt  }
0x64: {  	_ =	shalt  }
0x65: {  	_ =	shalt  }
0x66: {  	_ =	shalt  }
0x67: {  	_ =	shalt  }
0x68: {  	_ =	shalt  }
0x69: {  	_ =	shalt  }
0x6a: {  	_ =	shalt  }
0x6b: {  	_ =	shalt  }
0x6c: {  	_ =	shalt  }
0x6d: {  	_ =	shalt  }
0x6e: {  	_ =	shalt  }
0x6f: {  	_ =	shalt  }
0x70: {  	_ =	shalt  }
0x71: {  	_ =	shalt  }
0x72: {  	_ =	shalt  }
0x73: {  	_ =	shalt  }
0x74: {  	_ =	shalt  }
0x75: {  	_ =	shalt  }
0x76: {  	_ =	shalt  }
0x77: {  	_ =	shalt  }
0x78: {  	_ =	shalt  }
0x79: {  	_ =	shalt  }
0x7a: {  	_ =	shalt  }
0x7b: {  	_ =	shalt  }
0x7c: {  	_ =	shalt  }
0x7d: {  	_ =	shalt  }
0x7e: {  	_ =	shalt  }
0x7f: {  	_ =	shalt  }
0x80: {  	_ =	shalt  }
0x81: {  	_ =	shalt  }
0x82: {  	_ =	shalt  }
0x83: {  	_ =	shalt  }
0x84: {  	_ =	shalt  }
0x85: {  	_ =	shalt  }
0x86: {  	_ =	shalt  }
0x87: {  	_ =	shalt  }
.Lfunc_end0:
.L_simem_size_0:
called_computation.1_lowered:
.L_overlay_start_0:
0x88: {  	s2 =	sld [smem:$0x3FD9]  }
0x89: {  	s3 =	sld [smem:$0x3FFE];
	_ =	sdelay $0x1  }
0x8a: {  	s1 =	srdreg.scid  }
0x8b: {  	s0 =	sand.u32 $0x1, s1  }
0x8c: {  	s16 =	sshll.u32 s0, $0xA;
	s2 =	sadd.s32 s3, s2  }
0x8d: {  	s2 =	sadd.s32 s2, s16  }
0x8e: {  	[smem:$0x3FB6] =	sst s2  }
0x8f: {  	_ = 	snop  }
0x90: {  	(tm) =	ssettm $0x1  }
0x91: {  	s17 =	sld [smem:$0x3FFB];
	_ =	sdelay $0x3  }
0x92: {  	_ =	strace s17  }
0x93: {  	s2 =	sld [smem:$0x3FFC];
	_ =	sdelay $0x3  }
0x94: {  	_ =	strace s2  }
0x95: {  	s2 =	sld [smem:$0x3FFD];
	_ =	sdelay $0x3  }
0x96: {  	_ =	strace s2  }
0x97: {  	_ =	strace $0x8FFFFFFF  }
0x98: {  	s18 =	sld [smem:$0x3FDB];
	_ =	sdelay $0x1  }
0x99: {  	s19 =	simm.s32 $_scs_section_size  }
0x9a: {  	s4 =	simm.s32 $_size__tile_overlayer_lowered;
	s5 =	simm.s32 $_tile_overlayer_lowered  }
0x9b: {  	s22 =	simm.s32 $0x1BFF;
	s21 =	sshll.u32 s5, $0x1;
	s2 =	sadd.s32 s19, s18  }
0x9c: {  	s6 =	simm.s32 $0x0;
	s20 =	sshll.u32 s4, $0x1;
	s4 =	sadd.s32 s21, s2  }
0x9d: {  	[timem:s6], [sflag:s22] =	dma.local [hbm:s4], s20  }
0x9e: {  	_ =	swait.ge [sflag:s22], s20  }
0x9f: {  	s3 =	ssub.s32 $0x0, s20;
	[sflag:s22] =	ssyncset.done $0x0  }
0xa0: {  	[sflag:s22] =	ssyncadd.s32 s3;
	_ =	sdelay $0x1  }
0xa1: {  	s23 =	simm.s32 $0x1B8B  }
0xa2: {  	_ =	swait.ge [sflag:s23], $0x1  }
0xa3: {  	[sflag:s23] =	ssyncset.done $0x0  }
0xa4: {  	s25 =	simm.s32 $0x1B8E;
	s24 =	sld [smem:$0x3FFE];
	[sflag:s23] =	ssyncadd.s32 $0xFFFFFFFF  }
0xa5: {  	s26 =	simm.s32 $execute0_lowered;
	[smem:$0x3FD2] =	sst s25  }
0xa6: {  	s4 =	sshll.u32 s26, $0x1;
	_ =	strace $0x80000049;
	[dreg:$0x1] =	wrdreg $0xFFFFFFFF  }
0xa7: {  	s28 =	simm.s32 $_size_execute0_lowered;
	s2 =	sadd.s32 s2, s4;
	[dreg:$0x0] =	wrdreg $0x0  }
0xa8: {  	s4 =	sshll.u32 s28, $0x1;
	[dreg:$0x2] =	wrdreg s2  }
0xa9: {  	[dreg:$0x3] =	wrdreg s4  }
0xaa: {  	[dreg:$0x4] =	wrdreg $0xC0  }
0xab: {  	_ =	task [dreg:s6], $0x5FFFF  }
0xac: {  	[dreg:$0x1] =	wrdreg $0xFFFFFFFF  }
0xad: {  	[dreg:$0x0] =	wrdreg $0x60  }
0xae: {  	[dreg:$0x2] =	wrdreg s24  }
0xaf: {  	[dreg:$0x3] =	wrdreg $0x85000  }
0xb0: {  	[dreg:$0x4] =	wrdreg $0x9  }
0xb1: {  	_ =	task.clear_ibuf [dreg:s6], $0x5FFFF;
	_ =	strace $0x90000049  }
0xb2: {  	s29 =	simm.s32 $0x9;
	_ =	strace $0x8000004B  }
0xb3: {  	_ =	swait.ge [sflag:s29], $0x1  }
0xb4: {  	[sflag:s29] =	ssyncadd.s32 $0xFFFFFFFF  }
0xb5: {  	_ =	strace $0x9000004B  }
0xb6: {  	_ =	sfence  }
0xb7: {  	s30 =	sld [smem:$0x0];
	_ =	sdelay $0x2  }
0xb8: {  	s31 =	sshll.u32 s1, $0xD;
	s1 =	sshrl.u32 s1, $0x2  }
0xb9: {  	s3 =	sand.u32 $0x4000, s31;
	s1 =	sadd.s32 s1, s30  }
0xba: {  	s0 =	sor.u32 s3, s0;
	s1 =	sshll.u32 s1, $0x11  }
0xbb: {  	s0 =	sor.u32 s1, s0  }
0xbc: {  	s0 =	sadd.s32 $0x8F2B, s0  }
0xbd: {  	[sflag:s0] =	ssyncadd.remote.s32 $0x1  }
0xbe: {  	_ =	sfence.sel $0xFFFF  }
0xbf: {  	[dreg:$0x0] =	wrdreg $0xFFFFFFFF;
	(pc) =	sbr.abs _section_cstart, $3  }
0xc0: {  	[dreg:$0x1] =	wrdreg $0xFFFFFFFF  }
0xc1: {  	_ =	task.clear_ibuf [dreg:s6], $0x2FFFF;
	_ =	strace $0x9FFFFFFF  }
0xc2: {  	(tm) =	ssettm $0x7FFFFFFF  }
0xc3: {  	_ =	shalt  }
tec
execute0_lowered:
.L_overlay_start_1:
0x0: {  	(tag) =	ssettag $0x1  }
0x1: {  	s0 =	rddreg [dreg:$0x0]  }
0x2: {  	s1 =	rddreg [dreg:$0x1];
	s10 =	stileid.u32  }
0x3: {  	s2 =	srdreg.scid;
	s6 =	smul.u32 $0x14000, s10  }
0x4: {  	s3 =	simm.s32 $0x0;
	s28 =	simm.s32 $0x1;
	s7 =	smul.u32 $0x50000, s10  }
0x5: {  	s29 =	simm.s32 $0x80;
	s2 =	sand.u32 $0x1, s2;
	s9 =	smul.u32 $0xA000, s10  }
0x6: {  	s31 =	simm.s32 $0x2;
	[smem:$0x7FF] =	sst s3;
	s22 =	smul.u32 $0x27100, s2  }
0x7: {  	s4 =	sadd.s32 $0x4A00, s0;
	p0 =	seq.s32 s10, $0xF;
	s5 =	smul.u32 $0x140000, s2  }
0x8: {  	_ =	strace $0x8000004A;
	s23 =	ssub.s32 $0x2, s2;
	s2 =	smul.u32 $0x9C400, s2  }
0x9: {  	s8 =	sshrl.u32 s23, $0x1;
	s24 =	sshrl.u32 s7, $0x2;
	s7 =	simm.s32 $0x64  }
0xa: {  	s3 =	sadd.s32 s22, s0;
	s5 =	sadd.s32 s6, s5;
	s6 =	ssub.s32 s23, s8  }
0xb: {  	s2 =	sadd.s32 s9, s2;
	s7 =	simm.s32 @!p0 $0xA0;
	s5 =	sshrl.u32 s5, $0x3  }
0xc: {  	s25 =	sshrl.u32 s2, $0x3;
	s26 =	sor.u32 $0x100, s2;
	s9 =	sor.u32 $0x200, s2  }
0xd: {  	s30 =	sor.u32 $0x300, s2;
	s10 =	sadd.s32 $0x2BC00, s3;
	s14 =	sshrl.u32 s7, $0x2  }
0xe: {  	s13 =	sadd.s32 $0xFFFFFFFE, s7;
	s15 =	sadd.s32 $0xFFFFFFFD, s7;
	[dreg:$0x10] =	wrdreg s14  }
0xf: {  	s16 =	sadd.s32 $0xFFFFFFFC, s7;
	s17 =	smax.u32 s6, $0x1;
	[dreg:$0x3] =	wrdreg s13  }
0x10: {  	s18 =	sadd.s32 $0xFFFFFFFB, s7;
	s20 =	sadd.s32 $0xFFFFFFFA, s7;
	[dreg:$0x4] =	wrdreg s15  }
0x11: {  	s21 =	sadd.s32 $0xFFFFFFF9, s7;
	s22 =	sadd.s32 $0x700, s2;
	[dreg:$0x12] =	wrdreg s17  }
0x12: {  	s23 =	sadd.s32 $0x600, s2;
	s0 =	sadd.s32 s5, s0;
	[dreg:$0x5] =	wrdreg s16  }
0x13: {  	s5 =	sadd.s32 s24, s1;
	s8 =	sadd.s32 s4, s25;
	[dreg:$0x6] =	wrdreg s18  }
0x14: {  	s9 =	sshrl.u32 s9, $0x3;
	s12 =	sshrl.u32 s30, $0x3;
	[dreg:$0x7] =	wrdreg s20  }
0x15: {  	[dreg:$0x8] =	wrdreg s21;
	s24 =	sadd.s32 $0x500, s2;
	s3 =	sshrl.u32 s23, $0x3  }
0x16: {  	s21 =	sadd.s32 $0x400, s2;
	s25 =	simm.s32 $0x180;
	s23 =	simm.s32 $0x7  }
0x17: {  	s30 =	simm.s32 $0x380;
	[dreg:$0xc] =	wrdreg s8;
	s8 =	sshrl.u32 s26, $0x3  }
0x18: {  	s11 =	sadd.s32 s4, s9;
	s0 =	sadd.s32 $0x116E00, s0;
	s19 =	sadd.s32 $0x4000, s5  }
0x19: {  	s15 =	sadd.s32 $0x8000, s5;
	s16 =	sadd.s32 $0xC000, s5;
	[dreg:$0x9] =	wrdreg s25  }
0x1a: {  	s17 =	sadd.s32 $0x10000, s5;
	s6 =	sshrl.u32 s24, $0x3;
	[dreg:$0xb] =	wrdreg s30  }
0x1b: {  	s26 =	simm.s32 $0x280;
	s24 =	simm.s32 $0x5;
	[dreg:$0xe] =	wrdreg s11  }
0x1c: {  	s25 =	simm.s32 $0x6;
	s8 =	sadd.s32 s4, s8;
	[dreg:$0x11] =	wrdreg s0  }
0x1d: {  	[dreg:$0x13] =	wrdreg s19;
	s0 =	sshrl.u32 s22, $0x3;
	s19 =	sadd.s32 s3, s4  }
0x1e: {  	s20 =	sadd.s32 s6, s4;
	s22 =	simm.s32 $0x500;
	[dreg:$0xa] =	wrdreg s26  }
0x1f: {  	s3 =	simm.s32 $0x4500;
	[dreg:$0xd] =	wrdreg s8;
	s8 =	sadd.s32 s4, s12  }
0x20: {  	v0 =	vimm.f32 $0.0e+00;
	s26 =	simm.s32 $0x0;
	s11 =	sadd.s32 s0, s4;
	[dreg:$0xf] =	wrdreg s8  }
.LBB2_1:
0x21: {  	s0 =	simm.s32 $0x0  }
0x22: {  	s2 =	sand.u32 $0xFFFFFF80, s0  }
0x23: {  	s2 =	ssub.s32 $0x0, s2  }
0x24: {  	s6 =	simm.s32 $0x0;
	s0 =	sand.u32 $0x3FFFFF80, s0;
	s2 =	sand.u32 $0xFFFFFF80, s2  }
0x25: {  	s6 =	sand.u32 $0x70, s6;
	s2 =	sadd.s32 s2, s0  }
0x26: {  	s0 =	simm.s32 $0x1;
	s6 =	sor.u32 s6, s2;
	s2 =	simm.s32 $0x0  }
.LBB2_2:
0x27: {  	s7 =	sshll.u32 s0, $0x4;
	p0 =	sne.s32 s0, $0x3FF;
	s0 =	sadd.s32 $0x1, s0;
	[tilespmem:s6+$0x500] =	vst v0  }
.Ltmp0:
0x28: {  	s2 =	sadd.s32 $0x10, s2;
	s6 =	sand.u32 $0xFFFFFF80, s7;
	(pc) =	sbr.rel @p0 .LBB2_2-.Ltmp0, $4  }
0x29: {  	s6 =	ssub.s32 s2, s6  }
0x2a: {  	s7 =	sand.u32 $0x3FFFFF80, s7;
	s6 =	sand.u32 $0xFFFFFF80, s6  }
0x2b: {  	s8 =	sand.u32 $0x70, s2;
	s6 =	sadd.s32 s6, s7  }
0x2c: {  	s6 =	sor.u32 s8, s6  }
0x2d: {  	[tilespmem:s6+$0x500] =	vst v0  }
0x2e: {  	[spmem:s5] =	stream.linear.scatter [tilespmem:s22], [sflag:$0x7], $0x4000, $0x38;
	[tilespmem:$0x1C500] =	vst v63  }
0x2f: {  	_ =	swait.ge [sflag:s23], $0x4000  }
0x30: {  	[sflag:s23] =	ssyncset.done $0x0  }
0x31: {  	s0 =	rddreg [dreg:$0x13];
	[sflag:s23] =	ssyncadd.s32 $0xFFFFC000  }
0x32: {  	[spmem:s0] =	stream.linear.scatter [tilespmem:s22], [sflag:$0x7], $0x4000, $0x38;
	[tilespmem:$0x1C500] =	vst v63  }
0x33: {  	_ =	swait.ge [sflag:s23], $0x4000  }
0x34: {  	[sflag:s23] =	ssyncset.done $0x0  }
0x35: {  	[sflag:s23] =	ssyncadd.s32 $0xFFFFC000  }
0x36: {  	[spmem:s15] =	stream.linear.scatter [tilespmem:s22], [sflag:$0x7], $0x4000, $0x38;
	[tilespmem:$0x1C500] =	vst v63  }
0x37: {  	_ =	swait.ge [sflag:s23], $0x4000  }
0x38: {  	[sflag:s23] =	ssyncset.done $0x0  }
0x39: {  	[sflag:s23] =	ssyncadd.s32 $0xFFFFC000  }
0x3a: {  	[spmem:s16] =	stream.linear.scatter [tilespmem:s22], [sflag:$0x7], $0x4000, $0x38;
	[tilespmem:$0x1C500] =	vst v63  }
0x3b: {  	_ =	swait.ge [sflag:s23], $0x4000  }
0x3c: {  	[sflag:s23] =	ssyncset.done $0x0  }
0x3d: {  	[sflag:s23] =	ssyncadd.s32 $0xFFFFC000  }
0x3e: {  	[spmem:s17] =	stream.linear.scatter [tilespmem:s22], [sflag:$0x7], $0x4000, $0x38;
	[tilespmem:$0x1C500] =	vst v63  }
0x3f: {  	_ =	swait.ge [sflag:s23], $0x4000  }
0x40: {  	[sflag:s23] =	ssyncset.done $0x0  }
0x41: {  	[sflag:s23] =	ssyncadd.s32 $0xFFFFC000  }
0x42: {  	[bflag:$0x0] =	sbarrier.arrive $0xFFFF  }
0x43: {  	s30 =	simm.s32 $0x0;
	s7 =	rddreg [dreg:$0xc]  }
0x44: {  	[tilespmem:s30], [sflag:$0x1] =	stream.linear.gather [hbm4b:s7+s30], $0x100, $0x38;
	[tilespmem:$0x1C500] =	vst v63  }
0x45: {  	s2 =	simm.s32 $0x100;
	s8 =	rddreg [dreg:$0xd]  }
0x46: {  	[tilespmem:s2], [sflag:$0x2] =	stream.linear.gather [hbm4b:s8+s30], $0x100, $0x38;
	[tilespmem:$0x1C500] =	vst v63  }
0x47: {  	s12 =	simm.s32 $0x200;
	s9 =	rddreg [dreg:$0xe]  }
0x48: {  	[tilespmem:s12], [sflag:$0x3] =	stream.linear.gather [hbm4b:s9+s30], $0x100, $0x38;
	[tilespmem:$0x1C500] =	vst v63  }
0x49: {  	s14 =	simm.s32 $0x300;
	s13 =	rddreg [dreg:$0xf]  }
0x4a: {  	[tilespmem:s14], [sflag:$0x4] =	stream.linear.gather [hbm4b:s13+s30], $0x100, $0x38;
	[tilespmem:$0x1C500] =	vst v63  }
0x4b: {  	_ =	swait.ge [sflag:s28], $0x100  }
0x4c: {  	[sflag:s28] =	ssyncset.done $0x0  }
0x4d: {  	[sflag:s28] =	ssyncadd.s32 $0xFFFFFF00  }
0x4e: {  	v1 =	vld [tilespmem:$0x0]  }
0x4f: {  	v2 =	vld [tilespmem:$0x10]  }
0x50: {  	v3 =	vld [tilespmem:$0x20]  }
0x51: {  	v4 =	vld [tilespmem:$0x30]  }
0x52: {  	v5 =	vld [tilespmem:$0x40]  }
0x53: {  	[tilespmem:$0x400] =	vst v1;
	v1 =	vld [tilespmem:$0x50]  }
0x54: {  	[tilespmem:$0x410] =	vst v2;
	v2 =	vld [tilespmem:$0x60]  }
0x55: {  	[tilespmem:$0x420] =	vst v3;
	v3 =	vld [tilespmem:$0x70]  }
0x56: {  	[tilespmem:$0x430] =	vst v4  }
0x57: {  	[tilespmem:$0x440] =	vst v5  }
0x58: {  	[tilespmem:$0x450] =	vst v1  }
0x59: {  	[tilespmem:$0x460] =	vst v2  }
0x5a: {  	s18 =	simm.s32 $0x400;
	[tilespmem:$0x470] =	vst v3  }
0x5b: {  	[tilespmem:s22], [sflag:$0x5] =	stream.indirect.gather [hbm4b:s10+s29], $0x80, s18, s29, $0xb8;
	[tilespmem:$0x1C500] =	vst v63  }
0x5c: {  	_ =	swait.ge [sflag:s31], $0x100  }
0x5d: {  	[sflag:s31] =	ssyncset.done $0x0  }
0x5e: {  	[sflag:s31] =	ssyncadd.s32 $0xFFFFFF00  }
0x5f: {  	v1 =	vld [tilespmem:$0x100]  }
0x60: {  	v2 =	vld [tilespmem:$0x110]  }
0x61: {  	v3 =	vld [tilespmem:$0x120]  }
0x62: {  	v4 =	vld [tilespmem:$0x130]  }
0x63: {  	v5 =	vld [tilespmem:$0x140]  }
0x64: {  	[tilespmem:$0x480] =	vst v1;
	v1 =	vld [tilespmem:$0x150]  }
0x65: {  	[tilespmem:$0x490] =	vst v2;
	v2 =	vld [tilespmem:$0x160]  }
0x66: {  	[tilespmem:$0x4A0] =	vst v3;
	v3 =	vld [tilespmem:$0x170]  }
0x67: {  	[tilespmem:$0x4B0] =	vst v4  }
0x68: {  	[tilespmem:$0x4C0] =	vst v5  }
0x69: {  	[tilespmem:$0x4D0] =	vst v1  }
0x6a: {  	[tilespmem:$0x4E0] =	vst v2  }
0x6b: {  	s2 =	simm.s32 $0x480;
	[tilespmem:$0x4F0] =	vst v3  }
0x6c: {  	[tilespmem:s3], [sflag:$0x6] =	stream.indirect.gather [hbm4b:s10+s29], $0x80, s2, s29, $0xb8;
	[tilespmem:$0x1C500] =	vst v63  }
0x6d: {  	_ =	swait.ge [sflag:s24], $0x4000  }
0x6e: {  	[sflag:s24] =	ssyncset.done $0x0  }
0x6f: {  	[sflag:s24] =	ssyncadd.s32 $0xFFFFC000  }
0x70: {  	[spmem:s1] =	stream.indirect.scatter.add.f32 [tilespmem:s22], [sflag:$0x7], $0x80, s29, s29, $0xb8;
	[tilespmem:$0x1C500] =	vst v63  }
0x71: {  	_ =	swait.ge [sflag:s23], $0x4000  }
0x72: {  	s6 =	rddreg [dreg:$0x5]  }
0x73: {  	s7 =	rddreg [dreg:$0x3];
	[sflag:s23] =	ssyncset.done $0x0;
	p0 =	sle.u32 s6, $0x0  }
0x74: {  	p1 =	sle.u32 s7, $0x0;
	[sflag:s23] =	ssyncadd.s32 $0xFFFFC000;
	s0 =	sshrl.u32 @!p0 s21, $0x3  }
0x75: {  	s2 =	simm.s32 @!p1 $0x3;
	s6 =	simm.s32 @!p0 $0x0;
	s0 =	sadd.s32 @!p0 s4, s0  }
0x76: {  	[tilespmem:s6], [sflag:$0x1] =	stream.linear.gather @!p0 [hbm4b:s0+s6], $0x100, $0x38;
	[tilespmem:$0x1C500] =	vst v63  }
0x77: {  	_ =	swait.ge @!p1 [sflag:s2], $0x100  }
0x78: {  	[sflag:s2] =	ssyncset.done @!p1 $0x0  }
0x79: {  	[sflag:s2] =	ssyncadd.s32 @!p1 $0xFFFFFF00  }
0x7a: {  	v1 =	vld @!p1 [tilespmem:$0x270]  }
0x7b: {  	v2 =	vld @!p1 [tilespmem:$0x230]  }
0x7c: {  	v3 =	vld @!p1 [tilespmem:$0x260]  }
0x7d: {  	v4 =	vld @!p1 [tilespmem:$0x250]  }
0x7e: {  	v5 =	vld @!p1 [tilespmem:$0x240]  }
0x7f: {  	v6 =	vld @!p1 [tilespmem:$0x220];
	[tilespmem:$0x470] =	vst @!p1 v1  }
0x80: {  	v1 =	vld @!p1 [tilespmem:$0x200];
	[tilespmem:$0x430] =	vst @!p1 v2  }
0x81: {  	v2 =	vld @!p1 [tilespmem:$0x210];
	[tilespmem:$0x460] =	vst @!p1 v3  }
0x82: {  	[tilespmem:$0x450] =	vst @!p1 v4  }
0x83: {  	[tilespmem:$0x440] =	vst @!p1 v5  }
0x84: {  	[tilespmem:$0x420] =	vst @!p1 v6  }
0x85: {  	[tilespmem:$0x400] =	vst @!p1 v1  }
0x86: {  	s0 =	simm.s32 @!p1 $0x80;
	s6 =	simm.s32 @!p1 $0x500;
	s2 =	simm.s32 @!p1 $0x400;
	[tilespmem:$0x410] =	vst @!p1 v2  }
0x87: {  	[tilespmem:s6], [sflag:$0x5] =	stream.indirect.gather @!p1 [hbm4b:s10+s0], $0x80, s2, s0, $0xb8;
	[tilespmem:$0x1C500] =	vst v63  }
0x88: {  	_ =	swait.ge [sflag:s25], $0x4000  }
0x89: {  	[sflag:s25] =	ssyncset.done $0x0  }
0x8a: {  	s8 =	rddreg [dreg:$0x9];
	[sflag:s25] =	ssyncadd.s32 $0xFFFFC000  }
0x8b: {  	[spmem:s1] =	stream.indirect.scatter.add.f32 [tilespmem:s3], [sflag:$0x7], $0x80, s8, s29, $0xb8;
	[tilespmem:$0x1C500] =	vst v63  }
0x8c: {  	_ =	swait.ge [sflag:s23], $0x4000  }
0x8d: {  	s9 =	rddreg [dreg:$0x6];
	[sflag:s23] =	ssyncset.done $0x0  }
0x8e: {  	s12 =	rddreg [dreg:$0x4];
	[sflag:s23] =	ssyncadd.s32 $0xFFFFC000;
	p1 =	sle.u32 s9, $0x0  }
0x8f: {  	p2 =	sle.u32 s12, $0x0;
	s0 =	simm.s32 @!p1 $0x0;
	s6 =	simm.s32 @!p1 $0x100  }
0x90: {  	[tilespmem:s6], [sflag:$0x2] =	stream.linear.gather @!p1 [hbm4b:s20+s0], $0x100, $0x38;
	[tilespmem:$0x1C500] =	vst v63  }
0x91: {  	s0 =	simm.s32 @!p2 $0x4  }
0x92: {  	_ =	swait.ge @!p2 [sflag:s0], $0x100  }
0x93: {  	[sflag:s0] =	ssyncset.done @!p2 $0x0  }
0x94: {  	[sflag:s0] =	ssyncadd.s32 @!p2 $0xFFFFFF00  }
0x95: {  	v1 =	vld @!p2 [tilespmem:$0x370]  }
0x96: {  	v2 =	vld @!p2 [tilespmem:$0x350]  }
0x97: {  	v3 =	vld @!p2 [tilespmem:$0x330]  }
0x98: {  	v4 =	vld @!p2 [tilespmem:$0x360]  }
0x99: {  	v5 =	vld @!p2 [tilespmem:$0x340]  }
0x9a: {  	v6 =	vld @!p2 [tilespmem:$0x300];
	[tilespmem:$0x4F0] =	vst @!p2 v1  }
0x9b: {  	v1 =	vld @!p2 [tilespmem:$0x310];
	[tilespmem:$0x4D0] =	vst @!p2 v2  }
0x9c: {  	v2 =	vld @!p2 [tilespmem:$0x320];
	[tilespmem:$0x4B0] =	vst @!p2 v3  }
0x9d: {  	[tilespmem:$0x4E0] =	vst @!p2 v4  }
0x9e: {  	[tilespmem:$0x4C0] =	vst @!p2 v5  }
0x9f: {  	[tilespmem:$0x480] =	vst @!p2 v6  }
0xa0: {  	[tilespmem:$0x490] =	vst @!p2 v1  }
0xa1: {  	s2 =	simm.s32 @!p2 $0x480;
	s6 =	simm.s32 @!p2 $0x4500;
	s0 =	simm.s32 @!p2 $0x80;
	[tilespmem:$0x4A0] =	vst @!p2 v2  }
0xa2: {  	[tilespmem:s6], [sflag:$0x6] =	stream.indirect.gather @!p2 [hbm4b:s10+s0], $0x80, s2, s0, $0xb8;
	[tilespmem:$0x1C500] =	vst v63  }
0xa3: {  	_ =	swait.ge [sflag:s24], $0x4000  }
0xa4: {  	[sflag:s24] =	ssyncset.done $0x0  }
0xa5: {  	s13 =	rddreg [dreg:$0xa];
	[sflag:s24] =	ssyncadd.s32 $0xFFFFC000  }
0xa6: {  	[spmem:s1] =	stream.indirect.scatter.add.f32 [tilespmem:s22], [sflag:$0x7], $0x80, s13, s29, $0xb8;
	[tilespmem:$0x1C500] =	vst v63  }
0xa7: {  	_ =	swait.ge [sflag:s23], $0x4000  }
0xa8: {  	s14 =	rddreg [dreg:$0x7]  }
0xa9: {  	s0 =	simm.s32 @!p0 $0x1;
	[sflag:s23] =	ssyncset.done $0x0;
	p2 =	sle.u32 s14, $0x0  }
0xaa: {  	[sflag:s23] =	ssyncadd.s32 $0xFFFFC000;
	s2 =	simm.s32 @!p2 $0x0;
	s6 =	simm.s32 @!p2 $0x200  }
0xab: {  	[tilespmem:s6], [sflag:$0x3] =	stream.linear.gather @!p2 [hbm4b:s19+s2], $0x100, $0x38;
	[tilespmem:$0x1C500] =	vst v63  }
0xac: {  	_ =	swait.ge @!p0 [sflag:s0], $0x100  }
0xad: {  	[sflag:s0] =	ssyncset.done @!p0 $0x0  }
0xae: {  	[sflag:s0] =	ssyncadd.s32 @!p0 $0xFFFFFF00  }
0xaf: {  	s18 =	rddreg [dreg:$0x10];
	v4 =	vld @!p0 [tilespmem:$0x60]  }
0xb0: {  	s2 =	sadd.s32 $0xFFFFFFFF, s18;
	v5 =	vld @!p0 [tilespmem:$0x30]  }
0xb1: {  	v6 =	vld @!p0 [tilespmem:$0x50];
	p2 =	sne.s32 s2, $0x0  }
.Ltmp1:
0xb2: {  	v3 =	vld @!p0 [tilespmem:$0x40];
	(pc) =	sbr.rel @!p2 .LBB2_5-.Ltmp1, $4  }
0xb3: {  	v1 =	vld @!p0 [tilespmem:$0x70]  }
0xb4: {  	v2 =	vld @!p0 [tilespmem:$0x0];
	[tilespmem:$0x460] =	vst @!p0 v4  }
0xb5: {  	s7 =	sadd.s32 $0x80, s20;
	s8 =	sadd.s32 $0x400, s21;
	s9 =	simm.s32 $0x0;
	v4 =	vld @!p0 [tilespmem:$0x20];
	[tilespmem:$0x430] =	vst @!p0 v5  }
0xb6: {  	s6 =	sadd.s32 $0x80, s19;
	s0 =	smov.u32 s11;
	s18 =	smov.u32 s11;
	v5 =	vld @!p0 [tilespmem:$0x10];
	[tilespmem:$0x450] =	vst @!p0 v6  }
.LBB2_4:
0xb7: {  	[tilespmem:$0x440] =	vst @!p0 v3  }
0xb8: {  	[tilespmem:$0x470] =	vst @!p0 v1  }
0xb9: {  	[tilespmem:$0x400] =	vst @!p0 v2  }
0xba: {  	[tilespmem:$0x420] =	vst @!p0 v4  }
0xbb: {  	s12 =	simm.s32 @!p0 $0x80;
	s13 =	simm.s32 @!p0 $0x400;
	s14 =	simm.s32 @!p0 $0x500;
	[tilespmem:$0x410] =	vst @!p0 v5  }
0xbc: {  	[tilespmem:s14], [sflag:$0x5] =	stream.indirect.gather @!p0 [hbm4b:s10+s12], $0x80, s13, s12, $0xb8;
	[tilespmem:$0x1C500] =	vst v63  }
0xbd: {  	_ =	swait.ge [sflag:s25], $0x4000  }
0xbe: {  	[sflag:s25] =	ssyncset.done $0x0  }
0xbf: {  	s13 =	rddreg [dreg:$0xb];
	[sflag:s25] =	ssyncadd.s32 $0xFFFFC000  }
0xc0: {  	[spmem:s1] =	stream.indirect.scatter.add.f32 [tilespmem:s3], [sflag:$0x7], $0x80, s13, s29, $0xb8;
	[tilespmem:$0x1C500] =	vst v63  }
0xc1: {  	_ =	swait.ge [sflag:s23], $0x4000  }
0xc2: {  	s14 =	rddreg [dreg:$0x8]  }
0xc3: {  	s12 =	simm.s32 @!p1 $0x2;
	[sflag:s23] =	ssyncset.done $0x0;
	p0 =	sge.u32 s30, s14  }
0xc4: {  	[sflag:s23] =	ssyncadd.s32 $0xFFFFC000;
	s13 =	simm.s32 @!p0 $0x0;
	s14 =	simm.s32 @!p0 $0x300  }
0xc5: {  	[tilespmem:s14], [sflag:$0x4] =	stream.linear.gather @!p0 [hbm4b:s18+s13], $0x100, $0x38;
	[tilespmem:$0x1C500] =	vst v63  }
0xc6: {  	_ =	swait.ge @!p1 [sflag:s12], $0x100  }
0xc7: {  	[sflag:s12] =	ssyncset.done @!p1 $0x0  }
0xc8: {  	[sflag:s12] =	ssyncadd.s32 @!p1 $0xFFFFFF00  }
0xc9: {  	v1 =	vld @!p1 [tilespmem:$0x100]  }
0xca: {  	v2 =	vld @!p1 [tilespmem:$0x110]  }
0xcb: {  	v3 =	vld @!p1 [tilespmem:$0x120]  }
0xcc: {  	v4 =	vld @!p1 [tilespmem:$0x150]  }
0xcd: {  	v5 =	vld @!p1 [tilespmem:$0x170]  }
0xce: {  	[tilespmem:$0x480] =	vst @!p1 v1;
	v1 =	vld @!p1 [tilespmem:$0x160]  }
0xcf: {  	[tilespmem:$0x490] =	vst @!p1 v2;
	v2 =	vld @!p1 [tilespmem:$0x130]  }
0xd0: {  	[tilespmem:$0x4A0] =	vst @!p1 v3;
	v3 =	vld @!p1 [tilespmem:$0x140]  }
0xd1: {  	[tilespmem:$0x4D0] =	vst @!p1 v4  }
0xd2: {  	[tilespmem:$0x4F0] =	vst @!p1 v5  }
0xd3: {  	[tilespmem:$0x4E0] =	vst @!p1 v1  }
0xd4: {  	[tilespmem:$0x4B0] =	vst @!p1 v2  }
0xd5: {  	s13 =	simm.s32 @!p1 $0x480;
	s14 =	simm.s32 @!p1 $0x4500;
	s12 =	simm.s32 @!p1 $0x80;
	[tilespmem:$0x4C0] =	vst @!p1 v3  }
0xd6: {  	[tilespmem:s14], [sflag:$0x6] =	stream.indirect.gather @!p1 [hbm4b:s10+s12], $0x80, s13, s12, $0xb8;
	[tilespmem:$0x1C500] =	vst v63  }
0xd7: {  	_ =	swait.ge [sflag:s24], $0x4000  }
0xd8: {  	[sflag:s24] =	ssyncset.done $0x0  }
0xd9: {  	[sflag:s24] =	ssyncadd.s32 $0xFFFFC000  }
0xda: {  	[spmem:s1] =	stream.indirect.scatter.add.f32 [tilespmem:s22], [sflag:$0x7], $0x80, s29, s29, $0xb8;
	[tilespmem:$0x1C500] =	vst v63  }
0xdb: {  	_ =	swait.ge [sflag:s23], $0x4000  }
0xdc: {  	s9 =	sadd.s32 $0x4, s9;
	s14 =	rddreg [dreg:$0x5]  }
0xdd: {  	s13 =	rddreg [dreg:$0x3];
	[sflag:s23] =	ssyncset.done $0x0;
	p0 =	sge.u32 s9, s14  }
0xde: {  	p1 =	sge.u32 s9, s13;
	[sflag:s23] =	ssyncadd.s32 $0xFFFFC000;
	s13 =	sshrl.u32 @!p0 s8, $0x3  }
0xdf: {  	s12 =	simm.s32 @!p1 $0x3;
	s14 =	simm.s32 @!p0 $0x0;
	s13 =	sadd.s32 @!p0 s4, s13  }
0xe0: {  	[tilespmem:s14], [sflag:$0x1] =	stream.linear.gather @!p0 [hbm4b:s13+s14], $0x100, $0x38;
	[tilespmem:$0x1C500] =	vst v63  }
0xe1: {  	_ =	swait.ge @!p1 [sflag:s12], $0x100  }
0xe2: {  	[sflag:s12] =	ssyncset.done @!p1 $0x0  }
0xe3: {  	[sflag:s12] =	ssyncadd.s32 @!p1 $0xFFFFFF00  }
0xe4: {  	v1 =	vld @!p1 [tilespmem:$0x270]  }
0xe5: {  	v2 =	vld @!p1 [tilespmem:$0x230]  }
0xe6: {  	v3 =	vld @!p1 [tilespmem:$0x260]  }
0xe7: {  	v4 =	vld @!p1 [tilespmem:$0x250]  }
0xe8: {  	v5 =	vld @!p1 [tilespmem:$0x240]  }
0xe9: {  	v6 =	vld @!p1 [tilespmem:$0x220];
	[tilespmem:$0x470] =	vst @!p1 v1  }
0xea: {  	v1 =	vld @!p1 [tilespmem:$0x200];
	[tilespmem:$0x430] =	vst @!p1 v2  }
0xeb: {  	v2 =	vld @!p1 [tilespmem:$0x210];
	[tilespmem:$0x460] =	vst @!p1 v3  }
0xec: {  	[tilespmem:$0x450] =	vst @!p1 v4  }
0xed: {  	[tilespmem:$0x440] =	vst @!p1 v5  }
0xee: {  	[tilespmem:$0x420] =	vst @!p1 v6  }
0xef: {  	[tilespmem:$0x400] =	vst @!p1 v1  }
0xf0: {  	s13 =	simm.s32 @!p1 $0x400;
	s14 =	simm.s32 @!p1 $0x500;
	s12 =	simm.s32 @!p1 $0x80;
	[tilespmem:$0x410] =	vst @!p1 v2  }
0xf1: {  	[tilespmem:s14], [sflag:$0x5] =	stream.indirect.gather @!p1 [hbm4b:s10+s12], $0x80, s13, s12, $0xb8;
	[tilespmem:$0x1C500] =	vst v63  }
0xf2: {  	_ =	swait.ge [sflag:s25], $0x4000  }
0xf3: {  	[sflag:s25] =	ssyncset.done $0x0  }
0xf4: {  	s13 =	rddreg [dreg:$0x9];
	[sflag:s25] =	ssyncadd.s32 $0xFFFFC000  }
0xf5: {  	[spmem:s1] =	stream.indirect.scatter.add.f32 [tilespmem:s3], [sflag:$0x7], $0x80, s13, s29, $0xb8;
	[tilespmem:$0x1C500] =	vst v63  }
0xf6: {  	_ =	swait.ge [sflag:s23], $0x4000  }
0xf7: {  	[sflag:s23] =	ssyncset.done $0x0;
	s14 =	rddreg [dreg:$0x6]  }
0xf8: {  	s13 =	rddreg [dreg:$0x4];
	[sflag:s23] =	ssyncadd.s32 $0xFFFFC000;
	p1 =	sge.u32 s9, s14  }
0xf9: {  	p3 =	sge.u32 s9, s13;
	s12 =	simm.s32 @!p1 $0x0;
	s14 =	simm.s32 @!p1 $0x100  }
0xfa: {  	[tilespmem:s14], [sflag:$0x2] =	stream.linear.gather @!p1 [hbm4b:s7+s12], $0x100, $0x38;
	[tilespmem:$0x1C500] =	vst v63  }
0xfb: {  	s12 =	simm.s32 @!p3 $0x4  }
0xfc: {  	_ =	swait.ge @!p3 [sflag:s12], $0x100  }
0xfd: {  	[sflag:s12] =	ssyncset.done @!p3 $0x0  }
0xfe: {  	[sflag:s12] =	ssyncadd.s32 @!p3 $0xFFFFFF00  }
0xff: {  	v1 =	vld @!p3 [tilespmem:$0x370]  }
0x100: {  	v2 =	vld @!p3 [tilespmem:$0x350]  }
0x101: {  	v3 =	vld @!p3 [tilespmem:$0x330]  }
0x102: {  	v4 =	vld @!p3 [tilespmem:$0x360]  }
0x103: {  	v5 =	vld @!p3 [tilespmem:$0x340]  }
0x104: {  	v6 =	vld @!p3 [tilespmem:$0x300];
	[tilespmem:$0x4F0] =	vst @!p3 v1  }
0x105: {  	v1 =	vld @!p3 [tilespmem:$0x310];
	[tilespmem:$0x4D0] =	vst @!p3 v2  }
0x106: {  	v2 =	vld @!p3 [tilespmem:$0x320];
	[tilespmem:$0x4B0] =	vst @!p3 v3  }
0x107: {  	[tilespmem:$0x4E0] =	vst @!p3 v4  }
0x108: {  	[tilespmem:$0x4C0] =	vst @!p3 v5  }
0x109: {  	[tilespmem:$0x480] =	vst @!p3 v6  }
0x10a: {  	[tilespmem:$0x490] =	vst @!p3 v1  }
0x10b: {  	s13 =	simm.s32 @!p3 $0x480;
	s14 =	simm.s32 @!p3 $0x4500;
	s12 =	simm.s32 @!p3 $0x80;
	[tilespmem:$0x4A0] =	vst @!p3 v2  }
0x10c: {  	[tilespmem:s14], [sflag:$0x6] =	stream.indirect.gather @!p3 [hbm4b:s10+s12], $0x80, s13, s12, $0xb8;
	[tilespmem:$0x1C500] =	vst v63  }
0x10d: {  	_ =	swait.ge [sflag:s24], $0x4000  }
0x10e: {  	[sflag:s24] =	ssyncset.done $0x0  }
0x10f: {  	s13 =	rddreg [dreg:$0xa];
	[sflag:s24] =	ssyncadd.s32 $0xFFFFC000  }
0x110: {  	[spmem:s1] =	stream.indirect.scatter.add.f32 [tilespmem:s22], [sflag:$0x7], $0x80, s13, s29, $0xb8;
	[tilespmem:$0x1C500] =	vst v63  }
0x111: {  	_ =	swait.ge [sflag:s23], $0x4000  }
0x112: {  	s14 =	rddreg [dreg:$0x7]  }
0x113: {  	s12 =	simm.s32 @!p0 $0x1;
	[sflag:s23] =	ssyncset.done $0x0;
	p3 =	sge.u32 s9, s14  }
0x114: {  	[sflag:s23] =	ssyncadd.s32 $0xFFFFC000;
	s13 =	simm.s32 @!p3 $0x0;
	s14 =	simm.s32 @!p3 $0x200  }
0x115: {  	[tilespmem:s14], [sflag:$0x3] =	stream.linear.gather @!p3 [hbm4b:s6+s13], $0x100, $0x38;
	[tilespmem:$0x1C500] =	vst v63  }
0x116: {  	_ =	swait.ge @!p0 [sflag:s12], $0x100  }
0x117: {  	[sflag:s12] =	ssyncset.done @!p0 $0x0  }
0x118: {  	[sflag:s12] =	ssyncadd.s32 @!p0 $0xFFFFFF00  }
0x119: {  	v4 =	vld @!p0 [tilespmem:$0x60]  }
0x11a: {  	s2 =	sadd.s32 $0xFFFFFFFF, s2;
	v5 =	vld @!p0 [tilespmem:$0x30]  }
0x11b: {  	p2 =	sne.s32 s2, $0x0;
	v6 =	vld @!p0 [tilespmem:$0x50]  }
.Ltmp2:
0x11c: {  	v3 =	vld @!p0 [tilespmem:$0x40];
	(pc) =	sbr.rel @p2 .LBB2_4-.Ltmp2, $4  }
0x11d: {  	v1 =	vld @!p0 [tilespmem:$0x70]  }
0x11e: {  	s0 =	sadd.s32 $0x80, s0;
	v2 =	vld @!p0 [tilespmem:$0x0];
	[tilespmem:$0x460] =	vst @!p0 v4  }
0x11f: {  	s30 =	smov.u32 s9;
	s18 =	smov.u32 s0;
	v4 =	vld @!p0 [tilespmem:$0x20];
	[tilespmem:$0x430] =	vst @!p0 v5  }
0x120: {  	s8 =	sadd.s32 $0x400, s8;
	s7 =	sadd.s32 $0x80, s7;
	s6 =	sadd.s32 $0x80, s6;
	v5 =	vld @!p0 [tilespmem:$0x10];
	[tilespmem:$0x450] =	vst @!p0 v6  }
.LBB2_5:
0x121: {  	[tilespmem:$0x440] =	vst @!p0 v3  }
0x122: {  	[tilespmem:$0x470] =	vst @!p0 v1  }
0x123: {  	[tilespmem:$0x400] =	vst @!p0 v2  }
0x124: {  	[tilespmem:$0x420] =	vst @!p0 v4  }
0x125: {  	s0 =	simm.s32 @!p0 $0x80;
	s2 =	simm.s32 @!p0 $0x400;
	s6 =	simm.s32 @!p0 $0x500;
	[tilespmem:$0x410] =	vst @!p0 v5  }
0x126: {  	[tilespmem:s6], [sflag:$0x5] =	stream.indirect.gather @!p0 [hbm4b:s10+s0], $0x80, s2, s0, $0xb8;
	[tilespmem:$0x1C500] =	vst v63  }
0x127: {  	_ =	swait.ge [sflag:s25], $0x4000  }
0x128: {  	[sflag:s25] =	ssyncset.done $0x0  }
0x129: {  	s9 =	rddreg [dreg:$0xb];
	[sflag:s25] =	ssyncadd.s32 $0xFFFFC000  }
0x12a: {  	[spmem:s1] =	stream.indirect.scatter.add.f32 [tilespmem:s3], [sflag:$0x7], $0x80, s9, s29, $0xb8;
	[tilespmem:$0x1C500] =	vst v63  }
0x12b: {  	_ =	swait.ge [sflag:s23], $0x4000  }
0x12c: {  	s12 =	rddreg [dreg:$0x8]  }
0x12d: {  	s0 =	simm.s32 @!p1 $0x2;
	[sflag:s23] =	ssyncset.done $0x0;
	p0 =	sge.u32 s30, s12  }
0x12e: {  	[sflag:s23] =	ssyncadd.s32 $0xFFFFC000;
	s2 =	simm.s32 @!p0 $0x0;
	s6 =	simm.s32 @!p0 $0x300  }
0x12f: {  	[tilespmem:s6], [sflag:$0x4] =	stream.linear.gather @!p0 [hbm4b:s18+s2], $0x100, $0x38;
	[tilespmem:$0x1C500] =	vst v63  }
0x130: {  	_ =	swait.ge @!p1 [sflag:s0], $0x100  }
0x131: {  	[sflag:s0] =	ssyncset.done @!p1 $0x0  }
0x132: {  	[sflag:s0] =	ssyncadd.s32 @!p1 $0xFFFFFF00  }
0x133: {  	v1 =	vld @!p1 [tilespmem:$0x100]  }
0x134: {  	v2 =	vld @!p1 [tilespmem:$0x110]  }
0x135: {  	v3 =	vld @!p1 [tilespmem:$0x120]  }
0x136: {  	v4 =	vld @!p1 [tilespmem:$0x150]  }
0x137: {  	v5 =	vld @!p1 [tilespmem:$0x170]  }
0x138: {  	[tilespmem:$0x480] =	vst @!p1 v1;
	v1 =	vld @!p1 [tilespmem:$0x160]  }
0x139: {  	[tilespmem:$0x490] =	vst @!p1 v2;
	v2 =	vld @!p1 [tilespmem:$0x130]  }
0x13a: {  	[tilespmem:$0x4A0] =	vst @!p1 v3;
	v3 =	vld @!p1 [tilespmem:$0x140]  }
0x13b: {  	[tilespmem:$0x4D0] =	vst @!p1 v4  }
0x13c: {  	[tilespmem:$0x4F0] =	vst @!p1 v5  }
0x13d: {  	[tilespmem:$0x4E0] =	vst @!p1 v1  }
0x13e: {  	s13 =	stileid.u32;
	[tilespmem:$0x4B0] =	vst @!p1 v2  }
0x13f: {  	s2 =	simm.s32 @!p1 $0x480;
	s6 =	simm.s32 @!p1 $0x4500;
	s0 =	simm.s32 @!p1 $0x80;
	[tilespmem:$0x4C0] =	vst @!p1 v3  }
0x140: {  	[tilespmem:s6], [sflag:$0x6] =	stream.indirect.gather @!p1 [hbm4b:s10+s0], $0x80, s2, s0, $0xb8;
	[tilespmem:$0x1C500] =	vst v63  }
0x141: {  	s0 =	sshll.u32 s13, $0x6;
	[bflag:$0x0] =	sbarrier.arrive $0xFFFF  }
0x142: {  	s14 =	sshrl.u32 s5, $0x3;
	s0 =	sor.u32 $0x1C07, s0;
	s18 =	rddreg [dreg:$0x11]  }
0x143: {  	[hbm:s18], [sflag:s0] =	dma.local [spmem:s14], $0x2800  }
0x144: {  	_ =	swait.ge [sflag:s23], $0x2800  }
0x145: {  	s26 =	sadd.s32 $0x1, s26;
	s30 =	rddreg [dreg:$0x12]  }
0x146: {  	p0 =	sne.s32 s26, s30  }
.Ltmp3:
0x147: {  	_ = 	snop;
	(pc) =	sbr.rel @p0 .LBB2_1-.Ltmp3, $3  }
0x148: {  	_ =	sdelay $0x1  }
0x149: {  	[sflag:s23] =	ssyncset.done $0x0  }
0x14a: {  	[sflag:s23] =	ssyncadd.s32 $0xFFFFD800  }
0x14b: {  	_ =	sfence.sel $0x180000  }
0x14c: {  	[bflag:$0x0] =	sbarrier.arrive $0xFFFF  }
0x14d: {  	_ =	strace $0x9000004A  }
0x14e: {  	s0 =	stileid.u32;
	[bflag:$0x2] =	sbarrier.arrive $0xFFFF  }
0x14f: {  	p0 =	sne.s32 s0, $0x0;
	s0 =	rddreg [dreg:$0x2]  }
0x150: {  	s0 =	sadd.s32 @!p0 $0x100000, s0  }
0x151: {  	[sflag:s0] =	ssyncadd.tile.s32 @!p0 $0x1;
	_ =	shalt  }
.Lfunc_end2:
_tile_overlayer_lowered:
.L_overlay_start_2:
0x152: {  	(tag) =	ssettag $0x2  }
0x153: {  	s0 =	rddreg [dreg:$0x0];
	s2 =	stileid.u32  }
0x154: {  	s1 =	rddreg [dreg:$0x1];
	p0 =	sne.s32 s2, $0x0  }
0x155: {  	s3 =	rddreg [dreg:$0x2];
	[bflag:$0x3] =	sbarrier.arrive $0xFFFF;
	s2 =	simm.s32 @!p0 $0x1C07  }
0x156: {  	[timem:s3], [sflag:s2] =	dma.local @!p0 [hbm:s0], s1  }
0x157: {  	s0 =	simm.s32 @!p0 $0x7  }
0x158: {  	_ =	swait.ge @!p0 [sflag:s0], s1  }
0x159: {  	s1 =	ssub.s32 @!p0 $0x0, s1;
	[sflag:s0] =	ssyncset.done @!p0 $0x0  }
0x15a: {  	[sflag:s0] =	ssyncadd.s32 @!p0 s1  }
0x15b: {  	[bflag:$0x3] =	sbarrier.arrive $0xFFFF  }
0x15c: {  	_ =	shalt  }

</sc_bundles>
